<compile_context>
chip_gen: v7x
topology: tpu7x:2x2x1
jax: 0.10.2.dev20260603
libtpu: 0.0.44.dev20260713+nightly
codegen_flags: <defaults>
</compile_context>

<pallas_src>
import functools

import jax
import jax.numpy as jnp
from jax import lax
from jax.experimental import pallas as pl
from jax.experimental.pallas import tpu as pltpu
from jax.experimental.pallas import tpu_sc as plsc

VOCAB = 1000000
EMBED = 32
BATCH = 16384
FIELDS = 26

NW = 32
TOTAL = BATCH * FIELDS
RPW = TOTAL // NW
CHUNK = 512
NCHUNK = RPW // CHUNK
BPW = RPW // 128

_mesh = plsc.VectorSubcoreMesh(core_axis_name="c", subcore_axis_name="s")


@functools.partial(
    pl.kernel,
    mesh=_mesh,
    compiler_params=pltpu.CompilerParams(use_tc_tiling_on_sc=False,
                                         needs_layout_passes=False),
    out_type=jax.ShapeDtypeStruct((TOTAL * EMBED,), jnp.float32),
    scratch_types=[
        pltpu.VMEM((RPW,), jnp.int32),
        pltpu.VMEM((CHUNK, EMBED), jnp.float32),
        pltpu.VMEM((CHUNK, EMBED), jnp.float32),
        pltpu.VMEM((16384,), jnp.float32),
        pltpu.SemaphoreType.DMA,
        pltpu.SemaphoreType.DMA,
    ],
)
def _embed_gather(idx_hbm, table_hbm, out_hbm, idx_v, rows_a, rows_b,
                  tiles_v, sem_a, sem_b):
  wid = lax.axis_index("s") * 2 + lax.axis_index("c")
  base = wid * RPW

  pltpu.sync_copy(idx_hbm.at[pl.ds(base, RPW)], idx_v)

  lane = lax.iota(jnp.int32, 16)
  vj = [lane * 0 + j for j in range(32)]

  def fire(c, buf, sem):
    pltpu.async_copy(
        table_hbm.at[idx_v.at[pl.ds(c * CHUNK, CHUNK)]], buf, sem
    )

  def drain(buf, sem):
    pltpu.make_async_copy(table_hbm.at[pl.ds(0, CHUNK)], buf, sem).wait()

  def process(c, buf):
    @plsc.parallel_loop(0, CHUNK, 16, unroll=2)
    def tloop(l0):
      rows = lane + l0
      db0 = (l0 >> 7) * 1024 + (l0 & 127)
      for jb in range(4):
        for s in range(8):
          vals = plsc.load_gather(buf, [rows, vj[8 * jb + s]])
          tiles_v[pl.ds(jb * 4096 + s * 128 + db0, 16)] = vals

    b0 = base // 128 + c * 4
    f = b0 >> 7
    bt0 = b0 & 127
    obase = f * 4096 + bt0 * 8
    for jb in range(4):
      pltpu.sync_copy(
          tiles_v.at[pl.ds(jb * 4096, 4096)],
          out_hbm.at[pl.ds((obase + jb * 1024) * 128, 4096)],
      )

  fire(0, rows_a, sem_a)

  def body(t, carry):
    c0 = 2 * t
    fire(c0 + 1, rows_b, sem_b)
    drain(rows_a, sem_a)
    process(c0, rows_a)

    @pl.when(t < NCHUNK // 2 - 1)
    def _():
      fire(c0 + 2, rows_a, sem_a)

    drain(rows_b, sem_b)
    process(c0 + 1, rows_b)
    return carry

  lax.fori_loop(0, NCHUNK // 2, body, 0)


def kernel(inputs, embeddings):
  idx = jnp.swapaxes(inputs, 0, 1).reshape(TOTAL).astype(jnp.int32)
  out1d = _embed_gather(idx, embeddings)
  x = out1d.reshape(FIELDS, 4, 128, 8, 128)
  x = x.transpose(0, 1, 3, 2, 4)
  x = x.reshape(FIELDS, EMBED, BATCH)
  return x.transpose(2, 0, 1)

# --- scband reference (transcript-rebuilt; emitter-appended) ---
"""Pipeline reference for scband-embed-11879879543719 (READ-ONLY COPY).

The authoritative reference and input builder live on the scoring server;
editing this copy changes nothing except your own understanding.
"""

import jax, jax.numpy as jnp
import numpy as np

VOCAB = 1000000
EMBED = 32
BATCH = 16384
FIELDS = 26

def setup_inputs(seed: int = 0) -> dict:
    key = jax.random.key(seed)
    k_idx, k_tab = jax.random.split(key)
    inputs = jax.random.randint(k_idx, (BATCH, FIELDS), 0, VOCAB, dtype=jnp.int64)
    # GlorotNormal for shape [VOCAB, EMBED]: std = sqrt(2/(fan_in+fan_out))
    std = np.sqrt(2.0 / (VOCAB + EMBED))
    embeddings = jax.random.normal(k_tab, (VOCAB, EMBED), dtype=jnp.float32) * std
    return {"inputs": inputs, "embeddings": embeddings}

def reference(inputs, embeddings):
    # tf.gather(self.embeddings, tf.cast(inputs, tf.int32))
    idx = inputs.astype(jnp.int32)
    return jnp.take(embeddings, idx, axis=0)

if __name__ == "__main__":
    import jax
    _d = setup_inputs()
    print(jax.jit(kernel)(*tuple(_d.values())))

</pallas_src>

<mosaic_0001>
#map = affine_map<(d0, d1) -> (0)>
#map1 = affine_map<(d0, d1) -> (0, 0)>
module attributes {stable_mosaic.version = 14 : i64} {
  func.func @_embed_gather(%arg0: i32, %arg1: i32, %arg2: memref<425984xi32, #tpu.memory_space<hbm>>, %arg3: memref<1000000x32xf32, #tpu.memory_space<hbm>>, %arg4: memref<13631488xf32, #tpu.memory_space<hbm>>, %arg5: memref<13312xi32, #tpu.memory_space<vmem>>, %arg6: memref<512x32xf32, #tpu.memory_space<vmem>>, %arg7: memref<512x32xf32, #tpu.memory_space<vmem>>, %arg8: memref<16384xf32, #tpu.memory_space<vmem>>, %arg9: memref<!tpu.dma_semaphore, #tpu.memory_space<semaphore_mem>>, %arg10: memref<!tpu.dma_semaphore, #tpu.memory_space<semaphore_mem>>) attributes {dimension_semantics = [#tpu.dimension_semantics<core_parallel>, #tpu.dimension_semantics<subcore_parallel>], iteration_bounds = array<i64: 2, 16>, scalar_prefetch = 0 : i64, scratch_operands = 6 : i64, tpu.core_type = #tpu.core_type<sc_vector_subcore>, window_params = [{transform_indices = #map}, {transform_indices = #map1}, {transform_indices = #map}]} {
    %mul3A = arith.constant 2 : i32
    %mul3A_0 = arith.muli %arg1, %mul3A : i32
    %add3A = arith.addi %mul3A_0, %arg0 : i32
    %mul3A_1 = arith.constant 13312 : i32
    %mul3A_2 = arith.muli %add3A, %mul3A_1 : i32
    "tpu.region"() ({
      %run_scoped3A = tpu.sem_alloc : memref<!tpu.dma_semaphore, #tpu.memory_space<semaphore_mem>>
      %dma_start3A_204 = tpu.memref_slice %arg2[%mul3A_2] : memref<425984xi32, #tpu.memory_space<hbm>> -> memref<13312xi32, #tpu.memory_space<hbm>>
      %dma_start3A_205 = tpu.memref_slice %arg2[%mul3A_2] : memref<425984xi32, #tpu.memory_space<hbm>> -> memref<13312xi32, #tpu.memory_space<hbm>>
      tpu.enqueue_dma source(%dma_start3A_205 : memref<13312xi32, #tpu.memory_space<hbm>>) target(%arg5 : memref<13312xi32, #tpu.memory_space<vmem>>) target_semaphore(%run_scoped3A : memref<!tpu.dma_semaphore, #tpu.memory_space<semaphore_mem>>)
      %dma_wait3A = tpu.memref_slice %arg2[%mul3A_2] : memref<425984xi32, #tpu.memory_space<hbm>> -> memref<13312xi32, #tpu.memory_space<hbm>>
      %dma_wait3A_206 = tpu.memref_slice %arg2[%mul3A_2] : memref<425984xi32, #tpu.memory_space<hbm>> -> memref<13312xi32, #tpu.memory_space<hbm>>
      tpu.wait_dma2 semaphore(%run_scoped3A : memref<!tpu.dma_semaphore, #tpu.memory_space<semaphore_mem>>) src(%dma_wait3A_206 : memref<13312xi32, #tpu.memory_space<hbm>>) dst(%arg5 : memref<13312xi32, #tpu.memory_space<vmem>>)
      tpu.yield
    }) : () -> ()
    %iota3A = tpu.iota {dimensions = array<i32: 0>} : vector<16xi32>
    %mul3A_3 = arith.constant 0 : i32
    %mul3A_4 = vector.broadcast %mul3A_3 : i32 to vector<16xi32>
    %mul3A_5 = arith.muli %iota3A, %mul3A_4 : vector<16xi32>
    %add3A_6 = arith.constant 0 : i32
    %add3A_7 = vector.broadcast %add3A_6 : i32 to vector<16xi32>
    %add3A_8 = arith.addi %mul3A_5, %add3A_7 : vector<16xi32>
    %mul3A_9 = arith.constant 0 : i32
    %mul3A_10 = vector.broadcast %mul3A_9 : i32 to vector<16xi32>
    %mul3A_11 = arith.muli %iota3A, %mul3A_10 : vector<16xi32>
    %add3A_12 = arith.constant 1 : i32
    %add3A_13 = vector.broadcast %add3A_12 : i32 to vector<16xi32>
    %add3A_14 = arith.addi %mul3A_11, %add3A_13 : vector<16xi32>
    %mul3A_15 = arith.constant 0 : i32
    %mul3A_16 = vector.broadcast %mul3A_15 : i32 to vector<16xi32>
    %mul3A_17 = arith.muli %iota3A, %mul3A_16 : vector<16xi32>
    %add3A_18 = arith.constant 2 : i32
    %add3A_19 = vector.broadcast %add3A_18 : i32 to vector<16xi32>
    %add3A_20 = arith.addi %mul3A_17, %add3A_19 : vector<16xi32>
    %mul3A_21 = arith.constant 0 : i32
    %mul3A_22 = vector.broadcast %mul3A_21 : i32 to vector<16xi32>
    %mul3A_23 = arith.muli %iota3A, %mul3A_22 : vector<16xi32>
    %add3A_24 = arith.constant 3 : i32
    %add3A_25 = vector.broadcast %add3A_24 : i32 to vector<16xi32>
    %add3A_26 = arith.addi %mul3A_23, %add3A_25 : vector<16xi32>
    %mul3A_27 = arith.constant 0 : i32
    %mul3A_28 = vector.broadcast %mul3A_27 : i32 to vector<16xi32>
    %mul3A_29 = arith.muli %iota3A, %mul3A_28 : vector<16xi32>
    %add3A_30 = arith.constant 4 : i32
    %add3A_31 = vector.broadcast %add3A_30 : i32 to vector<16xi32>
    %add3A_32 = arith.addi %mul3A_29, %add3A_31 : vector<16xi32>
    %mul3A_33 = arith.constant 0 : i32
    %mul3A_34 = vector.broadcast %mul3A_33 : i32 to vector<16xi32>
    %mul3A_35 = arith.muli %iota3A, %mul3A_34 : vector<16xi32>
    %add3A_36 = arith.constant 5 : i32
    %add3A_37 = vector.broadcast %add3A_36 : i32 to vector<16xi32>
    %add3A_38 = arith.addi %mul3A_35, %add3A_37 : vector<16xi32>
    %mul3A_39 = arith.constant 0 : i32
    %mul3A_40 = vector.broadcast %mul3A_39 : i32 to vector<16xi32>
    %mul3A_41 = arith.muli %iota3A, %mul3A_40 : vector<16xi32>
    %add3A_42 = arith.constant 6 : i32
    %add3A_43 = vector.broadcast %add3A_42 : i32 to vector<16xi32>
    %add3A_44 = arith.addi %mul3A_41, %add3A_43 : vector<16xi32>
    %mul3A_45 = arith.constant 0 : i32
    %mul3A_46 = vector.broadcast %mul3A_45 : i32 to vector<16xi32>
    %mul3A_47 = arith.muli %iota3A, %mul3A_46 : vector<16xi32>
    %add3A_48 = arith.constant 7 : i32
    %add3A_49 = vector.broadcast %add3A_48 : i32 to vector<16xi32>
    %add3A_50 = arith.addi %mul3A_47, %add3A_49 : vector<16xi32>
    %mul3A_51 = arith.constant 0 : i32
    %mul3A_52 = vector.broadcast %mul3A_51 : i32 to vector<16xi32>
    %mul3A_53 = arith.muli %iota3A, %mul3A_52 : vector<16xi32>
    %add3A_54 = arith.constant 8 : i32
    %add3A_55 = vector.broadcast %add3A_54 : i32 to vector<16xi32>
    %add3A_56 = arith.addi %mul3A_53, %add3A_55 : vector<16xi32>
    %mul3A_57 = arith.constant 0 : i32
    %mul3A_58 = vector.broadcast %mul3A_57 : i32 to vector<16xi32>
    %mul3A_59 = arith.muli %iota3A, %mul3A_58 : vector<16xi32>
    %add3A_60 = arith.constant 9 : i32
    %add3A_61 = vector.broadcast %add3A_60 : i32 to vector<16xi32>
    %add3A_62 = arith.addi %mul3A_59, %add3A_61 : vector<16xi32>
    %mul3A_63 = arith.constant 0 : i32
    %mul3A_64 = vector.broadcast %mul3A_63 : i32 to vector<16xi32>
    %mul3A_65 = arith.muli %iota3A, %mul3A_64 : vector<16xi32>
    %add3A_66 = arith.constant 10 : i32
    %add3A_67 = vector.broadcast %add3A_66 : i32 to vector<16xi32>
    %add3A_68 = arith.addi %mul3A_65, %add3A_67 : vector<16xi32>
    %mul3A_69 = arith.constant 0 : i32
    %mul3A_70 = vector.broadcast %mul3A_69 : i32 to vector<16xi32>
    %mul3A_71 = arith.muli %iota3A, %mul3A_70 : vector<16xi32>
    %add3A_72 = arith.constant 11 : i32
    %add3A_73 = vector.broadcast %add3A_72 : i32 to vector<16xi32>
    %add3A_74 = arith.addi %mul3A_71, %add3A_73 : vector<16xi32>
    %mul3A_75 = arith.constant 0 : i32
    %mul3A_76 = vector.broadcast %mul3A_75 : i32 to vector<16xi32>
    %mul3A_77 = arith.muli %iota3A, %mul3A_76 : vector<16xi32>
    %add3A_78 = arith.constant 12 : i32
    %add3A_79 = vector.broadcast %add3A_78 : i32 to vector<16xi32>
    %add3A_80 = arith.addi %mul3A_77, %add3A_79 : vector<16xi32>
    %mul3A_81 = arith.constant 0 : i32
    %mul3A_82 = vector.broadcast %mul3A_81 : i32 to vector<16xi32>
    %mul3A_83 = arith.muli %iota3A, %mul3A_82 : vector<16xi32>
    %add3A_84 = arith.constant 13 : i32
    %add3A_85 = vector.broadcast %add3A_84 : i32 to vector<16xi32>
    %add3A_86 = arith.addi %mul3A_83, %add3A_85 : vector<16xi32>
    %mul3A_87 = arith.constant 0 : i32
    %mul3A_88 = vector.broadcast %mul3A_87 : i32 to vector<16xi32>
    %mul3A_89 = arith.muli %iota3A, %mul3A_88 : vector<16xi32>
    %add3A_90 = arith.constant 14 : i32
    %add3A_91 = vector.broadcast %add3A_90 : i32 to vector<16xi32>
    %add3A_92 = arith.addi %mul3A_89, %add3A_91 : vector<16xi32>
    %mul3A_93 = arith.constant 0 : i32
    %mul3A_94 = vector.broadcast %mul3A_93 : i32 to vector<16xi32>
    %mul3A_95 = arith.muli %iota3A, %mul3A_94 : vector<16xi32>
    %add3A_96 = arith.constant 15 : i32
    %add3A_97 = vector.broadcast %add3A_96 : i32 to vector<16xi32>
    %add3A_98 = arith.addi %mul3A_95, %add3A_97 : vector<16xi32>
    %mul3A_99 = arith.constant 0 : i32
    %mul3A_100 = vector.broadcast %mul3A_99 : i32 to vector<16xi32>
    %mul3A_101 = arith.muli %iota3A, %mul3A_100 : vector<16xi32>
    %add3A_102 = arith.constant 16 : i32
    %add3A_103 = vector.broadcast %add3A_102 : i32 to vector<16xi32>
    %add3A_104 = arith.addi %mul3A_101, %add3A_103 : vector<16xi32>
    %mul3A_105 = arith.constant 0 : i32
    %mul3A_106 = vector.broadcast %mul3A_105 : i32 to vector<16xi32>
    %mul3A_107 = arith.muli %iota3A, %mul3A_106 : vector<16xi32>
    %add3A_108 = arith.constant 17 : i32
    %add3A_109 = vector.broadcast %add3A_108 : i32 to vector<16xi32>
    %add3A_110 = arith.addi %mul3A_107, %add3A_109 : vector<16xi32>
    %mul3A_111 = arith.constant 0 : i32
    %mul3A_112 = vector.broadcast %mul3A_111 : i32 to vector<16xi32>
    %mul3A_113 = arith.muli %iota3A, %mul3A_112 : vector<16xi32>
    %add3A_114 = arith.constant 18 : i32
    %add3A_115 = vector.broadcast %add3A_114 : i32 to vector<16xi32>
    %add3A_116 = arith.addi %mul3A_113, %add3A_115 : vector<16xi32>
    %mul3A_117 = arith.constant 0 : i32
    %mul3A_118 = vector.broadcast %mul3A_117 : i32 to vector<16xi32>
    %mul3A_119 = arith.muli %iota3A, %mul3A_118 : vector<16xi32>
    %add3A_120 = arith.constant 19 : i32
    %add3A_121 = vector.broadcast %add3A_120 : i32 to vector<16xi32>
    %add3A_122 = arith.addi %mul3A_119, %add3A_121 : vector<16xi32>
    %mul3A_123 = arith.constant 0 : i32
    %mul3A_124 = vector.broadcast %mul3A_123 : i32 to vector<16xi32>
    %mul3A_125 = arith.muli %iota3A, %mul3A_124 : vector<16xi32>
    %add3A_126 = arith.constant 20 : i32
    %add3A_127 = vector.broadcast %add3A_126 : i32 to vector<16xi32>
    %add3A_128 = arith.addi %mul3A_125, %add3A_127 : vector<16xi32>
    %mul3A_129 = arith.constant 0 : i32
    %mul3A_130 = vector.broadcast %mul3A_129 : i32 to vector<16xi32>
    %mul3A_131 = arith.muli %iota3A, %mul3A_130 : vector<16xi32>
    %add3A_132 = arith.constant 21 : i32
    %add3A_133 = vector.broadcast %add3A_132 : i32 to vector<16xi32>
    %add3A_134 = arith.addi %mul3A_131, %add3A_133 : vector<16xi32>
    %mul3A_135 = arith.constant 0 : i32
    %mul3A_136 = vector.broadcast %mul3A_135 : i32 to vector<16xi32>
    %mul3A_137 = arith.muli %iota3A, %mul3A_136 : vector<16xi32>
    %add3A_138 = arith.constant 22 : i32
    %add3A_139 = vector.broadcast %add3A_138 : i32 to vector<16xi32>
    %add3A_140 = arith.addi %mul3A_137, %add3A_139 : vector<16xi32>
    %mul3A_141 = arith.constant 0 : i32
    %mul3A_142 = vector.broadcast %mul3A_141 : i32 to vector<16xi32>
    %mul3A_143 = arith.muli %iota3A, %mul3A_142 : vector<16xi32>
    %add3A_144 = arith.constant 23 : i32
    %add3A_145 = vector.broadcast %add3A_144 : i32 to vector<16xi32>
    %add3A_146 = arith.addi %mul3A_143, %add3A_145 : vector<16xi32>
    %mul3A_147 = arith.constant 0 : i32
    %mul3A_148 = vector.broadcast %mul3A_147 : i32 to vector<16xi32>
    %mul3A_149 = arith.muli %iota3A, %mul3A_148 : vector<16xi32>
    %add3A_150 = arith.constant 24 : i32
    %add3A_151 = vector.broadcast %add3A_150 : i32 to vector<16xi32>
    %add3A_152 = arith.addi %mul3A_149, %add3A_151 : vector<16xi32>
    %mul3A_153 = arith.constant 0 : i32
    %mul3A_154 = vector.broadcast %mul3A_153 : i32 to vector<16xi32>
    %mul3A_155 = arith.muli %iota3A, %mul3A_154 : vector<16xi32>
    %add3A_156 = arith.constant 25 : i32
    %add3A_157 = vector.broadcast %add3A_156 : i32 to vector<16xi32>
    %add3A_158 = arith.addi %mul3A_155, %add3A_157 : vector<16xi32>
    %mul3A_159 = arith.constant 0 : i32
    %mul3A_160 = vector.broadcast %mul3A_159 : i32 to vector<16xi32>
    %mul3A_161 = arith.muli %iota3A, %mul3A_160 : vector<16xi32>
    %add3A_162 = arith.constant 26 : i32
    %add3A_163 = vector.broadcast %add3A_162 : i32 to vector<16xi32>
    %add3A_164 = arith.addi %mul3A_161, %add3A_163 : vector<16xi32>
    %mul3A_165 = arith.constant 0 : i32
    %mul3A_166 = vector.broadcast %mul3A_165 : i32 to vector<16xi32>
    %mul3A_167 = arith.muli %iota3A, %mul3A_166 : vector<16xi32>
    %add3A_168 = arith.constant 27 : i32
    %add3A_169 = vector.broadcast %add3A_168 : i32 to vector<16xi32>
    %add3A_170 = arith.addi %mul3A_167, %add3A_169 : vector<16xi32>
    %mul3A_171 = arith.constant 0 : i32
    %mul3A_172 = vector.broadcast %mul3A_171 : i32 to vector<16xi32>
    %mul3A_173 = arith.muli %iota3A, %mul3A_172 : vector<16xi32>
    %add3A_174 = arith.constant 28 : i32
    %add3A_175 = vector.broadcast %add3A_174 : i32 to vector<16xi32>
    %add3A_176 = arith.addi %mul3A_173, %add3A_175 : vector<16xi32>
    %mul3A_177 = arith.constant 0 : i32
    %mul3A_178 = vector.broadcast %mul3A_177 : i32 to vector<16xi32>
    %mul3A_179 = arith.muli %iota3A, %mul3A_178 : vector<16xi32>
    %add3A_180 = arith.constant 29 : i32
    %add3A_181 = vector.broadcast %add3A_180 : i32 to vector<16xi32>
    %add3A_182 = arith.addi %mul3A_179, %add3A_181 : vector<16xi32>
    %mul3A_183 = arith.constant 0 : i32
    %mul3A_184 = vector.broadcast %mul3A_183 : i32 to vector<16xi32>
    %mul3A_185 = arith.muli %iota3A, %mul3A_184 : vector<16xi32>
    %add3A_186 = arith.constant 30 : i32
    %add3A_187 = vector.broadcast %add3A_186 : i32 to vector<16xi32>
    %add3A_188 = arith.addi %mul3A_185, %add3A_187 : vector<16xi32>
    %mul3A_189 = arith.constant 0 : i32
    %mul3A_190 = vector.broadcast %mul3A_189 : i32 to vector<16xi32>
    %mul3A_191 = arith.muli %iota3A, %mul3A_190 : vector<16xi32>
    %add3A_192 = arith.constant 31 : i32
    %add3A_193 = vector.broadcast %add3A_192 : i32 to vector<16xi32>
    %add3A_194 = arith.addi %mul3A_191, %add3A_193 : vector<16xi32>
    %dma_start3A = arith.constant 0 : i32
    %dma_start3A_195 = tpu.memref_slice %arg5[%dma_start3A] : memref<13312xi32, #tpu.memory_space<vmem>> -> memref<512xi32, #tpu.memory_space<vmem>>
    %dma_start3A_196 = arith.constant 0 : i32
    %dma_start3A_197 = arith.constant 0 : i32
    %dma_start3A_198 = tpu.memref_slice %arg3[%dma_start3A_196, %dma_start3A_197] : memref<1000000x32xf32, #tpu.memory_space<hbm>> -> memref<1000000x32xf32, #tpu.memory_space<hbm>>
    tpu.enqueue_indirect_dma source(%dma_start3A_198 : memref<1000000x32xf32, #tpu.memory_space<hbm>>) target(%arg6 : memref<512x32xf32, #tpu.memory_space<vmem>>) offsets(%dma_start3A_195 : memref<512xi32, #tpu.memory_space<vmem>>) semaphore(%arg9 : memref<!tpu.dma_semaphore, #tpu.memory_space<semaphore_mem>>)
    %scan3A = arith.constant 0 : i32
    %scan3A_199 = arith.constant 0 : i32
    %scan3A_200 = arith.constant 13 : i32
    %scan3A_201 = arith.addi %scan3A_199, %scan3A_200 : i32
    %scan3A_202 = arith.constant 1 : i32
    scf.for %scan3A_204 = %scan3A_199 to %scan3A_201 step %scan3A_202  : i32 {
      %mul3A_205 = arith.constant 2 : i32
      %mul3A_206 = arith.muli %mul3A_205, %scan3A_204 : i32
      %add3A_207 = arith.constant 1 : i32
      %add3A_208 = arith.addi %mul3A_206, %add3A_207 : i32
      %mul3A_209 = arith.constant 512 : i32
      %mul3A_210 = arith.muli %add3A_208, %mul3A_209 : i32
      %dma_start3A_211 = tpu.memref_slice %arg5[%mul3A_210] : memref<13312xi32, #tpu.memory_space<vmem>> -> memref<512xi32, #tpu.memory_space<vmem>>
      %dma_start3A_212 = arith.constant 0 : i32
      %dma_start3A_213 = arith.constant 0 : i32
      %dma_start3A_214 = tpu.memref_slice %arg3[%dma_start3A_212, %dma_start3A_213] : memref<1000000x32xf32, #tpu.memory_space<hbm>> -> memref<1000000x32xf32, #tpu.memory_space<hbm>>
      tpu.enqueue_indirect_dma source(%dma_start3A_214 : memref<1000000x32xf32, #tpu.memory_space<hbm>>) target(%arg7 : memref<512x32xf32, #tpu.memory_space<vmem>>) offsets(%dma_start3A_211 : memref<512xi32, #tpu.memory_space<vmem>>) semaphore(%arg10 : memref<!tpu.dma_semaphore, #tpu.memory_space<semaphore_mem>>)
      %dma_wait3A = arith.constant 0 : i32
      %dma_wait3A_215 = arith.constant 0 : i32
      %dma_wait3A_216 = tpu.memref_slice %arg3[%dma_wait3A, %dma_wait3A_215] : memref<1000000x32xf32, #tpu.memory_space<hbm>> -> memref<512x32xf32, #tpu.memory_space<hbm>>
      %dma_wait3A_217 = arith.constant 0 : i32
      %dma_wait3A_218 = arith.constant 0 : i32
      %dma_wait3A_219 = tpu.memref_slice %arg3[%dma_wait3A_217, %dma_wait3A_218] : memref<1000000x32xf32, #tpu.memory_space<hbm>> -> memref<512x32xf32, #tpu.memory_space<hbm>>
      tpu.wait_dma2 semaphore(%arg9 : memref<!tpu.dma_semaphore, #tpu.memory_space<semaphore_mem>>) src(%dma_wait3A_219 : memref<512x32xf32, #tpu.memory_space<hbm>>) dst(%arg6 : memref<512x32xf32, #tpu.memory_space<vmem>>)
      %parallel_loop3A = arith.constant 0 : i32
      %parallel_loop3A_220 = arith.constant 512 : i32
      %parallel_loop3A_221 = arith.constant 16 : i32
      scf.for %parallel_loop3A_330 = %parallel_loop3A to %parallel_loop3A_220 step %parallel_loop3A_221  : i32 {
        %parallel_loop3A_331 = vector.broadcast %parallel_loop3A_330 : i32 to vector<16xi32>
        %parallel_loop3A_332 = arith.addi %iota3A, %parallel_loop3A_331 : vector<16xi32>
        %parallel_loop3A_333 = arith.constant 7 : i32
        %parallel_loop3A_334 = arith.shrsi %parallel_loop3A_330, %parallel_loop3A_333 : i32
        %parallel_loop3A_335 = arith.constant 1024 : i32
        %parallel_loop3A_336 = arith.muli %parallel_loop3A_334, %parallel_loop3A_335 : i32
        %parallel_loop3A_337 = arith.constant 127 : i32
        %parallel_loop3A_338 = arith.andi %parallel_loop3A_330, %parallel_loop3A_337 : i32
        %parallel_loop3A_339 = arith.addi %parallel_loop3A_336, %parallel_loop3A_338 : i32
        %parallel_loop3A_340 = tpu.vector_load_idx %arg6[%parallel_loop3A_332, %add3A_8] : memref<512x32xf32, #tpu.memory_space<vmem>>[vector<16xi32>, vector<16xi32>], vector<16xf32>,
        %parallel_loop3A_341 = arith.constant 0 : i32
        %parallel_loop3A_342 = arith.addi %parallel_loop3A_341, %parallel_loop3A_339 : i32
        %parallel_loop3A_343 = arith.index_cast %parallel_loop3A_342 : i32 to index
        %parallel_loop3A_344 = tpu.vector_load %arg8[%parallel_loop3A_343] {strides = array<i32>} : memref<16384xf32, #tpu.memory_space<vmem>>, vector<16xf32>,
        tpu.vector_store %arg8[%parallel_loop3A_343], %parallel_loop3A_340 {strides = array<i32>} : memref<16384xf32, #tpu.memory_space<vmem>>, vector<16xf32>,
        %parallel_loop3A_345 = tpu.vector_load_idx %arg6[%parallel_loop3A_332, %add3A_14] : memref<512x32xf32, #tpu.memory_space<vmem>>[vector<16xi32>, vector<16xi32>], vector<16xf32>,
        %parallel_loop3A_346 = arith.constant 128 : i32
        %parallel_loop3A_347 = arith.addi %parallel_loop3A_346, %parallel_loop3A_339 : i32
        %parallel_loop3A_348 = arith.index_cast %parallel_loop3A_347 : i32 to index
        %parallel_loop3A_349 = tpu.vector_load %arg8[%parallel_loop3A_348] {strides = array<i32>} : memref<16384xf32, #tpu.memory_space<vmem>>, vector<16xf32>,
        tpu.vector_store %arg8[%parallel_loop3A_348], %parallel_loop3A_345 {strides = array<i32>} : memref<16384xf32, #tpu.memory_space<vmem>>, vector<16xf32>,
        %parallel_loop3A_350 = tpu.vector_load_idx %arg6[%parallel_loop3A_332, %add3A_20] : memref<512x32xf32, #tpu.memory_space<vmem>>[vector<16xi32>, vector<16xi32>], vector<16xf32>,
        %parallel_loop3A_351 = arith.constant 256 : i32
        %parallel_loop3A_352 = arith.addi %parallel_loop3A_351, %parallel_loop3A_339 : i32
        %parallel_loop3A_353 = arith.index_cast %parallel_loop3A_352 : i32 to index
        %parallel_loop3A_354 = tpu.vector_load %arg8[%parallel_loop3A_353] {strides = array<i32>} : memref<16384xf32, #tpu.memory_space<vmem>>, vector<16xf32>,
        tpu.vector_store %arg8[%parallel_loop3A_353], %parallel_loop3A_350 {strides = array<i32>} : memref<16384xf32, #tpu.memory_space<vmem>>, vector<16xf32>,
        %parallel_loop3A_355 = tpu.vector_load_idx %arg6[%parallel_loop3A_332, %add3A_26] : memref<512x32xf32, #tpu.memory_space<vmem>>[vector<16xi32>, vector<16xi32>], vector<16xf32>,
        %parallel_loop3A_356 = arith.constant 384 : i32
        %parallel_loop3A_357 = arith.addi %parallel_loop3A_356, %parallel_loop3A_339 : i32
        %parallel_loop3A_358 = arith.index_cast %parallel_loop3A_357 : i32 to index
        %parallel_loop3A_359 = tpu.vector_load %arg8[%parallel_loop3A_358] {strides = array<i32>} : memref<16384xf32, #tpu.memory_space<vmem>>, vector<16xf32>,
        tpu.vector_store %arg8[%parallel_loop3A_358], %parallel_loop3A_355 {strides = array<i32>} : memref<16384xf32, #tpu.memory_space<vmem>>, vector<16xf32>,
        %parallel_loop3A_360 = tpu.vector_load_idx %arg6[%parallel_loop3A_332, %add3A_32] : memref<512x32xf32, #tpu.memory_space<vmem>>[vector<16xi32>, vector<16xi32>], vector<16xf32>,
        %parallel_loop3A_361 = arith.constant 512 : i32
        %parallel_loop3A_362 = arith.addi %parallel_loop3A_361, %parallel_loop3A_339 : i32
        %parallel_loop3A_363 = arith.index_cast %parallel_loop3A_362 : i32 to index
        %parallel_loop3A_364 = tpu.vector_load %arg8[%parallel_loop3A_363] {strides = array<i32>} : memref<16384xf32, #tpu.memory_space<vmem>>, vector<16xf32>,
        tpu.vector_store %arg8[%parallel_loop3A_363], %parallel_loop3A_360 {strides = array<i32>} : memref<16384xf32, #tpu.memory_space<vmem>>, vector<16xf32>,
        %parallel_loop3A_365 = tpu.vector_load_idx %arg6[%parallel_loop3A_332, %add3A_38] : memref<512x32xf32, #tpu.memory_space<vmem>>[vector<16xi32>, vector<16xi32>], vector<16xf32>,
        %parallel_loop3A_366 = arith.constant 640 : i32
        %parallel_loop3A_367 = arith.addi %parallel_loop3A_366, %parallel_loop3A_339 : i32
        %parallel_loop3A_368 = arith.index_cast %parallel_loop3A_367 : i32 to index
        %parallel_loop3A_369 = tpu.vector_load %arg8[%parallel_loop3A_368] {strides = array<i32>} : memref<16384xf32, #tpu.memory_space<vmem>>, vector<16xf32>,
        tpu.vector_store %arg8[%parallel_loop3A_368], %parallel_loop3A_365 {strides = array<i32>} : memref<16384xf32, #tpu.memory_space<vmem>>, vector<16xf32>,
        %parallel_loop3A_370 = tpu.vector_load_idx %arg6[%parallel_loop3A_332, %add3A_44] : memref<512x32xf32, #tpu.memory_space<vmem>>[vector<16xi32>, vector<16xi32>], vector<16xf32>,
        %parallel_loop3A_371 = arith.constant 768 : i32
        %parallel_loop3A_372 = arith.addi %parallel_loop3A_371, %parallel_loop3A_339 : i32
        %parallel_loop3A_373 = arith.index_cast %parallel_loop3A_372 : i32 to index
        %parallel_loop3A_374 = tpu.vector_load %arg8[%parallel_loop3A_373] {strides = array<i32>} : memref<16384xf32, #tpu.memory_space<vmem>>, vector<16xf32>,
        tpu.vector_store %arg8[%parallel_loop3A_373], %parallel_loop3A_370 {strides = array<i32>} : memref<16384xf32, #tpu.memory_space<vmem>>, vector<16xf32>,
        %parallel_loop3A_375 = tpu.vector_load_idx %arg6[%parallel_loop3A_332, %add3A_50] : memref<512x32xf32, #tpu.memory_space<vmem>>[vector<16xi32>, vector<16xi32>], vector<16xf32>,
        %parallel_loop3A_376 = arith.constant 896 : i32
        %parallel_loop3A_377 = arith.addi %parallel_loop3A_376, %parallel_loop3A_339 : i32
        %parallel_loop3A_378 = arith.index_cast %parallel_loop3A_377 : i32 to index
        %parallel_loop3A_379 = tpu.vector_load %arg8[%parallel_loop3A_378] {strides = array<i32>} : memref<16384xf32, #tpu.memory_space<vmem>>, vector<16xf32>,
        tpu.vector_store %arg8[%parallel_loop3A_378], %parallel_loop3A_375 {strides = array<i32>} : memref<16384xf32, #tpu.memory_space<vmem>>, vector<16xf32>,
        %parallel_loop3A_380 = tpu.vector_load_idx %arg6[%parallel_loop3A_332, %add3A_56] : memref<512x32xf32, #tpu.memory_space<vmem>>[vector<16xi32>, vector<16xi32>], vector<16xf32>,
        %parallel_loop3A_381 = arith.constant 4096 : i32
        %parallel_loop3A_382 = arith.addi %parallel_loop3A_381, %parallel_loop3A_339 : i32
        %parallel_loop3A_383 = arith.index_cast %parallel_loop3A_382 : i32 to index
        %parallel_loop3A_384 = tpu.vector_load %arg8[%parallel_loop3A_383] {strides = array<i32>} : memref<16384xf32, #tpu.memory_space<vmem>>, vector<16xf32>,
        tpu.vector_store %arg8[%parallel_loop3A_383], %parallel_loop3A_380 {strides = array<i32>} : memref<16384xf32, #tpu.memory_space<vmem>>, vector<16xf32>,
        %parallel_loop3A_385 = tpu.vector_load_idx %arg6[%parallel_loop3A_332, %add3A_62] : memref<512x32xf32, #tpu.memory_space<vmem>>[vector<16xi32>, vector<16xi32>], vector<16xf32>,
        %parallel_loop3A_386 = arith.constant 4224 : i32
        %parallel_loop3A_387 = arith.addi %parallel_loop3A_386, %parallel_loop3A_339 : i32
        %parallel_loop3A_388 = arith.index_cast %parallel_loop3A_387 : i32 to index
        %parallel_loop3A_389 = tpu.vector_load %arg8[%parallel_loop3A_388] {strides = array<i32>} : memref<16384xf32, #tpu.memory_space<vmem>>, vector<16xf32>,
        tpu.vector_store %arg8[%parallel_loop3A_388], %parallel_loop3A_385 {strides = array<i32>} : memref<16384xf32, #tpu.memory_space<vmem>>, vector<16xf32>,
        %parallel_loop3A_390 = tpu.vector_load_idx %arg6[%parallel_loop3A_332, %add3A_68] : memref<512x32xf32, #tpu.memory_space<vmem>>[vector<16xi32>, vector<16xi32>], vector<16xf32>,
        %parallel_loop3A_391 = arith.constant 4352 : i32
        %parallel_loop3A_392 = arith.addi %parallel_loop3A_391, %parallel_loop3A_339 : i32
        %parallel_loop3A_393 = arith.index_cast %parallel_loop3A_392 : i32 to index
        %parallel_loop3A_394 = tpu.vector_load %arg8[%parallel_loop3A_393] {strides = array<i32>} : memref<16384xf32, #tpu.memory_space<vmem>>, vector<16xf32>,
        tpu.vector_store %arg8[%parallel_loop3A_393], %parallel_loop3A_390 {strides = array<i32>} : memref<16384xf32, #tpu.memory_space<vmem>>, vector<16xf32>,
        %parallel_loop3A_395 = tpu.vector_load_idx %arg6[%parallel_loop3A_332, %add3A_74] : memref<512x32xf32, #tpu.memory_space<vmem>>[vector<16xi32>, vector<16xi32>], vector<16xf32>,
        %parallel_loop3A_396 = arith.constant 4480 : i32
        %parallel_loop3A_397 = arith.addi %parallel_loop3A_396, %parallel_loop3A_339 : i32
        %parallel_loop3A_398 = arith.index_cast %parallel_loop3A_397 : i32 to index
        %parallel_loop3A_399 = tpu.vector_load %arg8[%parallel_loop3A_398] {strides = array<i32>} : memref<16384xf32, #tpu.memory_space<vmem>>, vector<16xf32>,
        tpu.vector_store %arg8[%parallel_loop3A_398], %parallel_loop3A_395 {strides = array<i32>} : memref<16384xf32, #tpu.memory_space<vmem>>, vector<16xf32>,
        %parallel_loop3A_400 = tpu.vector_load_idx %arg6[%parallel_loop3A_332, %add3A_80] : memref<512x32xf32, #tpu.memory_space<vmem>>[vector<16xi32>, vector<16xi32>], vector<16xf32>,
        %parallel_loop3A_401 = arith.constant 4608 : i32
        %parallel_loop3A_402 = arith.addi %parallel_loop3A_401, %parallel_loop3A_339 : i32
        %parallel_loop3A_403 = arith.index_cast %parallel_loop3A_402 : i32 to index
        %parallel_loop3A_404 = tpu.vector_load %arg8[%parallel_loop3A_403] {strides = array<i32>} : memref<16384xf32, #tpu.memory_space<vmem>>, vector<16xf32>,
        tpu.vector_store %arg8[%parallel_loop3A_403], %parallel_loop3A_400 {strides = array<i32>} : memref<16384xf32, #tpu.memory_space<vmem>>, vector<16xf32>,
        %parallel_loop3A_405 = tpu.vector_load_idx %arg6[%parallel_loop3A_332, %add3A_86] : memref<512x32xf32, #tpu.memory_space<vmem>>[vector<16xi32>, vector<16xi32>], vector<16xf32>,
        %parallel_loop3A_406 = arith.constant 4736 : i32
        %parallel_loop3A_407 = arith.addi %parallel_loop3A_406, %parallel_loop3A_339 : i32
        %parallel_loop3A_408 = arith.index_cast %parallel_loop3A_407 : i32 to index
        %parallel_loop3A_409 = tpu.vector_load %arg8[%parallel_loop3A_408] {strides = array<i32>} : memref<16384xf32, #tpu.memory_space<vmem>>, vector<16xf32>,
        tpu.vector_store %arg8[%parallel_loop3A_408], %parallel_loop3A_405 {strides = array<i32>} : memref<16384xf32, #tpu.memory_space<vmem>>, vector<16xf32>,
        %parallel_loop3A_410 = tpu.vector_load_idx %arg6[%parallel_loop3A_332, %add3A_92] : memref<512x32xf32, #tpu.memory_space<vmem>>[vector<16xi32>, vector<16xi32>], vector<16xf32>,
        %parallel_loop3A_411 = arith.constant 4864 : i32
        %parallel_loop3A_412 = arith.addi %parallel_loop3A_411, %parallel_loop3A_339 : i32
        %parallel_loop3A_413 = arith.index_cast %parallel_loop3A_412 : i32 to index
        %parallel_loop3A_414 = tpu.vector_load %arg8[%parallel_loop3A_413] {strides = array<i32>} : memref<16384xf32, #tpu.memory_space<vmem>>, vector<16xf32>,
        tpu.vector_store %arg8[%parallel_loop3A_413], %parallel_loop3A_410 {strides = array<i32>} : memref<16384xf32, #tpu.memory_space<vmem>>, vector<16xf32>,
        %parallel_loop3A_415 = tpu.vector_load_idx %arg6[%parallel_loop3A_332, %add3A_98] : memref<512x32xf32, #tpu.memory_space<vmem>>[vector<16xi32>, vector<16xi32>], vector<16xf32>,
        %parallel_loop3A_416 = arith.constant 4992 : i32
        %parallel_loop3A_417 = arith.addi %parallel_loop3A_416, %parallel_loop3A_339 : i32
        %parallel_loop3A_418 = arith.index_cast %parallel_loop3A_417 : i32 to index
        %parallel_loop3A_419 = tpu.vector_load %arg8[%parallel_loop3A_418] {strides = array<i32>} : memref<16384xf32, #tpu.memory_space<vmem>>, vector<16xf32>,
        tpu.vector_store %arg8[%parallel_loop3A_418], %parallel_loop3A_415 {strides = array<i32>} : memref<16384xf32, #tpu.memory_space<vmem>>, vector<16xf32>,
        %parallel_loop3A_420 = tpu.vector_load_idx %arg6[%parallel_loop3A_332, %add3A_104] : memref<512x32xf32, #tpu.memory_space<vmem>>[vector<16xi32>, vector<16xi32>], vector<16xf32>,
        %parallel_loop3A_421 = arith.constant 8192 : i32
        %parallel_loop3A_422 = arith.addi %parallel_loop3A_421, %parallel_loop3A_339 : i32
        %parallel_loop3A_423 = arith.index_cast %parallel_loop3A_422 : i32 to index
        %parallel_loop3A_424 = tpu.vector_load %arg8[%parallel_loop3A_423] {strides = array<i32>} : memref<16384xf32, #tpu.memory_space<vmem>>, vector<16xf32>,
        tpu.vector_store %arg8[%parallel_loop3A_423], %parallel_loop3A_420 {strides = array<i32>} : memref<16384xf32, #tpu.memory_space<vmem>>, vector<16xf32>,
        %parallel_loop3A_425 = tpu.vector_load_idx %arg6[%parallel_loop3A_332, %add3A_110] : memref<512x32xf32, #tpu.memory_space<vmem>>[vector<16xi32>, vector<16xi32>], vector<16xf32>,
        %parallel_loop3A_426 = arith.constant 8320 : i32
        %parallel_loop3A_427 = arith.addi %parallel_loop3A_426, %parallel_loop3A_339 : i32
        %parallel_loop3A_428 = arith.index_cast %parallel_loop3A_427 : i32 to index
        %parallel_loop3A_429 = tpu.vector_load %arg8[%parallel_loop3A_428] {strides = array<i32>} : memref<16384xf32, #tpu.memory_space<vmem>>, vector<16xf32>,
        tpu.vector_store %arg8[%parallel_loop3A_428], %parallel_loop3A_425 {strides = array<i32>} : memref<16384xf32, #tpu.memory_space<vmem>>, vector<16xf32>,
        %parallel_loop3A_430 = tpu.vector_load_idx %arg6[%parallel_loop3A_332, %add3A_116] : memref<512x32xf32, #tpu.memory_space<vmem>>[vector<16xi32>, vector<16xi32>], vector<16xf32>,
        %parallel_loop3A_431 = arith.constant 8448 : i32
        %parallel_loop3A_432 = arith.addi %parallel_loop3A_431, %parallel_loop3A_339 : i32
        %parallel_loop3A_433 = arith.index_cast %parallel_loop3A_432 : i32 to index
        %parallel_loop3A_434 = tpu.vector_load %arg8[%parallel_loop3A_433] {strides = array<i32>} : memref<16384xf32, #tpu.memory_space<vmem>>, vector<16xf32>,
        tpu.vector_store %arg8[%parallel_loop3A_433], %parallel_loop3A_430 {strides = array<i32>} : memref<16384xf32, #tpu.memory_space<vmem>>, vector<16xf32>,
        %parallel_loop3A_435 = tpu.vector_load_idx %arg6[%parallel_loop3A_332, %add3A_122] : memref<512x32xf32, #tpu.memory_space<vmem>>[vector<16xi32>, vector<16xi32>], vector<16xf32>,
        %parallel_loop3A_436 = arith.constant 8576 : i32
        %parallel_loop3A_437 = arith.addi %parallel_loop3A_436, %parallel_loop3A_339 : i32
        %parallel_loop3A_438 = arith.index_cast %parallel_loop3A_437 : i32 to index
        %parallel_loop3A_439 = tpu.vector_load %arg8[%parallel_loop3A_438] {strides = array<i32>} : memref<16384xf32, #tpu.memory_space<vmem>>, vector<16xf32>,
        tpu.vector_store %arg8[%parallel_loop3A_438], %parallel_loop3A_435 {strides = array<i32>} : memref<16384xf32, #tpu.memory_space<vmem>>, vector<16xf32>,
        %parallel_loop3A_440 = tpu.vector_load_idx %arg6[%parallel_loop3A_332, %add3A_128] : memref<512x32xf32, #tpu.memory_space<vmem>>[vector<16xi32>, vector<16xi32>], vector<16xf32>,
        %parallel_loop3A_441 = arith.constant 8704 : i32
        %parallel_loop3A_442 = arith.addi %parallel_loop3A_441, %parallel_loop3A_339 : i32
        %parallel_loop3A_443 = arith.index_cast %parallel_loop3A_442 : i32 to index
        %parallel_loop3A_444 = tpu.vector_load %arg8[%parallel_loop3A_443] {strides = array<i32>} : memref<16384xf32, #tpu.memory_space<vmem>>, vector<16xf32>,
        tpu.vector_store %arg8[%parallel_loop3A_443], %parallel_loop3A_440 {strides = array<i32>} : memref<16384xf32, #tpu.memory_space<vmem>>, vector<16xf32>,
        %parallel_loop3A_445 = tpu.vector_load_idx %arg6[%parallel_loop3A_332, %add3A_134] : memref<512x32xf32, #tpu.memory_space<vmem>>[vector<16xi32>, vector<16xi32>], vector<16xf32>,
        %parallel_loop3A_446 = arith.constant 8832 : i32
        %parallel_loop3A_447 = arith.addi %parallel_loop3A_446, %parallel_loop3A_339 : i32
        %parallel_loop3A_448 = arith.index_cast %parallel_loop3A_447 : i32 to index
        %parallel_loop3A_449 = tpu.vector_load %arg8[%parallel_loop3A_448] {strides = array<i32>} : memref<16384xf32, #tpu.memory_space<vmem>>, vector<16xf32>,
        tpu.vector_store %arg8[%parallel_loop3A_448], %parallel_loop3A_445 {strides = array<i32>} : memref<16384xf32, #tpu.memory_space<vmem>>, vector<16xf32>,
        %parallel_loop3A_450 = tpu.vector_load_idx %arg6[%parallel_loop3A_332, %add3A_140] : memref<512x32xf32, #tpu.memory_space<vmem>>[vector<16xi32>, vector<16xi32>], vector<16xf32>,
        %parallel_loop3A_451 = arith.constant 8960 : i32
        %parallel_loop3A_452 = arith.addi %parallel_loop3A_451, %parallel_loop3A_339 : i32
        %parallel_loop3A_453 = arith.index_cast %parallel_loop3A_452 : i32 to index
        %parallel_loop3A_454 = tpu.vector_load %arg8[%parallel_loop3A_453] {strides = array<i32>} : memref<16384xf32, #tpu.memory_space<vmem>>, vector<16xf32>,
        tpu.vector_store %arg8[%parallel_loop3A_453], %parallel_loop3A_450 {strides = array<i32>} : memref<16384xf32, #tpu.memory_space<vmem>>, vector<16xf32>,
        %parallel_loop3A_455 = tpu.vector_load_idx %arg6[%parallel_loop3A_332, %add3A_146] : memref<512x32xf32, #tpu.memory_space<vmem>>[vector<16xi32>, vector<16xi32>], vector<16xf32>,
        %parallel_loop3A_456 = arith.constant 9088 : i32
        %parallel_loop3A_457 = arith.addi %parallel_loop3A_456, %parallel_loop3A_339 : i32
        %parallel_loop3A_458 = arith.index_cast %parallel_loop3A_457 : i32 to index
        %parallel_loop3A_459 = tpu.vector_load %arg8[%parallel_loop3A_458] {strides = array<i32>} : memref<16384xf32, #tpu.memory_space<vmem>>, vector<16xf32>,
        tpu.vector_store %arg8[%parallel_loop3A_458], %parallel_loop3A_455 {strides = array<i32>} : memref<16384xf32, #tpu.memory_space<vmem>>, vector<16xf32>,
        %parallel_loop3A_460 = tpu.vector_load_idx %arg6[%parallel_loop3A_332, %add3A_152] : memref<512x32xf32, #tpu.memory_space<vmem>>[vector<16xi32>, vector<16xi32>], vector<16xf32>,
        %parallel_loop3A_461 = arith.constant 12288 : i32
        %parallel_loop3A_462 = arith.addi %parallel_loop3A_461, %parallel_loop3A_339 : i32
        %parallel_loop3A_463 = arith.index_cast %parallel_loop3A_462 : i32 to index
        %parallel_loop3A_464 = tpu.vector_load %arg8[%parallel_loop3A_463] {strides = array<i32>} : memref<16384xf32, #tpu.memory_space<vmem>>, vector<16xf32>,
        tpu.vector_store %arg8[%parallel_loop3A_463], %parallel_loop3A_460 {strides = array<i32>} : memref<16384xf32, #tpu.memory_space<vmem>>, vector<16xf32>,
        %parallel_loop3A_465 = tpu.vector_load_idx %arg6[%parallel_loop3A_332, %add3A_158] : memref<512x32xf32, #tpu.memory_space<vmem>>[vector<16xi32>, vector<16xi32>], vector<16xf32>,
        %parallel_loop3A_466 = arith.constant 12416 : i32
        %parallel_loop3A_467 = arith.addi %parallel_loop3A_466, %parallel_loop3A_339 : i32
        %parallel_loop3A_468 = arith.index_cast %parallel_loop3A_467 : i32 to index
        %parallel_loop3A_469 = tpu.vector_load %arg8[%parallel_loop3A_468] {strides = array<i32>} : memref<16384xf32, #tpu.memory_space<vmem>>, vector<16xf32>,
        tpu.vector_store %arg8[%parallel_loop3A_468], %parallel_loop3A_465 {strides = array<i32>} : memref<16384xf32, #tpu.memory_space<vmem>>, vector<16xf32>,
        %parallel_loop3A_470 = tpu.vector_load_idx %arg6[%parallel_loop3A_332, %add3A_164] : memref<512x32xf32, #tpu.memory_space<vmem>>[vector<16xi32>, vector<16xi32>], vector<16xf32>,
        %parallel_loop3A_471 = arith.constant 12544 : i32
        %parallel_loop3A_472 = arith.addi %parallel_loop3A_471, %parallel_loop3A_339 : i32
        %parallel_loop3A_473 = arith.index_cast %parallel_loop3A_472 : i32 to index
        %parallel_loop3A_474 = tpu.vector_load %arg8[%parallel_loop3A_473] {strides = array<i32>} : memref<16384xf32, #tpu.memory_space<vmem>>, vector<16xf32>,
        tpu.vector_store %arg8[%parallel_loop3A_473], %parallel_loop3A_470 {strides = array<i32>} : memref<16384xf32, #tpu.memory_space<vmem>>, vector<16xf32>,
        %parallel_loop3A_475 = tpu.vector_load_idx %arg6[%parallel_loop3A_332, %add3A_170] : memref<512x32xf32, #tpu.memory_space<vmem>>[vector<16xi32>, vector<16xi32>], vector<16xf32>,
        %parallel_loop3A_476 = arith.constant 12672 : i32
        %parallel_loop3A_477 = arith.addi %parallel_loop3A_476, %parallel_loop3A_339 : i32
        %parallel_loop3A_478 = arith.index_cast %parallel_loop3A_477 : i32 to index
        %parallel_loop3A_479 = tpu.vector_load %arg8[%parallel_loop3A_478] {strides = array<i32>} : memref<16384xf32, #tpu.memory_space<vmem>>, vector<16xf32>,
        tpu.vector_store %arg8[%parallel_loop3A_478], %parallel_loop3A_475 {strides = array<i32>} : memref<16384xf32, #tpu.memory_space<vmem>>, vector<16xf32>,
        %parallel_loop3A_480 = tpu.vector_load_idx %arg6[%parallel_loop3A_332, %add3A_176] : memref<512x32xf32, #tpu.memory_space<vmem>>[vector<16xi32>, vector<16xi32>], vector<16xf32>,
        %parallel_loop3A_481 = arith.constant 12800 : i32
        %parallel_loop3A_482 = arith.addi %parallel_loop3A_481, %parallel_loop3A_339 : i32
        %parallel_loop3A_483 = arith.index_cast %parallel_loop3A_482 : i32 to index
        %parallel_loop3A_484 = tpu.vector_load %arg8[%parallel_loop3A_483] {strides = array<i32>} : memref<16384xf32, #tpu.memory_space<vmem>>, vector<16xf32>,
        tpu.vector_store %arg8[%parallel_loop3A_483], %parallel_loop3A_480 {strides = array<i32>} : memref<16384xf32, #tpu.memory_space<vmem>>, vector<16xf32>,
        %parallel_loop3A_485 = tpu.vector_load_idx %arg6[%parallel_loop3A_332, %add3A_182] : memref<512x32xf32, #tpu.memory_space<vmem>>[vector<16xi32>, vector<16xi32>], vector<16xf32>,
        %parallel_loop3A_486 = arith.constant 12928 : i32
        %parallel_loop3A_487 = arith.addi %parallel_loop3A_486, %parallel_loop3A_339 : i32
        %parallel_loop3A_488 = arith.index_cast %parallel_loop3A_487 : i32 to index
        %parallel_loop3A_489 = tpu.vector_load %arg8[%parallel_loop3A_488] {strides = array<i32>} : memref<16384xf32, #tpu.memory_space<vmem>>, vector<16xf32>,
        tpu.vector_store %arg8[%parallel_loop3A_488], %parallel_loop3A_485 {strides = array<i32>} : memref<16384xf32, #tpu.memory_space<vmem>>, vector<16xf32>,
        %parallel_loop3A_490 = tpu.vector_load_idx %arg6[%parallel_loop3A_332, %add3A_188] : memref<512x32xf32, #tpu.memory_space<vmem>>[vector<16xi32>, vector<16xi32>], vector<16xf32>,
        %parallel_loop3A_491 = arith.constant 13056 : i32
        %parallel_loop3A_492 = arith.addi %parallel_loop3A_491, %parallel_loop3A_339 : i32
        %parallel_loop3A_493 = arith.index_cast %parallel_loop3A_492 : i32 to index
        %parallel_loop3A_494 = tpu.vector_load %arg8[%parallel_loop3A_493] {strides = array<i32>} : memref<16384xf32, #tpu.memory_space<vmem>>, vector<16xf32>,
        tpu.vector_store %arg8[%parallel_loop3A_493], %parallel_loop3A_490 {strides = array<i32>} : memref<16384xf32, #tpu.memory_space<vmem>>, vector<16xf32>,
        %parallel_loop3A_495 = tpu.vector_load_idx %arg6[%parallel_loop3A_332, %add3A_194] : memref<512x32xf32, #tpu.memory_space<vmem>>[vector<16xi32>, vector<16xi32>], vector<16xf32>,
        %parallel_loop3A_496 = arith.constant 13184 : i32
        %parallel_loop3A_497 = arith.addi %parallel_loop3A_496, %parallel_loop3A_339 : i32
        %parallel_loop3A_498 = arith.index_cast %parallel_loop3A_497 : i32 to index
        %parallel_loop3A_499 = tpu.vector_load %arg8[%parallel_loop3A_498] {strides = array<i32>} : memref<16384xf32, #tpu.memory_space<vmem>>, vector<16xf32>,
        tpu.vector_store %arg8[%parallel_loop3A_498], %parallel_loop3A_495 {strides = array<i32>} : memref<16384xf32, #tpu.memory_space<vmem>>, vector<16xf32>,
      } {sc.loop_unroll_factor = 2 : i64, sc.parallel_access}
      %jit3A = arith.constant 128 : i32
      %div3A = arith.divsi %mul3A_2, %jit3A : i32
      %sign3A = arith.constant 0 : i32
      %sign3A_222 = arith.cmpi sgt, %mul3A_2, %sign3A : i32
      %sign3A_223 = arith.extui %sign3A_222 : i1 to i32
      %sign3A_224 = arith.constant 0 : i32
      %sign3A_225 = arith.cmpi slt, %mul3A_2, %sign3A_224 : i32
      %sign3A_226 = arith.extui %sign3A_225 : i1 to i32
      %sign3A_227 = arith.subi %sign3A_223, %sign3A_226 : i32
      %sign3A_228 = arith.constant 0 : i32
      %sign3A_229 = arith.cmpi sgt, %jit3A, %sign3A_228 : i32
      %sign3A_230 = arith.extui %sign3A_229 : i1 to i32
      %sign3A_231 = arith.constant 0 : i32
      %sign3A_232 = arith.cmpi slt, %jit3A, %sign3A_231 : i32
      %sign3A_233 = arith.extui %sign3A_232 : i1 to i32
      %sign3A_234 = arith.subi %sign3A_230, %sign3A_233 : i32
      %ne3A = arith.cmpi ne, %sign3A_227, %sign3A_234 : i32
      %rem3A = arith.remsi %mul3A_2, %jit3A : i32
      %ne3A_235 = arith.constant 0 : i32
      %ne3A_236 = arith.cmpi ne, %rem3A, %ne3A_235 : i32
      %and3A = arith.andi %ne3A, %ne3A_236 : i1
      %sub3A = arith.constant 1 : i32
      %sub3A_237 = arith.subi %div3A, %sub3A : i32
      %select_n3A = arith.select %and3A, %sub3A_237, %div3A : i32
      %mul3A_238 = arith.constant 4 : i32
      %mul3A_239 = arith.muli %mul3A_206, %mul3A_238 : i32
      %add3A_240 = arith.addi %select_n3A, %mul3A_239 : i32
      %shift_right_arithmetic3A = arith.constant 7 : i32
      %shift_right_arithmetic3A_241 = arith.shrsi %add3A_240, %shift_right_arithmetic3A : i32
      %and3A_242 = arith.constant 127 : i32
      %and3A_243 = arith.andi %add3A_240, %and3A_242 : i32
      %mul3A_244 = arith.constant 4096 : i32
      %mul3A_245 = arith.muli %shift_right_arithmetic3A_241, %mul3A_244 : i32
      %mul3A_246 = arith.constant 8 : i32
      %mul3A_247 = arith.muli %and3A_243, %mul3A_246 : i32
      %add3A_248 = arith.addi %mul3A_245, %mul3A_247 : i32
      %add3A_249 = arith.constant 0 : i32
      %add3A_250 = arith.addi %add3A_248, %add3A_249 : i32
      %mul3A_251 = arith.constant 128 : i32
      %mul3A_252 = arith.muli %add3A_250, %mul3A_251 : i32
      "tpu.region"() ({
        %run_scoped3A = tpu.sem_alloc : memref<!tpu.dma_semaphore, #tpu.memory_space<semaphore_mem>>
        %dma_start3A_330 = arith.constant 0 : i32
        %dma_start3A_331 = tpu.memref_slice %arg8[%dma_start3A_330] : memref<16384xf32, #tpu.memory_space<vmem>> -> memref<4096xf32, #tpu.memory_space<vmem>>
        %dma_start3A_332 = tpu.memref_slice %arg4[%mul3A_252] : memref<13631488xf32, #tpu.memory_space<hbm>> -> memref<4096xf32, #tpu.memory_space<hbm>>
        %dma_start3A_333 = tpu.memref_slice %arg4[%mul3A_252] : memref<13631488xf32, #tpu.memory_space<hbm>> -> memref<4096xf32, #tpu.memory_space<hbm>>
        %dma_start3A_334 = arith.constant 0 : i32
        %dma_start3A_335 = tpu.memref_slice %arg8[%dma_start3A_334] : memref<16384xf32, #tpu.memory_space<vmem>> -> memref<4096xf32, #tpu.memory_space<vmem>>
        tpu.enqueue_dma source(%dma_start3A_335 : memref<4096xf32, #tpu.memory_space<vmem>>) target(%dma_start3A_333 : memref<4096xf32, #tpu.memory_space<hbm>>) target_semaphore(%run_scoped3A : memref<!tpu.dma_semaphore, #tpu.memory_space<semaphore_mem>>)
        %dma_wait3A_336 = arith.constant 0 : i32
        %dma_wait3A_337 = tpu.memref_slice %arg8[%dma_wait3A_336] : memref<16384xf32, #tpu.memory_space<vmem>> -> memref<4096xf32, #tpu.memory_space<vmem>>
        %dma_wait3A_338 = tpu.memref_slice %arg4[%mul3A_252] : memref<13631488xf32, #tpu.memory_space<hbm>> -> memref<4096xf32, #tpu.memory_space<hbm>>
        %dma_wait3A_339 = tpu.memref_slice %arg4[%mul3A_252] : memref<13631488xf32, #tpu.memory_space<hbm>> -> memref<4096xf32, #tpu.memory_space<hbm>>
        %dma_wait3A_340 = arith.constant 0 : i32
        %dma_wait3A_341 = tpu.memref_slice %arg8[%dma_wait3A_340] : memref<16384xf32, #tpu.memory_space<vmem>> -> memref<4096xf32, #tpu.memory_space<vmem>>
        tpu.wait_dma2 semaphore(%run_scoped3A : memref<!tpu.dma_semaphore, #tpu.memory_space<semaphore_mem>>) src(%dma_wait3A_341 : memref<4096xf32, #tpu.memory_space<vmem>>) dst(%dma_wait3A_339 : memref<4096xf32, #tpu.memory_space<hbm>>)
        tpu.yield
      }) : () -> ()
      %add3A_253 = arith.constant 1024 : i32
      %add3A_254 = arith.addi %add3A_248, %add3A_253 : i32
      %mul3A_255 = arith.constant 128 : i32
      %mul3A_256 = arith.muli %add3A_254, %mul3A_255 : i32
      "tpu.region"() ({
        %run_scoped3A = tpu.sem_alloc : memref<!tpu.dma_semaphore, #tpu.memory_space<semaphore_mem>>
        %dma_start3A_330 = arith.constant 4096 : i32
        %dma_start3A_331 = tpu.memref_slice %arg8[%dma_start3A_330] : memref<16384xf32, #tpu.memory_space<vmem>> -> memref<4096xf32, #tpu.memory_space<vmem>>
        %dma_start3A_332 = tpu.memref_slice %arg4[%mul3A_256] : memref<13631488xf32, #tpu.memory_space<hbm>> -> memref<4096xf32, #tpu.memory_space<hbm>>
        %dma_start3A_333 = tpu.memref_slice %arg4[%mul3A_256] : memref<13631488xf32, #tpu.memory_space<hbm>> -> memref<4096xf32, #tpu.memory_space<hbm>>
        %dma_start3A_334 = arith.constant 4096 : i32
        %dma_start3A_335 = tpu.memref_slice %arg8[%dma_start3A_334] : memref<16384xf32, #tpu.memory_space<vmem>> -> memref<4096xf32, #tpu.memory_space<vmem>>
        tpu.enqueue_dma source(%dma_start3A_335 : memref<4096xf32, #tpu.memory_space<vmem>>) target(%dma_start3A_333 : memref<4096xf32, #tpu.memory_space<hbm>>) target_semaphore(%run_scoped3A : memref<!tpu.dma_semaphore, #tpu.memory_space<semaphore_mem>>)
        %dma_wait3A_336 = arith.constant 4096 : i32
        %dma_wait3A_337 = tpu.memref_slice %arg8[%dma_wait3A_336] : memref<16384xf32, #tpu.memory_space<vmem>> -> memref<4096xf32, #tpu.memory_space<vmem>>
        %dma_wait3A_338 = tpu.memref_slice %arg4[%mul3A_256] : memref<13631488xf32, #tpu.memory_space<hbm>> -> memref<4096xf32, #tpu.memory_space<hbm>>
        %dma_wait3A_339 = tpu.memref_slice %arg4[%mul3A_256] : memref<13631488xf32, #tpu.memory_space<hbm>> -> memref<4096xf32, #tpu.memory_space<hbm>>
        %dma_wait3A_340 = arith.constant 4096 : i32
        %dma_wait3A_341 = tpu.memref_slice %arg8[%dma_wait3A_340] : memref<16384xf32, #tpu.memory_space<vmem>> -> memref<4096xf32, #tpu.memory_space<vmem>>
        tpu.wait_dma2 semaphore(%run_scoped3A : memref<!tpu.dma_semaphore, #tpu.memory_space<semaphore_mem>>) src(%dma_wait3A_341 : memref<4096xf32, #tpu.memory_space<vmem>>) dst(%dma_wait3A_339 : memref<4096xf32, #tpu.memory_space<hbm>>)
        tpu.yield
      }) : () -> ()
      %add3A_257 = arith.constant 2048 : i32
      %add3A_258 = arith.addi %add3A_248, %add3A_257 : i32
      %mul3A_259 = arith.constant 128 : i32
      %mul3A_260 = arith.muli %add3A_258, %mul3A_259 : i32
      "tpu.region"() ({
        %run_scoped3A = tpu.sem_alloc : memref<!tpu.dma_semaphore, #tpu.memory_space<semaphore_mem>>
        %dma_start3A_330 = arith.constant 8192 : i32
        %dma_start3A_331 = tpu.memref_slice %arg8[%dma_start3A_330] : memref<16384xf32, #tpu.memory_space<vmem>> -> memref<4096xf32, #tpu.memory_space<vmem>>
        %dma_start3A_332 = tpu.memref_slice %arg4[%mul3A_260] : memref<13631488xf32, #tpu.memory_space<hbm>> -> memref<4096xf32, #tpu.memory_space<hbm>>
        %dma_start3A_333 = tpu.memref_slice %arg4[%mul3A_260] : memref<13631488xf32, #tpu.memory_space<hbm>> -> memref<4096xf32, #tpu.memory_space<hbm>>
        %dma_start3A_334 = arith.constant 8192 : i32
        %dma_start3A_335 = tpu.memref_slice %arg8[%dma_start3A_334] : memref<16384xf32, #tpu.memory_space<vmem>> -> memref<4096xf32, #tpu.memory_space<vmem>>
        tpu.enqueue_dma source(%dma_start3A_335 : memref<4096xf32, #tpu.memory_space<vmem>>) target(%dma_start3A_333 : memref<4096xf32, #tpu.memory_space<hbm>>) target_semaphore(%run_scoped3A : memref<!tpu.dma_semaphore, #tpu.memory_space<semaphore_mem>>)
        %dma_wait3A_336 = arith.constant 8192 : i32
        %dma_wait3A_337 = tpu.memref_slice %arg8[%dma_wait3A_336] : memref<16384xf32, #tpu.memory_space<vmem>> -> memref<4096xf32, #tpu.memory_space<vmem>>
        %dma_wait3A_338 = tpu.memref_slice %arg4[%mul3A_260] : memref<13631488xf32, #tpu.memory_space<hbm>> -> memref<4096xf32, #tpu.memory_space<hbm>>
        %dma_wait3A_339 = tpu.memref_slice %arg4[%mul3A_260] : memref<13631488xf32, #tpu.memory_space<hbm>> -> memref<4096xf32, #tpu.memory_space<hbm>>
        %dma_wait3A_340 = arith.constant 8192 : i32
        %dma_wait3A_341 = tpu.memref_slice %arg8[%dma_wait3A_340] : memref<16384xf32, #tpu.memory_space<vmem>> -> memref<4096xf32, #tpu.memory_space<vmem>>
        tpu.wait_dma2 semaphore(%run_scoped3A : memref<!tpu.dma_semaphore, #tpu.memory_space<semaphore_mem>>) src(%dma_wait3A_341 : memref<4096xf32, #tpu.memory_space<vmem>>) dst(%dma_wait3A_339 : memref<4096xf32, #tpu.memory_space<hbm>>)
        tpu.yield
      }) : () -> ()
      %add3A_261 = arith.constant 3072 : i32
      %add3A_262 = arith.addi %add3A_248, %add3A_261 : i32
      %mul3A_263 = arith.constant 128 : i32
      %mul3A_264 = arith.muli %add3A_262, %mul3A_263 : i32
      "tpu.region"() ({
        %run_scoped3A = tpu.sem_alloc : memref<!tpu.dma_semaphore, #tpu.memory_space<semaphore_mem>>
        %dma_start3A_330 = arith.constant 12288 : i32
        %dma_start3A_331 = tpu.memref_slice %arg8[%dma_start3A_330] : memref<16384xf32, #tpu.memory_space<vmem>> -> memref<4096xf32, #tpu.memory_space<vmem>>
        %dma_start3A_332 = tpu.memref_slice %arg4[%mul3A_264] : memref<13631488xf32, #tpu.memory_space<hbm>> -> memref<4096xf32, #tpu.memory_space<hbm>>
        %dma_start3A_333 = tpu.memref_slice %arg4[%mul3A_264] : memref<13631488xf32, #tpu.memory_space<hbm>> -> memref<4096xf32, #tpu.memory_space<hbm>>
        %dma_start3A_334 = arith.constant 12288 : i32
        %dma_start3A_335 = tpu.memref_slice %arg8[%dma_start3A_334] : memref<16384xf32, #tpu.memory_space<vmem>> -> memref<4096xf32, #tpu.memory_space<vmem>>
        tpu.enqueue_dma source(%dma_start3A_335 : memref<4096xf32, #tpu.memory_space<vmem>>) target(%dma_start3A_333 : memref<4096xf32, #tpu.memory_space<hbm>>) target_semaphore(%run_scoped3A : memref<!tpu.dma_semaphore, #tpu.memory_space<semaphore_mem>>)
        %dma_wait3A_336 = arith.constant 12288 : i32
        %dma_wait3A_337 = tpu.memref_slice %arg8[%dma_wait3A_336] : memref<16384xf32, #tpu.memory_space<vmem>> -> memref<4096xf32, #tpu.memory_space<vmem>>
        %dma_wait3A_338 = tpu.memref_slice %arg4[%mul3A_264] : memref<13631488xf32, #tpu.memory_space<hbm>> -> memref<4096xf32, #tpu.memory_space<hbm>>
        %dma_wait3A_339 = tpu.memref_slice %arg4[%mul3A_264] : memref<13631488xf32, #tpu.memory_space<hbm>> -> memref<4096xf32, #tpu.memory_space<hbm>>
        %dma_wait3A_340 = arith.constant 12288 : i32
        %dma_wait3A_341 = tpu.memref_slice %arg8[%dma_wait3A_340] : memref<16384xf32, #tpu.memory_space<vmem>> -> memref<4096xf32, #tpu.memory_space<vmem>>
        tpu.wait_dma2 semaphore(%run_scoped3A : memref<!tpu.dma_semaphore, #tpu.memory_space<semaphore_mem>>) src(%dma_wait3A_341 : memref<4096xf32, #tpu.memory_space<vmem>>) dst(%dma_wait3A_339 : memref<4096xf32, #tpu.memory_space<hbm>>)
        tpu.yield
      }) : () -> ()
      %lt3A = arith.constant 12 : i32
      %lt3A_265 = arith.cmpi slt, %scan3A_204, %lt3A : i32
      %convert_element_type3A = arith.extui %lt3A_265 : i1 to i32
      %cond3A = arith.constant 0 : i32
      %cond3A_266 = arith.cmpi ne, %convert_element_type3A, %cond3A : i32
      scf.if %cond3A_266 {
        %add3A_330 = arith.constant 2 : i32
        %add3A_331 = arith.addi %mul3A_206, %add3A_330 : i32
        %mul3A_332 = arith.constant 512 : i32
        %mul3A_333 = arith.muli %add3A_331, %mul3A_332 : i32
        %dma_start3A_334 = tpu.memref_slice %arg5[%mul3A_333] : memref<13312xi32, #tpu.memory_space<vmem>> -> memref<512xi32, #tpu.memory_space<vmem>>
        %dma_start3A_335 = arith.constant 0 : i32
        %dma_start3A_336 = arith.constant 0 : i32
        %dma_start3A_337 = tpu.memref_slice %arg3[%dma_start3A_335, %dma_start3A_336] : memref<1000000x32xf32, #tpu.memory_space<hbm>> -> memref<1000000x32xf32, #tpu.memory_space<hbm>>
        tpu.enqueue_indirect_dma source(%dma_start3A_337 : memref<1000000x32xf32, #tpu.memory_space<hbm>>) target(%arg6 : memref<512x32xf32, #tpu.memory_space<vmem>>) offsets(%dma_start3A_334 : memref<512xi32, #tpu.memory_space<vmem>>) semaphore(%arg9 : memref<!tpu.dma_semaphore, #tpu.memory_space<semaphore_mem>>)
      } else {
      }
      %dma_wait3A_267 = arith.constant 0 : i32
      %dma_wait3A_268 = arith.constant 0 : i32
      %dma_wait3A_269 = tpu.memref_slice %arg3[%dma_wait3A_267, %dma_wait3A_268] : memref<1000000x32xf32, #tpu.memory_space<hbm>> -> memref<512x32xf32, #tpu.memory_space<hbm>>
      %dma_wait3A_270 = arith.constant 0 : i32
      %dma_wait3A_271 = arith.constant 0 : i32
      %dma_wait3A_272 = tpu.memref_slice %arg3[%dma_wait3A_270, %dma_wait3A_271] : memref<1000000x32xf32, #tpu.memory_space<hbm>> -> memref<512x32xf32, #tpu.memory_space<hbm>>
      tpu.wait_dma2 semaphore(%arg10 : memref<!tpu.dma_semaphore, #tpu.memory_space<semaphore_mem>>) src(%dma_wait3A_272 : memref<512x32xf32, #tpu.memory_space<hbm>>) dst(%arg7 : memref<512x32xf32, #tpu.memory_space<vmem>>)
      %add3A_273 = arith.constant 1 : i32
      %add3A_274 = arith.addi %mul3A_206, %add3A_273 : i32
      %parallel_loop3A_275 = arith.constant 0 : i32
      %parallel_loop3A_276 = arith.constant 512 : i32
      %parallel_loop3A_277 = arith.constant 16 : i32
      scf.for %parallel_loop3A_330 = %parallel_loop3A_275 to %parallel_loop3A_276 step %parallel_loop3A_277  : i32 {
        %parallel_loop3A_331 = vector.broadcast %parallel_loop3A_330 : i32 to vector<16xi32>
        %parallel_loop3A_332 = arith.addi %iota3A, %parallel_loop3A_331 : vector<16xi32>
        %parallel_loop3A_333 = arith.constant 7 : i32
        %parallel_loop3A_334 = arith.shrsi %parallel_loop3A_330, %parallel_loop3A_333 : i32
        %parallel_loop3A_335 = arith.constant 1024 : i32
        %parallel_loop3A_336 = arith.muli %parallel_loop3A_334, %parallel_loop3A_335 : i32
        %parallel_loop3A_337 = arith.constant 127 : i32
        %parallel_loop3A_338 = arith.andi %parallel_loop3A_330, %parallel_loop3A_337 : i32
        %parallel_loop3A_339 = arith.addi %parallel_loop3A_336, %parallel_loop3A_338 : i32
        %parallel_loop3A_340 = tpu.vector_load_idx %arg7[%parallel_loop3A_332, %add3A_8] : memref<512x32xf32, #tpu.memory_space<vmem>>[vector<16xi32>, vector<16xi32>], vector<16xf32>,
        %parallel_loop3A_341 = arith.constant 0 : i32
        %parallel_loop3A_342 = arith.addi %parallel_loop3A_341, %parallel_loop3A_339 : i32
        %parallel_loop3A_343 = arith.index_cast %parallel_loop3A_342 : i32 to index
        %parallel_loop3A_344 = tpu.vector_load %arg8[%parallel_loop3A_343] {strides = array<i32>} : memref<16384xf32, #tpu.memory_space<vmem>>, vector<16xf32>,
        tpu.vector_store %arg8[%parallel_loop3A_343], %parallel_loop3A_340 {strides = array<i32>} : memref<16384xf32, #tpu.memory_space<vmem>>, vector<16xf32>,
        %parallel_loop3A_345 = tpu.vector_load_idx %arg7[%parallel_loop3A_332, %add3A_14] : memref<512x32xf32, #tpu.memory_space<vmem>>[vector<16xi32>, vector<16xi32>], vector<16xf32>,
        %parallel_loop3A_346 = arith.constant 128 : i32
        %parallel_loop3A_347 = arith.addi %parallel_loop3A_346, %parallel_loop3A_339 : i32
        %parallel_loop3A_348 = arith.index_cast %parallel_loop3A_347 : i32 to index
        %parallel_loop3A_349 = tpu.vector_load %arg8[%parallel_loop3A_348] {strides = array<i32>} : memref<16384xf32, #tpu.memory_space<vmem>>, vector<16xf32>,
        tpu.vector_store %arg8[%parallel_loop3A_348], %parallel_loop3A_345 {strides = array<i32>} : memref<16384xf32, #tpu.memory_space<vmem>>, vector<16xf32>,
        %parallel_loop3A_350 = tpu.vector_load_idx %arg7[%parallel_loop3A_332, %add3A_20] : memref<512x32xf32, #tpu.memory_space<vmem>>[vector<16xi32>, vector<16xi32>], vector<16xf32>,
        %parallel_loop3A_351 = arith.constant 256 : i32
        %parallel_loop3A_352 = arith.addi %parallel_loop3A_351, %parallel_loop3A_339 : i32
        %parallel_loop3A_353 = arith.index_cast %parallel_loop3A_352 : i32 to index
        %parallel_loop3A_354 = tpu.vector_load %arg8[%parallel_loop3A_353] {strides = array<i32>} : memref<16384xf32, #tpu.memory_space<vmem>>, vector<16xf32>,
        tpu.vector_store %arg8[%parallel_loop3A_353], %parallel_loop3A_350 {strides = array<i32>} : memref<16384xf32, #tpu.memory_space<vmem>>, vector<16xf32>,
        %parallel_loop3A_355 = tpu.vector_load_idx %arg7[%parallel_loop3A_332, %add3A_26] : memref<512x32xf32, #tpu.memory_space<vmem>>[vector<16xi32>, vector<16xi32>], vector<16xf32>,
        %parallel_loop3A_356 = arith.constant 384 : i32
        %parallel_loop3A_357 = arith.addi %parallel_loop3A_356, %parallel_loop3A_339 : i32
        %parallel_loop3A_358 = arith.index_cast %parallel_loop3A_357 : i32 to index
        %parallel_loop3A_359 = tpu.vector_load %arg8[%parallel_loop3A_358] {strides = array<i32>} : memref<16384xf32, #tpu.memory_space<vmem>>, vector<16xf32>,
        tpu.vector_store %arg8[%parallel_loop3A_358], %parallel_loop3A_355 {strides = array<i32>} : memref<16384xf32, #tpu.memory_space<vmem>>, vector<16xf32>,
        %parallel_loop3A_360 = tpu.vector_load_idx %arg7[%parallel_loop3A_332, %add3A_32] : memref<512x32xf32, #tpu.memory_space<vmem>>[vector<16xi32>, vector<16xi32>], vector<16xf32>,
        %parallel_loop3A_361 = arith.constant 512 : i32
        %parallel_loop3A_362 = arith.addi %parallel_loop3A_361, %parallel_loop3A_339 : i32
        %parallel_loop3A_363 = arith.index_cast %parallel_loop3A_362 : i32 to index
        %parallel_loop3A_364 = tpu.vector_load %arg8[%parallel_loop3A_363] {strides = array<i32>} : memref<16384xf32, #tpu.memory_space<vmem>>, vector<16xf32>,
        tpu.vector_store %arg8[%parallel_loop3A_363], %parallel_loop3A_360 {strides = array<i32>} : memref<16384xf32, #tpu.memory_space<vmem>>, vector<16xf32>,
        %parallel_loop3A_365 = tpu.vector_load_idx %arg7[%parallel_loop3A_332, %add3A_38] : memref<512x32xf32, #tpu.memory_space<vmem>>[vector<16xi32>, vector<16xi32>], vector<16xf32>,
        %parallel_loop3A_366 = arith.constant 640 : i32
        %parallel_loop3A_367 = arith.addi %parallel_loop3A_366, %parallel_loop3A_339 : i32
        %parallel_loop3A_368 = arith.index_cast %parallel_loop3A_367 : i32 to index
        %parallel_loop3A_369 = tpu.vector_load %arg8[%parallel_loop3A_368] {strides = array<i32>} : memref<16384xf32, #tpu.memory_space<vmem>>, vector<16xf32>,
        tpu.vector_store %arg8[%parallel_loop3A_368], %parallel_loop3A_365 {strides = array<i32>} : memref<16384xf32, #tpu.memory_space<vmem>>, vector<16xf32>,
        %parallel_loop3A_370 = tpu.vector_load_idx %arg7[%parallel_loop3A_332, %add3A_44] : memref<512x32xf32, #tpu.memory_space<vmem>>[vector<16xi32>, vector<16xi32>], vector<16xf32>,
        %parallel_loop3A_371 = arith.constant 768 : i32
        %parallel_loop3A_372 = arith.addi %parallel_loop3A_371, %parallel_loop3A_339 : i32
        %parallel_loop3A_373 = arith.index_cast %parallel_loop3A_372 : i32 to index
        %parallel_loop3A_374 = tpu.vector_load %arg8[%parallel_loop3A_373] {strides = array<i32>} : memref<16384xf32, #tpu.memory_space<vmem>>, vector<16xf32>,
        tpu.vector_store %arg8[%parallel_loop3A_373], %parallel_loop3A_370 {strides = array<i32>} : memref<16384xf32, #tpu.memory_space<vmem>>, vector<16xf32>,
        %parallel_loop3A_375 = tpu.vector_load_idx %arg7[%parallel_loop3A_332, %add3A_50] : memref<512x32xf32, #tpu.memory_space<vmem>>[vector<16xi32>, vector<16xi32>], vector<16xf32>,
        %parallel_loop3A_376 = arith.constant 896 : i32
        %parallel_loop3A_377 = arith.addi %parallel_loop3A_376, %parallel_loop3A_339 : i32
        %parallel_loop3A_378 = arith.index_cast %parallel_loop3A_377 : i32 to index
        %parallel_loop3A_379 = tpu.vector_load %arg8[%parallel_loop3A_378] {strides = array<i32>} : memref<16384xf32, #tpu.memory_space<vmem>>, vector<16xf32>,
        tpu.vector_store %arg8[%parallel_loop3A_378], %parallel_loop3A_375 {strides = array<i32>} : memref<16384xf32, #tpu.memory_space<vmem>>, vector<16xf32>,
        %parallel_loop3A_380 = tpu.vector_load_idx %arg7[%parallel_loop3A_332, %add3A_56] : memref<512x32xf32, #tpu.memory_space<vmem>>[vector<16xi32>, vector<16xi32>], vector<16xf32>,
        %parallel_loop3A_381 = arith.constant 4096 : i32
        %parallel_loop3A_382 = arith.addi %parallel_loop3A_381, %parallel_loop3A_339 : i32
        %parallel_loop3A_383 = arith.index_cast %parallel_loop3A_382 : i32 to index
        %parallel_loop3A_384 = tpu.vector_load %arg8[%parallel_loop3A_383] {strides = array<i32>} : memref<16384xf32, #tpu.memory_space<vmem>>, vector<16xf32>,
        tpu.vector_store %arg8[%parallel_loop3A_383], %parallel_loop3A_380 {strides = array<i32>} : memref<16384xf32, #tpu.memory_space<vmem>>, vector<16xf32>,
        %parallel_loop3A_385 = tpu.vector_load_idx %arg7[%parallel_loop3A_332, %add3A_62] : memref<512x32xf32, #tpu.memory_space<vmem>>[vector<16xi32>, vector<16xi32>], vector<16xf32>,
        %parallel_loop3A_386 = arith.constant 4224 : i32
        %parallel_loop3A_387 = arith.addi %parallel_loop3A_386, %parallel_loop3A_339 : i32
        %parallel_loop3A_388 = arith.index_cast %parallel_loop3A_387 : i32 to index
        %parallel_loop3A_389 = tpu.vector_load %arg8[%parallel_loop3A_388] {strides = array<i32>} : memref<16384xf32, #tpu.memory_space<vmem>>, vector<16xf32>,
        tpu.vector_store %arg8[%parallel_loop3A_388], %parallel_loop3A_385 {strides = array<i32>} : memref<16384xf32, #tpu.memory_space<vmem>>, vector<16xf32>,
        %parallel_loop3A_390 = tpu.vector_load_idx %arg7[%parallel_loop3A_332, %add3A_68] : memref<512x32xf32, #tpu.memory_space<vmem>>[vector<16xi32>, vector<16xi32>], vector<16xf32>,
        %parallel_loop3A_391 = arith.constant 4352 : i32
        %parallel_loop3A_392 = arith.addi %parallel_loop3A_391, %parallel_loop3A_339 : i32
        %parallel_loop3A_393 = arith.index_cast %parallel_loop3A_392 : i32 to index
        %parallel_loop3A_394 = tpu.vector_load %arg8[%parallel_loop3A_393] {strides = array<i32>} : memref<16384xf32, #tpu.memory_space<vmem>>, vector<16xf32>,
        tpu.vector_store %arg8[%parallel_loop3A_393], %parallel_loop3A_390 {strides = array<i32>} : memref<16384xf32, #tpu.memory_space<vmem>>, vector<16xf32>,
        %parallel_loop3A_395 = tpu.vector_load_idx %arg7[%parallel_loop3A_332, %add3A_74] : memref<512x32xf32, #tpu.memory_space<vmem>>[vector<16xi32>, vector<16xi32>], vector<16xf32>,
        %parallel_loop3A_396 = arith.constant 4480 : i32
        %parallel_loop3A_397 = arith.addi %parallel_loop3A_396, %parallel_loop3A_339 : i32
        %parallel_loop3A_398 = arith.index_cast %parallel_loop3A_397 : i32 to index
        %parallel_loop3A_399 = tpu.vector_load %arg8[%parallel_loop3A_398] {strides = array<i32>} : memref<16384xf32, #tpu.memory_space<vmem>>, vector<16xf32>,
        tpu.vector_store %arg8[%parallel_loop3A_398], %parallel_loop3A_395 {strides = array<i32>} : memref<16384xf32, #tpu.memory_space<vmem>>, vector<16xf32>,
        %parallel_loop3A_400 = tpu.vector_load_idx %arg7[%parallel_loop3A_332, %add3A_80] : memref<512x32xf32, #tpu.memory_space<vmem>>[vector<16xi32>, vector<16xi32>], vector<16xf32>,
        %parallel_loop3A_401 = arith.constant 4608 : i32
        %parallel_loop3A_402 = arith.addi %parallel_loop3A_401, %parallel_loop3A_339 : i32
        %parallel_loop3A_403 = arith.index_cast %parallel_loop3A_402 : i32 to index
        %parallel_loop3A_404 = tpu.vector_load %arg8[%parallel_loop3A_403] {strides = array<i32>} : memref<16384xf32, #tpu.memory_space<vmem>>, vector<16xf32>,
        tpu.vector_store %arg8[%parallel_loop3A_403], %parallel_loop3A_400 {strides = array<i32>} : memref<16384xf32, #tpu.memory_space<vmem>>, vector<16xf32>,
        %parallel_loop3A_405 = tpu.vector_load_idx %arg7[%parallel_loop3A_332, %add3A_86] : memref<512x32xf32, #tpu.memory_space<vmem>>[vector<16xi32>, vector<16xi32>], vector<16xf32>,
        %parallel_loop3A_406 = arith.constant 4736 : i32
        %parallel_loop3A_407 = arith.addi %parallel_loop3A_406, %parallel_loop3A_339 : i32
        %parallel_loop3A_408 = arith.index_cast %parallel_loop3A_407 : i32 to index
        %parallel_loop3A_409 = tpu.vector_load %arg8[%parallel_loop3A_408] {strides = array<i32>} : memref<16384xf32, #tpu.memory_space<vmem>>, vector<16xf32>,
        tpu.vector_store %arg8[%parallel_loop3A_408], %parallel_loop3A_405 {strides = array<i32>} : memref<16384xf32, #tpu.memory_space<vmem>>, vector<16xf32>,
        %parallel_loop3A_410 = tpu.vector_load_idx %arg7[%parallel_loop3A_332, %add3A_92] : memref<512x32xf32, #tpu.memory_space<vmem>>[vector<16xi32>, vector<16xi32>], vector<16xf32>,
        %parallel_loop3A_411 = arith.constant 4864 : i32
        %parallel_loop3A_412 = arith.addi %parallel_loop3A_411, %parallel_loop3A_339 : i32
        %parallel_loop3A_413 = arith.index_cast %parallel_loop3A_412 : i32 to index
        %parallel_loop3A_414 = tpu.vector_load %arg8[%parallel_loop3A_413] {strides = array<i32>} : memref<16384xf32, #tpu.memory_space<vmem>>, vector<16xf32>,
        tpu.vector_store %arg8[%parallel_loop3A_413], %parallel_loop3A_410 {strides = array<i32>} : memref<16384xf32, #tpu.memory_space<vmem>>, vector<16xf32>,
        %parallel_loop3A_415 = tpu.vector_load_idx %arg7[%parallel_loop3A_332, %add3A_98] : memref<512x32xf32, #tpu.memory_space<vmem>>[vector<16xi32>, vector<16xi32>], vector<16xf32>,
        %parallel_loop3A_416 = arith.constant 4992 : i32
        %parallel_loop3A_417 = arith.addi %parallel_loop3A_416, %parallel_loop3A_339 : i32
        %parallel_loop3A_418 = arith.index_cast %parallel_loop3A_417 : i32 to index
        %parallel_loop3A_419 = tpu.vector_load %arg8[%parallel_loop3A_418] {strides = array<i32>} : memref<16384xf32, #tpu.memory_space<vmem>>, vector<16xf32>,
        tpu.vector_store %arg8[%parallel_loop3A_418], %parallel_loop3A_415 {strides = array<i32>} : memref<16384xf32, #tpu.memory_space<vmem>>, vector<16xf32>,
        %parallel_loop3A_420 = tpu.vector_load_idx %arg7[%parallel_loop3A_332, %add3A_104] : memref<512x32xf32, #tpu.memory_space<vmem>>[vector<16xi32>, vector<16xi32>], vector<16xf32>,
        %parallel_loop3A_421 = arith.constant 8192 : i32
        %parallel_loop3A_422 = arith.addi %parallel_loop3A_421, %parallel_loop3A_339 : i32
        %parallel_loop3A_423 = arith.index_cast %parallel_loop3A_422 : i32 to index
        %parallel_loop3A_424 = tpu.vector_load %arg8[%parallel_loop3A_423] {strides = array<i32>} : memref<16384xf32, #tpu.memory_space<vmem>>, vector<16xf32>,
        tpu.vector_store %arg8[%parallel_loop3A_423], %parallel_loop3A_420 {strides = array<i32>} : memref<16384xf32, #tpu.memory_space<vmem>>, vector<16xf32>,
        %parallel_loop3A_425 = tpu.vector_load_idx %arg7[%parallel_loop3A_332, %add3A_110] : memref<512x32xf32, #tpu.memory_space<vmem>>[vector<16xi32>, vector<16xi32>], vector<16xf32>,
        %parallel_loop3A_426 = arith.constant 8320 : i32
        %parallel_loop3A_427 = arith.addi %parallel_loop3A_426, %parallel_loop3A_339 : i32
        %parallel_loop3A_428 = arith.index_cast %parallel_loop3A_427 : i32 to index
        %parallel_loop3A_429 = tpu.vector_load %arg8[%parallel_loop3A_428] {strides = array<i32>} : memref<16384xf32, #tpu.memory_space<vmem>>, vector<16xf32>,
        tpu.vector_store %arg8[%parallel_loop3A_428], %parallel_loop3A_425 {strides = array<i32>} : memref<16384xf32, #tpu.memory_space<vmem>>, vector<16xf32>,
        %parallel_loop3A_430 = tpu.vector_load_idx %arg7[%parallel_loop3A_332, %add3A_116] : memref<512x32xf32, #tpu.memory_space<vmem>>[vector<16xi32>, vector<16xi32>], vector<16xf32>,
        %parallel_loop3A_431 = arith.constant 8448 : i32
        %parallel_loop3A_432 = arith.addi %parallel_loop3A_431, %parallel_loop3A_339 : i32
        %parallel_loop3A_433 = arith.index_cast %parallel_loop3A_432 : i32 to index
        %parallel_loop3A_434 = tpu.vector_load %arg8[%parallel_loop3A_433] {strides = array<i32>} : memref<16384xf32, #tpu.memory_space<vmem>>, vector<16xf32>,
        tpu.vector_store %arg8[%parallel_loop3A_433], %parallel_loop3A_430 {strides = array<i32>} : memref<16384xf32, #tpu.memory_space<vmem>>, vector<16xf32>,
        %parallel_loop3A_435 = tpu.vector_load_idx %arg7[%parallel_loop3A_332, %add3A_122] : memref<512x32xf32, #tpu.memory_space<vmem>>[vector<16xi32>, vector<16xi32>], vector<16xf32>,
        %parallel_loop3A_436 = arith.constant 8576 : i32
        %parallel_loop3A_437 = arith.addi %parallel_loop3A_436, %parallel_loop3A_339 : i32
        %parallel_loop3A_438 = arith.index_cast %parallel_loop3A_437 : i32 to index
        %parallel_loop3A_439 = tpu.vector_load %arg8[%parallel_loop3A_438] {strides = array<i32>} : memref<16384xf32, #tpu.memory_space<vmem>>, vector<16xf32>,
        tpu.vector_store %arg8[%parallel_loop3A_438], %parallel_loop3A_435 {strides = array<i32>} : memref<16384xf32, #tpu.memory_space<vmem>>, vector<16xf32>,
        %parallel_loop3A_440 = tpu.vector_load_idx %arg7[%parallel_loop3A_332, %add3A_128] : memref<512x32xf32, #tpu.memory_space<vmem>>[vector<16xi32>, vector<16xi32>], vector<16xf32>,
        %parallel_loop3A_441 = arith.constant 8704 : i32
        %parallel_loop3A_442 = arith.addi %parallel_loop3A_441, %parallel_loop3A_339 : i32
        %parallel_loop3A_443 = arith.index_cast %parallel_loop3A_442 : i32 to index
        %parallel_loop3A_444 = tpu.vector_load %arg8[%parallel_loop3A_443] {strides = array<i32>} : memref<16384xf32, #tpu.memory_space<vmem>>, vector<16xf32>,
        tpu.vector_store %arg8[%parallel_loop3A_443], %parallel_loop3A_440 {strides = array<i32>} : memref<16384xf32, #tpu.memory_space<vmem>>, vector<16xf32>,
        %parallel_loop3A_445 = tpu.vector_load_idx %arg7[%parallel_loop3A_332, %add3A_134] : memref<512x32xf32, #tpu.memory_space<vmem>>[vector<16xi32>, vector<16xi32>], vector<16xf32>,
        %parallel_loop3A_446 = arith.constant 8832 : i32
        %parallel_loop3A_447 = arith.addi %parallel_loop3A_446, %parallel_loop3A_339 : i32
        %parallel_loop3A_448 = arith.index_cast %parallel_loop3A_447 : i32 to index
        %parallel_loop3A_449 = tpu.vector_load %arg8[%parallel_loop3A_448] {strides = array<i32>} : memref<16384xf32, #tpu.memory_space<vmem>>, vector<16xf32>,
        tpu.vector_store %arg8[%parallel_loop3A_448], %parallel_loop3A_445 {strides = array<i32>} : memref<16384xf32, #tpu.memory_space<vmem>>, vector<16xf32>,
        %parallel_loop3A_450 = tpu.vector_load_idx %arg7[%parallel_loop3A_332, %add3A_140] : memref<512x32xf32, #tpu.memory_space<vmem>>[vector<16xi32>, vector<16xi32>], vector<16xf32>,
        %parallel_loop3A_451 = arith.constant 8960 : i32
        %parallel_loop3A_452 = arith.addi %parallel_loop3A_451, %parallel_loop3A_339 : i32
        %parallel_loop3A_453 = arith.index_cast %parallel_loop3A_452 : i32 to index
        %parallel_loop3A_454 = tpu.vector_load %arg8[%parallel_loop3A_453] {strides = array<i32>} : memref<16384xf32, #tpu.memory_space<vmem>>, vector<16xf32>,
        tpu.vector_store %arg8[%parallel_loop3A_453], %parallel_loop3A_450 {strides = array<i32>} : memref<16384xf32, #tpu.memory_space<vmem>>, vector<16xf32>,
        %parallel_loop3A_455 = tpu.vector_load_idx %arg7[%parallel_loop3A_332, %add3A_146] : memref<512x32xf32, #tpu.memory_space<vmem>>[vector<16xi32>, vector<16xi32>], vector<16xf32>,
        %parallel_loop3A_456 = arith.constant 9088 : i32
        %parallel_loop3A_457 = arith.addi %parallel_loop3A_456, %parallel_loop3A_339 : i32
        %parallel_loop3A_458 = arith.index_cast %parallel_loop3A_457 : i32 to index
        %parallel_loop3A_459 = tpu.vector_load %arg8[%parallel_loop3A_458] {strides = array<i32>} : memref<16384xf32, #tpu.memory_space<vmem>>, vector<16xf32>,
        tpu.vector_store %arg8[%parallel_loop3A_458], %parallel_loop3A_455 {strides = array<i32>} : memref<16384xf32, #tpu.memory_space<vmem>>, vector<16xf32>,
        %parallel_loop3A_460 = tpu.vector_load_idx %arg7[%parallel_loop3A_332, %add3A_152] : memref<512x32xf32, #tpu.memory_space<vmem>>[vector<16xi32>, vector<16xi32>], vector<16xf32>,
        %parallel_loop3A_461 = arith.constant 12288 : i32
        %parallel_loop3A_462 = arith.addi %parallel_loop3A_461, %parallel_loop3A_339 : i32
        %parallel_loop3A_463 = arith.index_cast %parallel_loop3A_462 : i32 to index
        %parallel_loop3A_464 = tpu.vector_load %arg8[%parallel_loop3A_463] {strides = array<i32>} : memref<16384xf32, #tpu.memory_space<vmem>>, vector<16xf32>,
        tpu.vector_store %arg8[%parallel_loop3A_463], %parallel_loop3A_460 {strides = array<i32>} : memref<16384xf32, #tpu.memory_space<vmem>>, vector<16xf32>,
        %parallel_loop3A_465 = tpu.vector_load_idx %arg7[%parallel_loop3A_332, %add3A_158] : memref<512x32xf32, #tpu.memory_space<vmem>>[vector<16xi32>, vector<16xi32>], vector<16xf32>,
        %parallel_loop3A_466 = arith.constant 12416 : i32
        %parallel_loop3A_467 = arith.addi %parallel_loop3A_466, %parallel_loop3A_339 : i32
        %parallel_loop3A_468 = arith.index_cast %parallel_loop3A_467 : i32 to index
        %parallel_loop3A_469 = tpu.vector_load %arg8[%parallel_loop3A_468] {strides = array<i32>} : memref<16384xf32, #tpu.memory_space<vmem>>, vector<16xf32>,
        tpu.vector_store %arg8[%parallel_loop3A_468], %parallel_loop3A_465 {strides = array<i32>} : memref<16384xf32, #tpu.memory_space<vmem>>, vector<16xf32>,
        %parallel_loop3A_470 = tpu.vector_load_idx %arg7[%parallel_loop3A_332, %add3A_164] : memref<512x32xf32, #tpu.memory_space<vmem>>[vector<16xi32>, vector<16xi32>], vector<16xf32>,
        %parallel_loop3A_471 = arith.constant 12544 : i32
        %parallel_loop3A_472 = arith.addi %parallel_loop3A_471, %parallel_loop3A_339 : i32
        %parallel_loop3A_473 = arith.index_cast %parallel_loop3A_472 : i32 to index
        %parallel_loop3A_474 = tpu.vector_load %arg8[%parallel_loop3A_473] {strides = array<i32>} : memref<16384xf32, #tpu.memory_space<vmem>>, vector<16xf32>,
        tpu.vector_store %arg8[%parallel_loop3A_473], %parallel_loop3A_470 {strides = array<i32>} : memref<16384xf32, #tpu.memory_space<vmem>>, vector<16xf32>,
        %parallel_loop3A_475 = tpu.vector_load_idx %arg7[%parallel_loop3A_332, %add3A_170] : memref<512x32xf32, #tpu.memory_space<vmem>>[vector<16xi32>, vector<16xi32>], vector<16xf32>,
        %parallel_loop3A_476 = arith.constant 12672 : i32
        %parallel_loop3A_477 = arith.addi %parallel_loop3A_476, %parallel_loop3A_339 : i32
        %parallel_loop3A_478 = arith.index_cast %parallel_loop3A_477 : i32 to index
        %parallel_loop3A_479 = tpu.vector_load %arg8[%parallel_loop3A_478] {strides = array<i32>} : memref<16384xf32, #tpu.memory_space<vmem>>, vector<16xf32>,
        tpu.vector_store %arg8[%parallel_loop3A_478], %parallel_loop3A_475 {strides = array<i32>} : memref<16384xf32, #tpu.memory_space<vmem>>, vector<16xf32>,
        %parallel_loop3A_480 = tpu.vector_load_idx %arg7[%parallel_loop3A_332, %add3A_176] : memref<512x32xf32, #tpu.memory_space<vmem>>[vector<16xi32>, vector<16xi32>], vector<16xf32>,
        %parallel_loop3A_481 = arith.constant 12800 : i32
        %parallel_loop3A_482 = arith.addi %parallel_loop3A_481, %parallel_loop3A_339 : i32
        %parallel_loop3A_483 = arith.index_cast %parallel_loop3A_482 : i32 to index
        %parallel_loop3A_484 = tpu.vector_load %arg8[%parallel_loop3A_483] {strides = array<i32>} : memref<16384xf32, #tpu.memory_space<vmem>>, vector<16xf32>,
        tpu.vector_store %arg8[%parallel_loop3A_483], %parallel_loop3A_480 {strides = array<i32>} : memref<16384xf32, #tpu.memory_space<vmem>>, vector<16xf32>,
        %parallel_loop3A_485 = tpu.vector_load_idx %arg7[%parallel_loop3A_332, %add3A_182] : memref<512x32xf32, #tpu.memory_space<vmem>>[vector<16xi32>, vector<16xi32>], vector<16xf32>,
        %parallel_loop3A_486 = arith.constant 12928 : i32
        %parallel_loop3A_487 = arith.addi %parallel_loop3A_486, %parallel_loop3A_339 : i32
        %parallel_loop3A_488 = arith.index_cast %parallel_loop3A_487 : i32 to index
        %parallel_loop3A_489 = tpu.vector_load %arg8[%parallel_loop3A_488] {strides = array<i32>} : memref<16384xf32, #tpu.memory_space<vmem>>, vector<16xf32>,
        tpu.vector_store %arg8[%parallel_loop3A_488], %parallel_loop3A_485 {strides = array<i32>} : memref<16384xf32, #tpu.memory_space<vmem>>, vector<16xf32>,
        %parallel_loop3A_490 = tpu.vector_load_idx %arg7[%parallel_loop3A_332, %add3A_188] : memref<512x32xf32, #tpu.memory_space<vmem>>[vector<16xi32>, vector<16xi32>], vector<16xf32>,
        %parallel_loop3A_491 = arith.constant 13056 : i32
        %parallel_loop3A_492 = arith.addi %parallel_loop3A_491, %parallel_loop3A_339 : i32
        %parallel_loop3A_493 = arith.index_cast %parallel_loop3A_492 : i32 to index
        %parallel_loop3A_494 = tpu.vector_load %arg8[%parallel_loop3A_493] {strides = array<i32>} : memref<16384xf32, #tpu.memory_space<vmem>>, vector<16xf32>,
        tpu.vector_store %arg8[%parallel_loop3A_493], %parallel_loop3A_490 {strides = array<i32>} : memref<16384xf32, #tpu.memory_space<vmem>>, vector<16xf32>,
        %parallel_loop3A_495 = tpu.vector_load_idx %arg7[%parallel_loop3A_332, %add3A_194] : memref<512x32xf32, #tpu.memory_space<vmem>>[vector<16xi32>, vector<16xi32>], vector<16xf32>,
        %parallel_loop3A_496 = arith.constant 13184 : i32
        %parallel_loop3A_497 = arith.addi %parallel_loop3A_496, %parallel_loop3A_339 : i32
        %parallel_loop3A_498 = arith.index_cast %parallel_loop3A_497 : i32 to index
        %parallel_loop3A_499 = tpu.vector_load %arg8[%parallel_loop3A_498] {strides = array<i32>} : memref<16384xf32, #tpu.memory_space<vmem>>, vector<16xf32>,
        tpu.vector_store %arg8[%parallel_loop3A_498], %parallel_loop3A_495 {strides = array<i32>} : memref<16384xf32, #tpu.memory_space<vmem>>, vector<16xf32>,
      } {sc.loop_unroll_factor = 2 : i64, sc.parallel_access}
      %jit3A_278 = arith.constant 128 : i32
      %div3A_279 = arith.divsi %mul3A_2, %jit3A_278 : i32
      %sign3A_280 = arith.constant 0 : i32
      %sign3A_281 = arith.cmpi sgt, %mul3A_2, %sign3A_280 : i32
      %sign3A_282 = arith.extui %sign3A_281 : i1 to i32
      %sign3A_283 = arith.constant 0 : i32
      %sign3A_284 = arith.cmpi slt, %mul3A_2, %sign3A_283 : i32
      %sign3A_285 = arith.extui %sign3A_284 : i1 to i32
      %sign3A_286 = arith.subi %sign3A_282, %sign3A_285 : i32
      %sign3A_287 = arith.constant 0 : i32
      %sign3A_288 = arith.cmpi sgt, %jit3A_278, %sign3A_287 : i32
      %sign3A_289 = arith.extui %sign3A_288 : i1 to i32
      %sign3A_290 = arith.constant 0 : i32
      %sign3A_291 = arith.cmpi slt, %jit3A_278, %sign3A_290 : i32
      %sign3A_292 = arith.extui %sign3A_291 : i1 to i32
      %sign3A_293 = arith.subi %sign3A_289, %sign3A_292 : i32
      %ne3A_294 = arith.cmpi ne, %sign3A_286, %sign3A_293 : i32
      %rem3A_295 = arith.remsi %mul3A_2, %jit3A_278 : i32
      %ne3A_296 = arith.constant 0 : i32
      %ne3A_297 = arith.cmpi ne, %rem3A_295, %ne3A_296 : i32
      %and3A_298 = arith.andi %ne3A_294, %ne3A_297 : i1
      %sub3A_299 = arith.constant 1 : i32
      %sub3A_300 = arith.subi %div3A_279, %sub3A_299 : i32
      %select_n3A_301 = arith.select %and3A_298, %sub3A_300, %div3A_279 : i32
      %mul3A_302 = arith.constant 4 : i32
      %mul3A_303 = arith.muli %add3A_274, %mul3A_302 : i32
      %add3A_304 = arith.addi %select_n3A_301, %mul3A_303 : i32
      %shift_right_arithmetic3A_305 = arith.constant 7 : i32
      %shift_right_arithmetic3A_306 = arith.shrsi %add3A_304, %shift_right_arithmetic3A_305 : i32
      %and3A_307 = arith.constant 127 : i32
      %and3A_308 = arith.andi %add3A_304, %and3A_307 : i32
      %mul3A_309 = arith.constant 4096 : i32
      %mul3A_310 = arith.muli %shift_right_arithmetic3A_306, %mul3A_309 : i32
      %mul3A_311 = arith.constant 8 : i32
      %mul3A_312 = arith.muli %and3A_308, %mul3A_311 : i32
      %add3A_313 = arith.addi %mul3A_310, %mul3A_312 : i32
      %add3A_314 = arith.constant 0 : i32
      %add3A_315 = arith.addi %add3A_313, %add3A_314 : i32
      %mul3A_316 = arith.constant 128 : i32
      %mul3A_317 = arith.muli %add3A_315, %mul3A_316 : i32
      "tpu.region"() ({
        %run_scoped3A = tpu.sem_alloc : memref<!tpu.dma_semaphore, #tpu.memory_space<semaphore_mem>>
        %dma_start3A_330 = arith.constant 0 : i32
        %dma_start3A_331 = tpu.memref_slice %arg8[%dma_start3A_330] : memref<16384xf32, #tpu.memory_space<vmem>> -> memref<4096xf32, #tpu.memory_space<vmem>>
        %dma_start3A_332 = tpu.memref_slice %arg4[%mul3A_317] : memref<13631488xf32, #tpu.memory_space<hbm>> -> memref<4096xf32, #tpu.memory_space<hbm>>
        %dma_start3A_333 = tpu.memref_slice %arg4[%mul3A_317] : memref<13631488xf32, #tpu.memory_space<hbm>> -> memref<4096xf32, #tpu.memory_space<hbm>>
        %dma_start3A_334 = arith.constant 0 : i32
        %dma_start3A_335 = tpu.memref_slice %arg8[%dma_start3A_334] : memref<16384xf32, #tpu.memory_space<vmem>> -> memref<4096xf32, #tpu.memory_space<vmem>>
        tpu.enqueue_dma source(%dma_start3A_335 : memref<4096xf32, #tpu.memory_space<vmem>>) target(%dma_start3A_333 : memref<4096xf32, #tpu.memory_space<hbm>>) target_semaphore(%run_scoped3A : memref<!tpu.dma_semaphore, #tpu.memory_space<semaphore_mem>>)
        %dma_wait3A_336 = arith.constant 0 : i32
        %dma_wait3A_337 = tpu.memref_slice %arg8[%dma_wait3A_336] : memref<16384xf32, #tpu.memory_space<vmem>> -> memref<4096xf32, #tpu.memory_space<vmem>>
        %dma_wait3A_338 = tpu.memref_slice %arg4[%mul3A_317] : memref<13631488xf32, #tpu.memory_space<hbm>> -> memref<4096xf32, #tpu.memory_space<hbm>>
        %dma_wait3A_339 = tpu.memref_slice %arg4[%mul3A_317] : memref<13631488xf32, #tpu.memory_space<hbm>> -> memref<4096xf32, #tpu.memory_space<hbm>>
        %dma_wait3A_340 = arith.constant 0 : i32
        %dma_wait3A_341 = tpu.memref_slice %arg8[%dma_wait3A_340] : memref<16384xf32, #tpu.memory_space<vmem>> -> memref<4096xf32, #tpu.memory_space<vmem>>
        tpu.wait_dma2 semaphore(%run_scoped3A : memref<!tpu.dma_semaphore, #tpu.memory_space<semaphore_mem>>) src(%dma_wait3A_341 : memref<4096xf32, #tpu.memory_space<vmem>>) dst(%dma_wait3A_339 : memref<4096xf32, #tpu.memory_space<hbm>>)
        tpu.yield
      }) : () -> ()
      %add3A_318 = arith.constant 1024 : i32
      %add3A_319 = arith.addi %add3A_313, %add3A_318 : i32
      %mul3A_320 = arith.constant 128 : i32
      %mul3A_321 = arith.muli %add3A_319, %mul3A_320 : i32
      "tpu.region"() ({
        %run_scoped3A = tpu.sem_alloc : memref<!tpu.dma_semaphore, #tpu.memory_space<semaphore_mem>>
        %dma_start3A_330 = arith.constant 4096 : i32
        %dma_start3A_331 = tpu.memref_slice %arg8[%dma_start3A_330] : memref<16384xf32, #tpu.memory_space<vmem>> -> memref<4096xf32, #tpu.memory_space<vmem>>
        %dma_start3A_332 = tpu.memref_slice %arg4[%mul3A_321] : memref<13631488xf32, #tpu.memory_space<hbm>> -> memref<4096xf32, #tpu.memory_space<hbm>>
        %dma_start3A_333 = tpu.memref_slice %arg4[%mul3A_321] : memref<13631488xf32, #tpu.memory_space<hbm>> -> memref<4096xf32, #tpu.memory_space<hbm>>
        %dma_start3A_334 = arith.constant 4096 : i32
        %dma_start3A_335 = tpu.memref_slice %arg8[%dma_start3A_334] : memref<16384xf32, #tpu.memory_space<vmem>> -> memref<4096xf32, #tpu.memory_space<vmem>>
        tpu.enqueue_dma source(%dma_start3A_335 : memref<4096xf32, #tpu.memory_space<vmem>>) target(%dma_start3A_333 : memref<4096xf32, #tpu.memory_space<hbm>>) target_semaphore(%run_scoped3A : memref<!tpu.dma_semaphore, #tpu.memory_space<semaphore_mem>>)
        %dma_wait3A_336 = arith.constant 4096 : i32
        %dma_wait3A_337 = tpu.memref_slice %arg8[%dma_wait3A_336] : memref<16384xf32, #tpu.memory_space<vmem>> -> memref<4096xf32, #tpu.memory_space<vmem>>
        %dma_wait3A_338 = tpu.memref_slice %arg4[%mul3A_321] : memref<13631488xf32, #tpu.memory_space<hbm>> -> memref<4096xf32, #tpu.memory_space<hbm>>
        %dma_wait3A_339 = tpu.memref_slice %arg4[%mul3A_321] : memref<13631488xf32, #tpu.memory_space<hbm>> -> memref<4096xf32, #tpu.memory_space<hbm>>
        %dma_wait3A_340 = arith.constant 4096 : i32
        %dma_wait3A_341 = tpu.memref_slice %arg8[%dma_wait3A_340] : memref<16384xf32, #tpu.memory_space<vmem>> -> memref<4096xf32, #tpu.memory_space<vmem>>
        tpu.wait_dma2 semaphore(%run_scoped3A : memref<!tpu.dma_semaphore, #tpu.memory_space<semaphore_mem>>) src(%dma_wait3A_341 : memref<4096xf32, #tpu.memory_space<vmem>>) dst(%dma_wait3A_339 : memref<4096xf32, #tpu.memory_space<hbm>>)
        tpu.yield
      }) : () -> ()
      %add3A_322 = arith.constant 2048 : i32
      %add3A_323 = arith.addi %add3A_313, %add3A_322 : i32
      %mul3A_324 = arith.constant 128 : i32
      %mul3A_325 = arith.muli %add3A_323, %mul3A_324 : i32
      "tpu.region"() ({
        %run_scoped3A = tpu.sem_alloc : memref<!tpu.dma_semaphore, #tpu.memory_space<semaphore_mem>>
        %dma_start3A_330 = arith.constant 8192 : i32
        %dma_start3A_331 = tpu.memref_slice %arg8[%dma_start3A_330] : memref<16384xf32, #tpu.memory_space<vmem>> -> memref<4096xf32, #tpu.memory_space<vmem>>
        %dma_start3A_332 = tpu.memref_slice %arg4[%mul3A_325] : memref<13631488xf32, #tpu.memory_space<hbm>> -> memref<4096xf32, #tpu.memory_space<hbm>>
        %dma_start3A_333 = tpu.memref_slice %arg4[%mul3A_325] : memref<13631488xf32, #tpu.memory_space<hbm>> -> memref<4096xf32, #tpu.memory_space<hbm>>
        %dma_start3A_334 = arith.constant 8192 : i32
        %dma_start3A_335 = tpu.memref_slice %arg8[%dma_start3A_334] : memref<16384xf32, #tpu.memory_space<vmem>> -> memref<4096xf32, #tpu.memory_space<vmem>>
        tpu.enqueue_dma source(%dma_start3A_335 : memref<4096xf32, #tpu.memory_space<vmem>>) target(%dma_start3A_333 : memref<4096xf32, #tpu.memory_space<hbm>>) target_semaphore(%run_scoped3A : memref<!tpu.dma_semaphore, #tpu.memory_space<semaphore_mem>>)
        %dma_wait3A_336 = arith.constant 8192 : i32
        %dma_wait3A_337 = tpu.memref_slice %arg8[%dma_wait3A_336] : memref<16384xf32, #tpu.memory_space<vmem>> -> memref<4096xf32, #tpu.memory_space<vmem>>
        %dma_wait3A_338 = tpu.memref_slice %arg4[%mul3A_325] : memref<13631488xf32, #tpu.memory_space<hbm>> -> memref<4096xf32, #tpu.memory_space<hbm>>
        %dma_wait3A_339 = tpu.memref_slice %arg4[%mul3A_325] : memref<13631488xf32, #tpu.memory_space<hbm>> -> memref<4096xf32, #tpu.memory_space<hbm>>
        %dma_wait3A_340 = arith.constant 8192 : i32
        %dma_wait3A_341 = tpu.memref_slice %arg8[%dma_wait3A_340] : memref<16384xf32, #tpu.memory_space<vmem>> -> memref<4096xf32, #tpu.memory_space<vmem>>
        tpu.wait_dma2 semaphore(%run_scoped3A : memref<!tpu.dma_semaphore, #tpu.memory_space<semaphore_mem>>) src(%dma_wait3A_341 : memref<4096xf32, #tpu.memory_space<vmem>>) dst(%dma_wait3A_339 : memref<4096xf32, #tpu.memory_space<hbm>>)
        tpu.yield
      }) : () -> ()
      %add3A_326 = arith.constant 3072 : i32
      %add3A_327 = arith.addi %add3A_313, %add3A_326 : i32
      %mul3A_328 = arith.constant 128 : i32
      %mul3A_329 = arith.muli %add3A_327, %mul3A_328 : i32
      "tpu.region"() ({
        %run_scoped3A = tpu.sem_alloc : memref<!tpu.dma_semaphore, #tpu.memory_space<semaphore_mem>>
        %dma_start3A_330 = arith.constant 12288 : i32
        %dma_start3A_331 = tpu.memref_slice %arg8[%dma_start3A_330] : memref<16384xf32, #tpu.memory_space<vmem>> -> memref<4096xf32, #tpu.memory_space<vmem>>
        %dma_start3A_332 = tpu.memref_slice %arg4[%mul3A_329] : memref<13631488xf32, #tpu.memory_space<hbm>> -> memref<4096xf32, #tpu.memory_space<hbm>>
        %dma_start3A_333 = tpu.memref_slice %arg4[%mul3A_329] : memref<13631488xf32, #tpu.memory_space<hbm>> -> memref<4096xf32, #tpu.memory_space<hbm>>
        %dma_start3A_334 = arith.constant 12288 : i32
        %dma_start3A_335 = tpu.memref_slice %arg8[%dma_start3A_334] : memref<16384xf32, #tpu.memory_space<vmem>> -> memref<4096xf32, #tpu.memory_space<vmem>>
        tpu.enqueue_dma source(%dma_start3A_335 : memref<4096xf32, #tpu.memory_space<vmem>>) target(%dma_start3A_333 : memref<4096xf32, #tpu.memory_space<hbm>>) target_semaphore(%run_scoped3A : memref<!tpu.dma_semaphore, #tpu.memory_space<semaphore_mem>>)
        %dma_wait3A_336 = arith.constant 12288 : i32
        %dma_wait3A_337 = tpu.memref_slice %arg8[%dma_wait3A_336] : memref<16384xf32, #tpu.memory_space<vmem>> -> memref<4096xf32, #tpu.memory_space<vmem>>
        %dma_wait3A_338 = tpu.memref_slice %arg4[%mul3A_329] : memref<13631488xf32, #tpu.memory_space<hbm>> -> memref<4096xf32, #tpu.memory_space<hbm>>
        %dma_wait3A_339 = tpu.memref_slice %arg4[%mul3A_329] : memref<13631488xf32, #tpu.memory_space<hbm>> -> memref<4096xf32, #tpu.memory_space<hbm>>
        %dma_wait3A_340 = arith.constant 12288 : i32
        %dma_wait3A_341 = tpu.memref_slice %arg8[%dma_wait3A_340] : memref<16384xf32, #tpu.memory_space<vmem>> -> memref<4096xf32, #tpu.memory_space<vmem>>
        tpu.wait_dma2 semaphore(%run_scoped3A : memref<!tpu.dma_semaphore, #tpu.memory_space<semaphore_mem>>) src(%dma_wait3A_341 : memref<4096xf32, #tpu.memory_space<vmem>>) dst(%dma_wait3A_339 : memref<4096xf32, #tpu.memory_space<hbm>>)
        tpu.yield
      }) : () -> ()
    }
    %scan3A_203 = arith.constant 13 : i32
    return
  }
}

</mosaic_0001>

<sc_bundles>
// kernel: kernel.3.cloned.1.call-start
scs
__scs_entry_jumppad:
0x0: {  	(pc) =	sbr.rel $0x88, $3  }
0x1: {  	(tag) =	ssettag $0x0;
	lr =	simm.s32 $0x1  }
0x2: {  	[smem:$0x3F9F] =	sst lr;
	_ =	strace $0xD0000000  }
0x3: {  	_ = 	snop  }
0x4: {  	_ = 	snop  }
0x5: {  	_ = 	snop  }
0x6: {  	_ = 	snop  }
0x7: {  	_ = 	snop  }
__scs_overlays_trampoline_lowered:
0x8: {  	[smem:$0x3FAE] =	sst s0  }
0x9: {  	[smem:$0x3FAF] =	sst s1  }
0xa: {  	[smem:$0x3FB0] =	sst s2  }
0xb: {  	[smem:$0x3FB1] =	sst s3  }
0xc: {  	[smem:$0x3FB2] =	sst s4  }
0xd: {  	[smem:$0x3FB3] =	sst s5  }
0xe: {  	[smem:$0x3FB4] =	sst s6  }
0xf: {  	[smem:$0x3FB5] =	sst s7  }
0x10: {  	[smem:$0x3FB6] =	sst s8  }
0x11: {  	[smem:$0x3FB7] =	sst s9;
	s0 =	simm.s32 @!p0 $0x0  }
0x12: {  	s1 =	sld [smem:$0x3F9D];
	s0 =	simm.s32 @p0 $0x1  }
0x13: {  	[smem:$0x3FB8] =	sst s0;
	s0 =	simm.s32 @!p1 $0x0  }
0x14: {  	s2 =	sld [smem:$0x3F9C];
	s0 =	simm.s32 @p1 $0x1  }
0x15: {  	[smem:$0x3FB9] =	sst s0;
	s0 =	simm.s32 @!p2 $0x0  }
0x16: {  	s3 =	sld [smem:$0x3FDB];
	s0 =	simm.s32 @p2 $0x1  }
0x17: {  	s4 =	simm.s32 $0x1BF5;
	[smem:$0x3FBB] =	sst s0  }
0x18: {  	s0 =	sld [smem:$0x3F9E];
	_ =	swait.ge [sflag:s4], $0x0  }
0x19: {  	s7 =	sld [smem:$0x3F9F]  }
0x1a: {  	s8 =	sadd.s32 $0xFFFFE003, lr  }
0x1b: {  	s9 =	sadd.s32 $0xFFFFFEF7, lr;
	s5 =	simm.s32 $0xFFFFFFFF;
	p2 =	slt.u32 s8, $0xFFFFF086  }
0x1c: {  	p1 =	slt.u32 s9, $0xF7A;
	s5 =	simm.s32 @!p2 $0x0  }
0x1d: {  	s5 =	simm.s32 @p1 $0x1;
	p0 =	seq.s32 s7, s2  }
0x1e: {  	s7 =	smul.u32 @!p0 $0xF7A, s2;
	p2 =	seq.s32 @!p0 s5, $0x0  }
0x1f: {  	s9 =	smul.u32 $0xF7A, s1;
	s8 =	simm.s32 @!p0 $0x1BF5;
	p2 =	por !p2, p0  }
0x20: {  	[sflag:s8] =	ssyncset.s32 @!p0 $0xFFFFF086;
	s6 =	sadd.s32 @!p0 s3, s7;
	s7 =	simm.s32 @!p0 $0x108  }
0x21: {  	s3 =	sadd.s32 s3, s9;
	s6 =	sadd.s32 @!p0 $0x88, s6;
	s7 =	simm.s32 @p2 $0x1082  }
0x22: {  	[simem:s7], [sflag:s8] =	dma.local @!p0 [hbm:s6], $0xF7A  }
0x23: {  	s9 =	sor.u32 $0xD0000000, s2;
	s6 =	simm.s32 $0x108;
	_ =	swait.ge @!p0 [sflag:s8], $0x0  }
0x24: {  	s3 =	sadd.s32 $0x88, s3;
	s6 =	simm.s32 @!p1 $0x1082;
	[sflag:s4] =	ssyncset.s32 $0xFFFFF086  }
0x25: {  	[simem:s6], [sflag:s4] =	dma.local [hbm:s3], $0xF7A  }
0x26: {  	[smem:$0x3F9F] =	sst s1;
	(tag) =	ssettag s2;
	_ =	strace s9  }
0x27: {  	s1 =	sld [smem:$0x3FAF]  }
0x28: {  	s2 =	sld [smem:$0x3FB0]  }
0x29: {  	s4 =	sld [smem:$0x3FB2]  }
0x2a: {  	p0 =	seq.s32 s5, $0x0;
	s5 =	sld [smem:$0x3FB3]  }
0x2b: {  	s6 =	sld [smem:$0x3FB4]  }
0x2c: {  	s7 =	sld [smem:$0x3FB5]  }
0x2d: {  	s3 =	simm.s32 $0x108;
	s8 =	sld [smem:$0x3FB6]  }
0x2e: {  	s3 =	simm.s32 @!p0 $0x1082;
	s9 =	sld [smem:$0x3FB7]  }
0x2f: {  	lr =	sadd.s32 s0, s3;
	s0 =	sld [smem:$0x3FAE]  }
0x30: {  	s3 =	sld [smem:$0x3FB1]  }
0x31: {  	[smem:$0x3FBA] =	sst s10  }
0x32: {  	s10 =	sld [smem:$0x3FB8];
	_ =	sdelay $0x3  }
0x33: {  	p0 =	seq.s32 s10, $0x1;
	s10 =	sld [smem:$0x3FBA];
	_ =	sdelay $0x3  }
0x34: {  	[smem:$0x3FBA] =	sst s10  }
0x35: {  	s10 =	sld [smem:$0x3FB9];
	_ =	sdelay $0x3  }
0x36: {  	p1 =	seq.s32 s10, $0x1;
	s10 =	sld [smem:$0x3FBA];
	_ =	sdelay $0x3  }
0x37: {  	[smem:$0x3FBA] =	sst s10  }
0x38: {  	s10 =	sld [smem:$0x3FBB]  }
0x39: {  	_ = 	snop;
	(pc) =	sbr.ind lr, $3  }
0x3a: {  	_ = 	snop  }
0x3b: {  	_ = 	snop  }
0x3c: {  	p2 =	seq.s32 s10, $0x1;
	s10 =	sld [smem:$0x3FBA]  }
0x3d: {  	_ =	shalt  }
0x3e: {  	_ =	shalt  }
0x3f: {  	_ =	shalt  }
0x40: {  	_ =	shalt  }
0x41: {  	_ =	shalt  }
0x42: {  	_ =	shalt  }
0x43: {  	_ =	shalt  }
0x44: {  	_ =	shalt  }
0x45: {  	_ =	shalt  }
0x46: {  	_ =	shalt  }
0x47: {  	_ =	shalt  }
0x48: {  	_ =	shalt  }
0x49: {  	_ =	shalt  }
0x4a: {  	_ =	shalt  }
0x4b: {  	_ =	shalt  }
0x4c: {  	_ =	shalt  }
0x4d: {  	_ =	shalt  }
0x4e: {  	_ =	shalt  }
0x4f: {  	_ =	shalt  }
0x50: {  	_ =	shalt  }
0x51: {  	_ =	shalt  }
0x52: {  	_ =	shalt  }
0x53: {  	_ =	shalt  }
0x54: {  	_ =	shalt  }
0x55: {  	_ =	shalt  }
0x56: {  	_ =	shalt  }
0x57: {  	_ =	shalt  }
0x58: {  	_ =	shalt  }
0x59: {  	_ =	shalt  }
0x5a: {  	_ =	shalt  }
0x5b: {  	_ =	shalt  }
0x5c: {  	_ =	shalt  }
0x5d: {  	_ =	shalt  }
0x5e: {  	_ =	shalt  }
0x5f: {  	_ =	shalt  }
0x60: {  	_ =	shalt  }
0x61: {  	_ =	shalt  }
0x62: {  	_ =	shalt  }
0x63: {  	_ =	shalt  }
0x64: {  	_ =	shalt  }
0x65: {  	_ =	shalt  }
0x66: {  	_ =	shalt  }
0x67: {  	_ =	shalt  }
0x68: {  	_ =	shalt  }
0x69: {  	_ =	shalt  }
0x6a: {  	_ =	shalt  }
0x6b: {  	_ =	shalt  }
0x6c: {  	_ =	shalt  }
0x6d: {  	_ =	shalt  }
0x6e: {  	_ =	shalt  }
0x6f: {  	_ =	shalt  }
0x70: {  	_ =	shalt  }
0x71: {  	_ =	shalt  }
0x72: {  	_ =	shalt  }
0x73: {  	_ =	shalt  }
0x74: {  	_ =	shalt  }
0x75: {  	_ =	shalt  }
0x76: {  	_ =	shalt  }
0x77: {  	_ =	shalt  }
0x78: {  	_ =	shalt  }
0x79: {  	_ =	shalt  }
0x7a: {  	_ =	shalt  }
0x7b: {  	_ =	shalt  }
0x7c: {  	_ =	shalt  }
0x7d: {  	_ =	shalt  }
0x7e: {  	_ =	shalt  }
0x7f: {  	_ =	shalt  }
0x80: {  	_ =	shalt  }
0x81: {  	_ =	shalt  }
0x82: {  	_ =	shalt  }
0x83: {  	_ =	shalt  }
0x84: {  	_ =	shalt  }
0x85: {  	_ =	shalt  }
0x86: {  	_ =	shalt  }
0x87: {  	_ =	shalt  }
.Lfunc_end0:
.L_simem_size_0:
called_computation_lowered:
.L_overlay_start_0:
0x88: {  	s2 =	sld [smem:$0x3FD9]  }
0x89: {  	s3 =	sld [smem:$0x3FFE];
	_ =	sdelay $0x1  }
0x8a: {  	s1 =	srdreg.scid  }
0x8b: {  	s0 =	sand.u32 $0x1, s1  }
0x8c: {  	s17 =	sshll.u32 s0, $0xA;
	s2 =	sadd.s32 s3, s2  }
0x8d: {  	s2 =	sadd.s32 s2, s17  }
0x8e: {  	[smem:$0x3FC6] =	sst s2  }
0x8f: {  	_ = 	snop  }
0x90: {  	s2 =	sld [smem:$0x3FD0];
	(tm) =	ssettm $0x1  }
0x91: {  	s18 =	sld [smem:$0x3FFB];
	_ =	sdelay $0x3  }
0x92: {  	_ =	strace s18  }
0x93: {  	s3 =	sld [smem:$0x3FFC];
	_ =	sdelay $0x3  }
0x94: {  	_ =	strace s3  }
0x95: {  	s3 =	sld [smem:$0x3FFD];
	_ =	sdelay $0x3  }
0x96: {  	_ =	strace s3  }
0x97: {  	_ =	strace $0x8FFFFFFF  }
0x98: {  	s19 =	sld [smem:$0x3FDB];
	_ =	sdelay $0x1  }
0x99: {  	s4 =	simm.s32 $_scs_section_size  }
0x9a: {  	s5 =	simm.s32 $_size__tile_overlayer_lowered;
	s6 =	simm.s32 $_tile_overlayer_lowered  }
0x9b: {  	s22 =	simm.s32 $0x1BFF;
	s21 =	sshll.u32 s6, $0x1;
	s3 =	sadd.s32 s4, s19  }
0x9c: {  	s7 =	simm.s32 $0x0;
	s20 =	sshll.u32 s5, $0x1;
	s5 =	sadd.s32 s21, s3  }
0x9d: {  	[timem:s7], [sflag:s22] =	dma.local [hbm:s5], s20  }
0x9e: {  	_ =	swait.ge [sflag:s22], s20  }
0x9f: {  	s4 =	ssub.s32 $0x0, s20;
	[sflag:s22] =	ssyncset.done $0x0  }
0xa0: {  	[sflag:s22] =	ssyncadd.s32 s4;
	_ =	sdelay $0x1  }
0xa1: {  	s23 =	simm.s32 $0x1B8B  }
0xa2: {  	_ =	swait.ge [sflag:s23], $0x1  }
0xa3: {  	[sflag:s23] =	ssyncset.done $0x0  }
0xa4: {  	s25 =	simm.s32 $0x1B8E;
	s24 =	sld [smem:$0x3FFE];
	[sflag:s23] =	ssyncadd.s32 $0xFFFFFFFF  }
0xa5: {  	s26 =	simm.s32 $execute0_lowered;
	[smem:$0x3FD2] =	sst s25  }
0xa6: {  	s5 =	sshll.u32 s26, $0x1;
	_ =	strace $0x80000046;
	[dreg:$0x1] =	wrdreg $0xFFFFFFFF  }
0xa7: {  	s28 =	simm.s32 $_size_execute0_lowered;
	s3 =	sadd.s32 s3, s5;
	[dreg:$0x0] =	wrdreg $0x0  }
0xa8: {  	s5 =	sshll.u32 s28, $0x1;
	[dreg:$0x2] =	wrdreg s3  }
0xa9: {  	[dreg:$0x3] =	wrdreg s5  }
0xaa: {  	[dreg:$0x4] =	wrdreg $0xC0  }
0xab: {  	_ =	task [dreg:s7], $0x5FFFF  }
0xac: {  	[dreg:$0x1] =	wrdreg $0xFFFFFFFF  }
0xad: {  	[dreg:$0x0] =	wrdreg $0x60  }
0xae: {  	[dreg:$0x2] =	wrdreg s24  }
0xaf: {  	[dreg:$0x3] =	wrdreg s2  }
0xb0: {  	[dreg:$0x4] =	wrdreg $0x9  }
0xb1: {  	_ =	task.clear_ibuf [dreg:s7], $0x5FFFF;
	_ =	strace $0x90000046  }
0xb2: {  	s29 =	simm.s32 $0x9;
	_ =	strace $0x80000048  }
0xb3: {  	_ =	swait.ge [sflag:s29], $0x1  }
0xb4: {  	[sflag:s29] =	ssyncadd.s32 $0xFFFFFFFF  }
0xb5: {  	_ =	strace $0x90000048  }
0xb6: {  	_ =	sfence  }
0xb7: {  	s30 =	sld [smem:$0x0];
	_ =	sdelay $0x2  }
0xb8: {  	s31 =	sshll.u32 s1, $0xD;
	s1 =	sshrl.u32 s1, $0x2  }
0xb9: {  	s3 =	sand.u32 $0x4000, s31;
	s1 =	sadd.s32 s1, s30  }
0xba: {  	s0 =	sor.u32 s3, s0;
	s1 =	sshll.u32 s1, $0x11  }
0xbb: {  	s0 =	sor.u32 s1, s0  }
0xbc: {  	s0 =	sadd.s32 $0x8F2B, s0  }
0xbd: {  	[sflag:s0] =	ssyncadd.remote.s32 $0x1  }
0xbe: {  	_ =	sfence.sel $0xFFFF  }
0xbf: {  	[dreg:$0x0] =	wrdreg $0xFFFFFFFF;
	(pc) =	sbr.abs _section_cstart, $3  }
0xc0: {  	[dreg:$0x1] =	wrdreg $0xFFFFFFFF  }
0xc1: {  	_ =	task.clear_ibuf [dreg:s7], $0x2FFFF;
	_ =	strace $0x9FFFFFFF  }
0xc2: {  	(tm) =	ssettm $0x7FFFFFFF  }
0xc3: {  	_ =	shalt  }
tec
execute0_lowered:
.L_overlay_start_1:
0x0: {  	(tag) =	ssettag $0x1  }
0x1: {  	s0 =	srdreg.scid  }
0x2: {  	s2 =	stileid.u32;
	s1 =	rddreg [dreg:$0x0]  }
0x3: {  	s29 =	rddreg [dreg:$0x1];
	s11 =	simm.s32 $0x3;
	s13 =	simm.s32 $0x3400  }
0x4: {  	s14 =	simm.s32 $0x7400;
	s15 =	simm.s32 $0x1;
	s17 =	simm.s32 $0xC400  }
0x5: {  	s18 =	simm.s32 $0xD400;
	s19 =	simm.s32 $0xE400;
	s20 =	simm.s32 $0x2  }
0x6: {  	s0 =	sand.u32 $0x1, s0;
	s3 =	sshll.u32 s2, $0x1;
	s7 =	sadd.s32 $0x4000, s29  }
0x7: {  	s8 =	sadd.s32 $0x8000, s29;
	s16 =	smov.u32 s29;
	s4 =	sor.u32 s0, s3  }
0x8: {  	s9 =	sadd.s32 $0xC000, s29;
	s0 =	ssub.s32 $0x2, s0;
	s5 =	smul.u32 $0x3400, s4  }
.Ltmp0:
0x9: {  	s3 =	simm.s32 $0x0;
	s30 =	sshrl.u32 s0, $0x1;
	(pc) =	sbr.rel .LBB2_1-.Ltmp0, $4  }
0xa: {  	[smem:$0x7FF] =	sst s3;
	s0 =	ssub.s32 s0, s30;
	s4 =	sshrl.u32 s5, $0x3  }
0xb: {  	_ =	strace $0x80000047;
	s0 =	smax.u32 s0, $0x1;
	s6 =	sadd.s32 s4, s1  }
0xc: {  	v0 =	vlaneseq.u32;
	s4 =	sadd.s32 $0xF42A00, s1;
	[dreg:$0x4] =	wrdreg s0;
	s31 =	sadd.s32 $0x600, s6  }
0xd: {  	v0 =	vmul.u32 $0x20, v0;
	s1 =	simm.s32 $0x0;
	s6 =	sshrl.u32 s5, $0x7;
	[dreg:$0x3] =	wrdreg s31  }
.LBB2_23:
0xe: {  	s1 =	rddreg [dreg:$0x5]  }
0xf: {  	s0 =	rddreg [dreg:$0x4];
	s1 =	sadd.s32 $0x1, s1  }
0x10: {  	p0 =	sne.s32 s1, s0  }
.Ltmp1:
0x11: {  	_ = 	snop;
	(pc) =	sbr.rel @!p0 .LBB2_24-.Ltmp1, $1  }
0x12: {  	_ =	sdelay $0x3  }
.LBB2_1:
0x13: {  	[dreg:$0x5] =	wrdreg s1  }
0x14: {  	s0 =	rddreg [dreg:$0x3]  }
0x15: {  	[tilespmem:s3], [sflag:$0x3] =	stream.linear.gather [hbm4b:s0+s3], $0x3400, $0x38;
	[tilespmem:$0xF400] =	vst v63  }
0x16: {  	_ =	swait.ge [sflag:s11], $0x3400  }
0x17: {  	[sflag:s11] =	ssyncset.done $0x0  }
0x18: {  	s31 =	simm.s32 $0x200;
	s22 =	simm.s32 $0x0;
	[sflag:s11] =	ssyncadd.s32 $0xFFFFCC00  }
0x19: {  	[tilespmem:s13], [sflag:$0x1] =	stream.indirect.gather [hbm4b:s4+s31], $0x20, s3, s31, $0xb8;
	[tilespmem:$0xF400] =	vst v63  }
.LBB2_2:
0x1a: {  	s0 =	simm.s32 $0x0  }
0x1b: {  	s23 =	sshllo.u32 s22, $0x1;
	s1 =	simm.s32 $0x10;
	v1 =	vmov s0  }
0x1c: {  	s5 =	sshll.u32 s23, $0x9;
	v2 =	vmov s1;
	v1 =	vshll.u32 v1, $0x5  }
0x1d: {  	s2 =	simm.s32 $0x200;
	s5 =	sand.u32 $0x3FFFFE00, s5;
	v2 =	vshll.u32 v2, $0x5;
	v1 =	vor.u32 v0, v1  }
0x1e: {  	[tilespmem:s14], [sflag:$0x2] =	stream.indirect.gather [hbm4b:s4+s2], $0x20, s5, s2, $0xb8;
	v2 =	vor.u32 v0, v2;
	[tilespmem:$0xF400] =	vst v63  }
0x1f: {  	_ =	swait.ge [sflag:s15], $0x4000  }
0x20: {  	[sflag:s15] =	ssyncset.done $0x0  }
0x21: {  	[sflag:s15] =	ssyncadd.s32 $0xFFFFC000  }
0x22: {  	v3 =	vld.idx.msk [tilespmem:v1+s13+$0x0], $0xffff  }
0x23: {  	s31 =	simm.s32 $0x0;
	v5 =	vor.u32 $0x1, v1;
	v4 =	vld.idx.msk [tilespmem:v2+s13+$0x0], $0xffff  }
0x24: {  	s5 =	sand.u32 $0xC00, s31;
	v6 =	vor.u32 $0x1, v2  }
0x25: {  	s0 =	sand.u32 $0x60, s0;
	s5 =	sadd.s32 $0xB400, s5  }
0x26: {  	s1 =	sand.u32 $0x70, s1;
	s12 =	sor.u32 s0, s5  }
0x27: {  	s0 =	sor.u32 s1, s5;
	[tilespmem:s12+$0x0] =	vst v3  }
0x28: {  	[tilespmem:s0+$0x0] =	vst v4;
	v3 =	vld.idx.msk [tilespmem:v5+s13+$0x0], $0xffff  }
0x29: {  	v8 =	vor.u32 $0x2, v1;
	v4 =	vld.idx.msk [tilespmem:v6+s13+$0x0], $0xffff  }
0x2a: {  	v7 =	vor.u32 $0x2, v2;
	_ =	sdelay $0x2  }
0x2b: {  	[tilespmem:s12+$0x80] =	vst v3  }
0x2c: {  	[tilespmem:s0+$0x80] =	vst v4;
	v3 =	vld.idx.msk [tilespmem:v8+s13+$0x0], $0xffff  }
0x2d: {  	v10 =	vor.u32 $0x3, v1;
	v4 =	vld.idx.msk [tilespmem:v7+s13+$0x0], $0xffff  }
0x2e: {  	p1 =	por $0x1, $0x1;
	v9 =	vor.u32 $0x3, v2  }
.Ltmp2:
0x2f: {  	_ = 	snop;
	(pc) =	sbr.rel @!p1 .LBB2_3-.Ltmp2, $4  }
0x30: {  	_ = 	snop  }
0x31: {  	[tilespmem:s12+$0x100] =	vst v3  }
0x32: {  	s26 =	simm.s32 $0x30;
	[tilespmem:s0+$0x100] =	vst v4;
	v32 =	vld.idx.msk [tilespmem:v10+s13+$0x0], $0xffff  }
0x33: {  	p2 =	por $0x0, $0x0;
	p3 =	por $0x0, $0x0;
	p0 =	por $0x0, $0x0;
	v4 =	vor.u32 $0x4, v1;
	v3 =	vor.u32 $0x4, v2;
	v31 =	vld.idx.msk [tilespmem:v9+s13+$0x0], $0xffff  }
0x34: {  	_ =	sdelay $0x2  }
0x35: {  	[tilespmem:s12+$0x180] =	vst v32  }
0x36: {  	v11 =	vld.idx.msk [tilespmem:v4+s13+$0x0], $0xffff  }
0x37: {  	v12 =	vor.u32 $0x5, v1  }
0x38: {  	[tilespmem:s0+$0x180] =	vst v31  }
0x39: {  	v13 =	vld.idx.msk [tilespmem:v3+s13+$0x0], $0xffff  }
0x3a: {  	v14 =	vor.u32 $0x5, v2  }
0x3b: {  	[tilespmem:s12+$0x200] =	vst v11  }
0x3c: {  	v11 =	vld.idx.msk [tilespmem:v12+s13+$0x0], $0xffff  }
0x3d: {  	v52 =	vor.u32 $0x6, v1  }
0x3e: {  	[tilespmem:s0+$0x200] =	vst v13  }
0x3f: {  	v13 =	vld.idx.msk [tilespmem:v14+s13+$0x0], $0xffff  }
0x40: {  	v53 =	vor.u32 $0x6, v2  }
0x41: {  	[tilespmem:s12+$0x280] =	vst v11  }
0x42: {  	v11 =	vld.idx.msk [tilespmem:v52+s13+$0x0], $0xffff  }
0x43: {  	v54 =	vor.u32 $0x7, v1  }
0x44: {  	[tilespmem:s0+$0x280] =	vst v13  }
0x45: {  	v13 =	vld.idx.msk [tilespmem:v53+s13+$0x0], $0xffff  }
0x46: {  	v55 =	vor.u32 $0x7, v2  }
0x47: {  	[tilespmem:s12+$0x300] =	vst v11  }
0x48: {  	v11 =	vld.idx.msk [tilespmem:v54+s13+$0x0], $0xffff  }
0x49: {  	v56 =	vor.u32 $0x8, v1  }
0x4a: {  	[tilespmem:s0+$0x300] =	vst v13  }
0x4b: {  	v13 =	vld.idx.msk [tilespmem:v55+s13+$0x0], $0xffff  }
0x4c: {  	v57 =	vor.u32 $0x8, v2  }
0x4d: {  	s1 =	simm.s32 $0x20;
	[tilespmem:s12+$0x380] =	vst v11  }
0x4e: {  	v11 =	vmov s1;
	v12 =	vld.idx.msk [tilespmem:v56+s13+$0x0], $0xffff  }
0x4f: {  	v15 =	vmov s26;
	v17 =	vor.u32 $0x9, v1;
	v11 =	vshll.u32 v11, $0x5  }
0x50: {  	v15 =	vshll.u32 v15, $0x5;
	[tilespmem:s0+$0x380] =	vst v13;
	v16 =	vor.u32 v0, v11  }
0x51: {  	v11 =	vor.u32 v0, v15;
	v13 =	vld.idx.msk [tilespmem:v57+s13+$0x0], $0xffff  }
0x52: {  	v58 =	vor.u32 $0x9, v2  }
0x53: {  	[tilespmem:s12+$0x1000] =	vst v12  }
0x54: {  	v12 =	vld.idx.msk [tilespmem:v17+s13+$0x0], $0xffff  }
0x55: {  	v15 =	vld.idx.msk [tilespmem:v16+s13+$0x0], $0xffff;
	v17 =	vor.u32 $0xA, v1  }
0x56: {  	s5 =	simm.s32 $0x100;
	v59 =	vor.u32 $0x1, v16;
	v18 =	vld.idx.msk [tilespmem:v11+s13+$0x0], $0xffff;
	[tilespmem:s0+$0x1000] =	vst v13  }
0x57: {  	s5 =	sand.u32 $0xC00, s5;
	v19 =	vor.u32 $0x1, v11;
	v14 =	vld.idx.msk [tilespmem:v58+s13+$0x0], $0xffff  }
0x58: {  	v20 =	vor.u32 $0xA, v2;
	s5 =	sadd.s32 $0xB400, s5;
	s1 =	sand.u32 $0x60, s1  }
0x59: {  	s10 =	sand.u32 $0x70, s26;
	s29 =	sor.u32 s1, s5;
	[tilespmem:s12+$0x1080] =	vst v12  }
0x5a: {  	s28 =	sor.u32 s10, s5;
	[tilespmem:s29+$0x0] =	vst v15;
	v12 =	vld.idx.msk [tilespmem:v17+s13+$0x0], $0xffff  }
0x5b: {  	[tilespmem:s28+$0x0] =	vst v18;
	v15 =	vor.u32 $0xB, v1;
	v13 =	vld.idx.msk [tilespmem:v59+s13+$0x0], $0xffff  }
0x5c: {  	v60 =	vor.u32 $0x2, v16;
	v17 =	vld.idx.msk [tilespmem:v19+s13+$0x0], $0xffff;
	[tilespmem:s0+$0x1080] =	vst v14  }
0x5d: {  	v19 =	vor.u32 $0x2, v11;
	v18 =	vld.idx.msk [tilespmem:v20+s13+$0x0], $0xffff  }
0x5e: {  	v61 =	vor.u32 $0xB, v2  }
0x5f: {  	[tilespmem:s12+$0x1100] =	vst v12  }
0x60: {  	[tilespmem:s29+$0x80] =	vst v13;
	v12 =	vld.idx.msk [tilespmem:v15+s13+$0x0], $0xffff  }
0x61: {  	v62 =	vor.u32 $0xC, v1;
	[tilespmem:s28+$0x80] =	vst v17;
	v13 =	vld.idx.msk [tilespmem:v60+s13+$0x0], $0xffff  }
0x62: {  	v17 =	vor.u32 $0x3, v16;
	v15 =	vld.idx.msk [tilespmem:v19+s13+$0x0], $0xffff;
	[tilespmem:s0+$0x1100] =	vst v18  }
0x63: {  	v19 =	vor.u32 $0x3, v11;
	v18 =	vld.idx.msk [tilespmem:v61+s13+$0x0], $0xffff  }
0x64: {  	v63 =	vor.u32 $0xC, v2;
	p4 =	por $0x1, $0x1  }
.Ltmp3:
0x65: {  	[tilespmem:s12+$0x1180] =	vst v12;
	(pc) =	sbr.rel @!p4 .LBB2_5-.Ltmp3, $4  }
0x66: {  	[tilespmem:s29+$0x100] =	vst v13;
	v26 =	vld.idx.msk [tilespmem:v62+s13+$0x0], $0xffff  }
0x67: {  	[tilespmem:s28+$0x100] =	vst v15;
	v32 =	vld.idx.msk [tilespmem:v17+s13+$0x0], $0xffff  }
0x68: {  	v31 =	vld.idx.msk [tilespmem:v19+s13+$0x0], $0xffff;
	[tilespmem:s0+$0x1180] =	vst v18  }
0x69: {  	v30 =	vor.u32 $0xD, v1;
	p2 =	por $0x1, $0x1;
	s1 =	simm.s32 $0x50;
	v35 =	vor.u32 $0x4, v16;
	v34 =	vor.u32 $0x4, v11;
	v29 =	vld.idx.msk [tilespmem:v63+s13+$0x0], $0xffff  }
0x6a: {  	_ =	sdelay $0x2  }
0x6b: {  	[tilespmem:s12+$0x1200] =	vst v26  }
0x6c: {  	v12 =	vor.u32 $0xD, v2;
	[tilespmem:s29+$0x180] =	vst v32;
	v13 =	vld.idx.msk [tilespmem:v30+s13+$0x0], $0xffff  }
0x6d: {  	v15 =	vor.u32 $0xE, v1;
	v14 =	vld.idx.msk [tilespmem:v35+s13+$0x0], $0xffff  }
0x6e: {  	v17 =	vor.u32 $0x5, v16  }
0x6f: {  	[tilespmem:s28+$0x180] =	vst v31  }
0x70: {  	v18 =	vld.idx.msk [tilespmem:v34+s13+$0x0], $0xffff;
	[tilespmem:s0+$0x1200] =	vst v29  }
0x71: {  	v19 =	vor.u32 $0x5, v11;
	v12 =	vld.idx.msk [tilespmem:v12+s13+$0x0], $0xffff;
	[tilespmem:s12+$0x1280] =	vst v13  }
0x72: {  	v13 =	vor.u32 $0xE, v2;
	[tilespmem:s29+$0x200] =	vst v14;
	v14 =	vld.idx.msk [tilespmem:v15+s13+$0x0], $0xffff  }
0x73: {  	v15 =	vld.idx.msk [tilespmem:v17+s13+$0x0], $0xffff;
	v17 =	vor.u32 $0xF, v1  }
0x74: {  	v20 =	vor.u32 $0x6, v16  }
0x75: {  	[tilespmem:s28+$0x200] =	vst v18  }
0x76: {  	v18 =	vld.idx.msk [tilespmem:v19+s13+$0x0], $0xffff;
	[tilespmem:s0+$0x1280] =	vst v12  }
0x77: {  	v12 =	vld.idx.msk [tilespmem:v13+s13+$0x0], $0xffff;
	v13 =	vor.u32 $0x6, v11;
	[tilespmem:s12+$0x1300] =	vst v14  }
0x78: {  	v14 =	vor.u32 $0xF, v2;
	[tilespmem:s29+$0x280] =	vst v15;
	v15 =	vld.idx.msk [tilespmem:v17+s13+$0x0], $0xffff  }
0x79: {  	v19 =	vor.u32 $0x10, v1;
	v17 =	vld.idx.msk [tilespmem:v20+s13+$0x0], $0xffff  }
0x7a: {  	v50 =	vor.u32 $0x7, v16  }
0x7b: {  	[tilespmem:s28+$0x280] =	vst v18  }
0x7c: {  	v13 =	vld.idx.msk [tilespmem:v13+s13+$0x0], $0xffff;
	[tilespmem:s0+$0x1300] =	vst v12  }
0x7d: {  	v12 =	vld.idx.msk [tilespmem:v14+s13+$0x0], $0xffff;
	v14 =	vor.u32 $0x7, v11;
	[tilespmem:s12+$0x1380] =	vst v15  }
0x7e: {  	v15 =	vor.u32 $0x10, v2;
	[tilespmem:s29+$0x300] =	vst v17;
	v17 =	vld.idx.msk [tilespmem:v19+s13+$0x0], $0xffff  }
0x7f: {  	v19 =	vor.u32 $0x11, v1;
	v18 =	vld.idx.msk [tilespmem:v50+s13+$0x0], $0xffff  }
0x80: {  	v51 =	vor.u32 $0x8, v16  }
0x81: {  	[tilespmem:s28+$0x300] =	vst v13  }
0x82: {  	v13 =	vld.idx.msk [tilespmem:v14+s13+$0x0], $0xffff;
	[tilespmem:s0+$0x1380] =	vst v12  }
0x83: {  	v14 =	vld.idx.msk [tilespmem:v15+s13+$0x0], $0xffff;
	v15 =	vor.u32 $0x8, v11;
	[tilespmem:s12+$0x2000] =	vst v17  }
0x84: {  	s5 =	simm.s32 $0x40;
	v17 =	vor.u32 $0x11, v2;
	[tilespmem:s29+$0x380] =	vst v18;
	v18 =	vld.idx.msk [tilespmem:v19+s13+$0x0], $0xffff  }
0x85: {  	v52 =	vor.u32 $0x12, v1;
	v12 =	vmov s5;
	v19 =	vld.idx.msk [tilespmem:v51+s13+$0x0], $0xffff  }
0x86: {  	v21 =	vmov s1;
	v22 =	vor.u32 $0x9, v16;
	v12 =	vshll.u32 v12, $0x5  }
0x87: {  	v21 =	vshll.u32 v21, $0x5;
	v12 =	vor.u32 v0, v12;
	[tilespmem:s28+$0x380] =	vst v13  }
0x88: {  	v13 =	vor.u32 v0, v21;
	v15 =	vld.idx.msk [tilespmem:v15+s13+$0x0], $0xffff;
	[tilespmem:s0+$0x2000] =	vst v14  }
0x89: {  	v14 =	vld.idx.msk [tilespmem:v17+s13+$0x0], $0xffff;
	v17 =	vor.u32 $0x9, v11;
	[tilespmem:s12+$0x2080] =	vst v18  }
0x8a: {  	v18 =	vor.u32 $0x12, v2;
	[tilespmem:s29+$0x1000] =	vst v19;
	v19 =	vld.idx.msk [tilespmem:v52+s13+$0x0], $0xffff  }
0x8b: {  	v54 =	vor.u32 $0x13, v1;
	v53 =	vld.idx.msk [tilespmem:v22+s13+$0x0], $0xffff  }
0x8c: {  	v23 =	vor.u32 $0xA, v16;
	v55 =	vld.idx.msk [tilespmem:v12+s13+$0x0], $0xffff  }
0x8d: {  	s10 =	simm.s32 $0x200;
	v24 =	vld.idx.msk [tilespmem:v13+s13+$0x0], $0xffff;
	[tilespmem:s28+$0x1000] =	vst v15;
	v15 =	vor.u32 $0x1, v12  }
0x8e: {  	s10 =	sand.u32 $0xC00, s10;
	[tilespmem:s0+$0x2080] =	vst v14;
	v14 =	vld.idx.msk [tilespmem:v17+s13+$0x0], $0xffff;
	v17 =	vor.u32 $0x1, v13  }
0x8f: {  	v25 =	vor.u32 $0xA, v11;
	s10 =	sadd.s32 $0xB400, s10;
	s5 =	sand.u32 $0x60, s5;
	v18 =	vld.idx.msk [tilespmem:v18+s13+$0x0], $0xffff;
	[tilespmem:s12+$0x2100] =	vst v19  }
0x90: {  	s30 =	sand.u32 $0x70, s1;
	v56 =	vor.u32 $0x13, v2;
	s5 =	sor.u32 s5, s10;
	[tilespmem:s29+$0x1080] =	vst v53;
	v19 =	vld.idx.msk [tilespmem:v54+s13+$0x0], $0xffff  }
0x91: {  	v58 =	vor.u32 $0x14, v1;
	s31 =	sor.u32 s30, s10;
	[tilespmem:s5+$0x0] =	vst v55;
	v57 =	vld.idx.msk [tilespmem:v23+s13+$0x0], $0xffff  }
0x92: {  	v59 =	vor.u32 $0xB, v16;
	[tilespmem:s31+$0x0] =	vst v24;
	v15 =	vld.idx.msk [tilespmem:v15+s13+$0x0], $0xffff  }
0x93: {  	v17 =	vld.idx.msk [tilespmem:v17+s13+$0x0], $0xffff;
	[tilespmem:s28+$0x1080] =	vst v14;
	v14 =	vor.u32 $0x2, v12  }
0x94: {  	v24 =	vld.idx.msk [tilespmem:v25+s13+$0x0], $0xffff;
	[tilespmem:s0+$0x2100] =	vst v18;
	v18 =	vor.u32 $0x2, v13  }
0x95: {  	v25 =	vor.u32 $0xB, v11;
	v20 =	vld.idx.msk [tilespmem:v56+s13+$0x0], $0xffff;
	[tilespmem:s12+$0x2180] =	vst v19  }
0x96: {  	v60 =	vor.u32 $0x14, v2;
	[tilespmem:s29+$0x1100] =	vst v57;
	v19 =	vld.idx.msk [tilespmem:v58+s13+$0x0], $0xffff  }
0x97: {  	v61 =	vor.u32 $0x15, v1;
	[tilespmem:s5+$0x80] =	vst v15;
	v15 =	vld.idx.msk [tilespmem:v59+s13+$0x0], $0xffff  }
0x98: {  	v62 =	vld.idx.msk [tilespmem:v14+s13+$0x0], $0xffff;
	[tilespmem:s31+$0x80] =	vst v17;
	v17 =	vor.u32 $0xC, v16  }
0x99: {  	v18 =	vld.idx.msk [tilespmem:v18+s13+$0x0], $0xffff;
	[tilespmem:s28+$0x1100] =	vst v24;
	v24 =	vor.u32 $0x3, v12  }
0x9a: {  	v63 =	vor.u32 $0x3, v13;
	v25 =	vld.idx.msk [tilespmem:v25+s13+$0x0], $0xffff;
	[tilespmem:s0+$0x2180] =	vst v20  }
0x9b: {  	v27 =	vor.u32 $0xC, v11;
	v21 =	vld.idx.msk [tilespmem:v60+s13+$0x0], $0xffff;
	[tilespmem:s12+$0x2200] =	vst v19  }
0x9c: {  	p4 =	por $0x1, $0x1;
	[tilespmem:s29+$0x1180] =	vst v15;
	v14 =	vld.idx.msk [tilespmem:v61+s13+$0x0], $0xffff;
	v15 =	vor.u32 $0x15, v2  }
.Ltmp4:
0x9d: {  	[tilespmem:s5+$0x100] =	vst v62;
	v26 =	vld.idx.msk [tilespmem:v17+s13+$0x0], $0xffff;
	(pc) =	sbr.rel @!p4 .LBB2_7-.Ltmp4, $4  }
0x9e: {  	v32 =	vld.idx.msk [tilespmem:v24+s13+$0x0], $0xffff;
	[tilespmem:s31+$0x100] =	vst v18  }
0x9f: {  	v31 =	vld.idx.msk [tilespmem:v63+s13+$0x0], $0xffff;
	[tilespmem:s28+$0x1180] =	vst v25  }
0xa0: {  	v30 =	vor.u32 $0xD, v16;
	v29 =	vld.idx.msk [tilespmem:v27+s13+$0x0], $0xffff;
	[tilespmem:s0+$0x2200] =	vst v21  }
0xa1: {  	s1 =	simm.s32 $0x70;
	p3 =	por $0x1, $0x1;
	v35 =	vor.u32 $0x4, v12;
	v34 =	vor.u32 $0x4, v13;
	v17 =	vor.u32 $0x16, v1;
	v15 =	vld.idx.msk [tilespmem:v15+s13+$0x0], $0xffff  }
0xa2: {  	_ =	sdelay $0x2  }
0xa3: {  	v18 =	vmov s1;
	v20 =	vor.u32 $0xD, v11;
	[tilespmem:s12+$0x2280] =	vst v14  }
0xa4: {  	[tilespmem:s29+$0x1200] =	vst v26;
	v22 =	vor.u32 $0x16, v2;
	v18 =	vshll.u32 v18, $0x5;
	v21 =	vld.idx.msk [tilespmem:v17+s13+$0x0], $0xffff  }
0xa5: {  	[tilespmem:s5+$0x180] =	vst v32;
	v19 =	vor.u32 v0, v18;
	v18 =	vld.idx.msk [tilespmem:v30+s13+$0x0], $0xffff  }
0xa6: {  	v24 =	vor.u32 $0x17, v1;
	v23 =	vld.idx.msk [tilespmem:v35+s13+$0x0], $0xffff;
	[tilespmem:s31+$0x180] =	vst v31  }
0xa7: {  	v26 =	vor.u32 $0xE, v16;
	v25 =	vld.idx.msk [tilespmem:v34+s13+$0x0], $0xffff;
	[tilespmem:s28+$0x1200] =	vst v29  }
0xa8: {  	v27 =	vor.u32 $0x5, v12;
	[tilespmem:s0+$0x2280] =	vst v15;
	v20 =	vld.idx.msk [tilespmem:v20+s13+$0x0], $0xffff  }
0xa9: {  	v28 =	vor.u32 $0x5, v13;
	v22 =	vld.idx.msk [tilespmem:v22+s13+$0x0], $0xffff  }
0xaa: {  	v30 =	vor.u32 $0xE, v11;
	[tilespmem:s12+$0x2300] =	vst v21;
	v29 =	vld.idx.msk [tilespmem:v19+s13+$0x0], $0xffff  }
0xab: {  	v21 =	vor.u32 $0x17, v2;
	[tilespmem:s29+$0x1280] =	vst v18;
	v18 =	vld.idx.msk [tilespmem:v24+s13+$0x0], $0xffff  }
0xac: {  	[tilespmem:s5+$0x200] =	vst v23;
	v24 =	vor.u32 $0x18, v1;
	v23 =	vld.idx.msk [tilespmem:v26+s13+$0x0], $0xffff  }
0xad: {  	v26 =	vld.idx.msk [tilespmem:v27+s13+$0x0], $0xffff;
	[tilespmem:s31+$0x200] =	vst v25;
	v25 =	vor.u32 $0xF, v16  }
0xae: {  	v27 =	vld.idx.msk [tilespmem:v28+s13+$0x0], $0xffff;
	[tilespmem:s28+$0x1280] =	vst v20;
	v20 =	vor.u32 $0x6, v12  }
0xaf: {  	[tilespmem:s0+$0x2300] =	vst v22;
	v22 =	vor.u32 $0x6, v13;
	v28 =	vld.idx.msk [tilespmem:v30+s13+$0x0], $0xffff  }
0xb0: {  	v21 =	vld.idx.msk [tilespmem:v21+s13+$0x0], $0xffff;
	v30 =	vor.u32 $0xF, v11;
	[tilespmem:s12+$0x2380] =	vst v18  }
0xb1: {  	[tilespmem:s29+$0x1300] =	vst v23;
	v18 =	vld.idx.msk [tilespmem:v24+s13+$0x0], $0xffff;
	v23 =	vor.u32 $0x18, v2  }
0xb2: {  	[tilespmem:s5+$0x280] =	vst v26;
	v24 =	vld.idx.msk [tilespmem:v25+s13+$0x0], $0xffff;
	v25 =	vor.u32 $0x19, v1  }
0xb3: {  	v26 =	vor.u32 $0x10, v16;
	[tilespmem:s31+$0x280] =	vst v27;
	v20 =	vld.idx.msk [tilespmem:v20+s13+$0x0], $0xffff  }
0xb4: {  	v27 =	vor.u32 $0x7, v12;
	v22 =	vld.idx.msk [tilespmem:v22+s13+$0x0], $0xffff;
	[tilespmem:s28+$0x1300] =	vst v28  }
0xb5: {  	[tilespmem:s0+$0x2380] =	vst v21;
	v21 =	vor.u32 $0x7, v13;
	v28 =	vld.idx.msk [tilespmem:v30+s13+$0x0], $0xffff  }
0xb6: {  	v30 =	vor.u32 $0x10, v11;
	v23 =	vld.idx.msk [tilespmem:v23+s13+$0x0], $0xffff;
	[tilespmem:s12+$0x3000] =	vst v18  }
0xb7: {  	[tilespmem:s29+$0x1380] =	vst v24;
	v18 =	vld.idx.msk [tilespmem:v25+s13+$0x0], $0xffff;
	v24 =	vor.u32 $0x19, v2  }
0xb8: {  	v25 =	vor.u32 $0x1A, v1;
	[tilespmem:s5+$0x300] =	vst v20;
	v20 =	vld.idx.msk [tilespmem:v26+s13+$0x0], $0xffff  }
0xb9: {  	[tilespmem:s31+$0x300] =	vst v22;
	v22 =	vor.u32 $0x11, v16;
	v26 =	vld.idx.msk [tilespmem:v27+s13+$0x0], $0xffff  }
0xba: {  	v21 =	vld.idx.msk [tilespmem:v21+s13+$0x0], $0xffff;
	v27 =	vor.u32 $0x8, v12;
	[tilespmem:s28+$0x1380] =	vst v28  }
0xbb: {  	v28 =	vld.idx.msk [tilespmem:v30+s13+$0x0], $0xffff;
	[tilespmem:s0+$0x3000] =	vst v23;
	v23 =	vor.u32 $0x8, v13  }
0xbc: {  	v30 =	vor.u32 $0x11, v11;
	v24 =	vld.idx.msk [tilespmem:v24+s13+$0x0], $0xffff;
	[tilespmem:s12+$0x3080] =	vst v18  }
0xbd: {  	[tilespmem:s29+$0x2000] =	vst v20;
	v18 =	vld.idx.msk [tilespmem:v25+s13+$0x0], $0xffff;
	v20 =	vor.u32 $0x1A, v2  }
0xbe: {  	s21 =	simm.s32 $0x60;
	[tilespmem:s5+$0x380] =	vst v26;
	v25 =	vld.idx.msk [tilespmem:v22+s13+$0x0], $0xffff;
	v26 =	vor.u32 $0x1B, v1  }
0xbf: {  	v31 =	vor.u32 $0x12, v16;
	[tilespmem:s31+$0x380] =	vst v21;
	v21 =	vmov s21;
	v27 =	vld.idx.msk [tilespmem:v27+s13+$0x0], $0xffff  }
0xc0: {  	v21 =	vshll.u32 v21, $0x5;
	v23 =	vld.idx.msk [tilespmem:v23+s13+$0x0], $0xffff;
	[tilespmem:s28+$0x2000] =	vst v28;
	v28 =	vor.u32 $0x9, v12  }
0xc1: {  	s10 =	simm.s32 $0x300;
	v22 =	vor.u32 v0, v21;
	v30 =	vld.idx.msk [tilespmem:v30+s13+$0x0], $0xffff;
	[tilespmem:s0+$0x3080] =	vst v24  }
0xc2: {  	s24 =	sand.u32 $0xC00, s10;
	v21 =	vor.u32 $0x9, v13;
	v20 =	vld.idx.msk [tilespmem:v20+s13+$0x0], $0xffff;
	[tilespmem:s12+$0x3100] =	vst v18  }
0xc3: {  	s2 =	sand.u32 $0x70, s1;
	s24 =	sadd.s32 $0xB400, s24;
	v18 =	vor.u32 $0x12, v11;
	[tilespmem:s29+$0x2080] =	vst v25;
	v24 =	vld.idx.msk [tilespmem:v26+s13+$0x0], $0xffff  }
0xc4: {  	s30 =	sor.u32 s2, s24;
	v26 =	vor.u32 $0x1B, v2;
	[tilespmem:s5+$0x1000] =	vst v27;
	v25 =	vld.idx.msk [tilespmem:v31+s13+$0x0], $0xffff  }
0xc5: {  	[tilespmem:s30+$0x0] =	vst v29;
	v27 =	vld.idx.msk [tilespmem:v28+s13+$0x0], $0xffff;
	v28 =	vor.u32 $0x1C, v1  }
0xc6: {  	v31 =	vor.u32 $0x13, v16;
	[tilespmem:s31+$0x1000] =	vst v23;
	v23 =	vld.idx.msk [tilespmem:v22+s13+$0x0], $0xffff  }
0xc7: {  	v33 =	vor.u32 $0x1, v19;
	[tilespmem:s28+$0x2080] =	vst v30;
	v21 =	vld.idx.msk [tilespmem:v21+s13+$0x0], $0xffff  }
0xc8: {  	v30 =	vor.u32 $0xA, v12;
	[tilespmem:s0+$0x3100] =	vst v20;
	v18 =	vld.idx.msk [tilespmem:v18+s13+$0x0], $0xffff  }
0xc9: {  	v60 =	vor.u32 $0x1, v22;
	[tilespmem:s12+$0x3180] =	vst v24;
	v20 =	vld.idx.msk [tilespmem:v26+s13+$0x0], $0xffff  }
0xca: {  	s21 =	sand.u32 $0x60, s21;
	v24 =	vor.u32 $0xA, v13;
	[tilespmem:s29+$0x2100] =	vst v25;
	v25 =	vld.idx.msk [tilespmem:v28+s13+$0x0], $0xffff  }
0xcb: {  	s25 =	sor.u32 s21, s24;
	[tilespmem:s5+$0x1080] =	vst v27;
	v26 =	vld.idx.msk [tilespmem:v31+s13+$0x0], $0xffff;
	v27 =	vor.u32 $0x13, v11  }
0xcc: {  	[tilespmem:s25+$0x0] =	vst v23;
	v28 =	vor.u32 $0x1D, v1;
	v31 =	vld.idx.msk [tilespmem:v33+s13+$0x0], $0xffff  }
0xcd: {  	v29 =	vor.u32 $0x14, v16;
	v23 =	vld.idx.msk [tilespmem:v30+s13+$0x0], $0xffff;
	[tilespmem:s31+$0x1080] =	vst v21  }
0xce: {  	v61 =	vor.u32 $0xB, v12;
	v30 =	vld.idx.msk [tilespmem:v60+s13+$0x0], $0xffff;
	[tilespmem:s28+$0x2100] =	vst v18  }
0xcf: {  	v21 =	vor.u32 $0x2, v22;
	v24 =	vld.idx.msk [tilespmem:v24+s13+$0x0], $0xffff;
	[tilespmem:s12+$0x3200] =	vst v25  }
0xd0: {  	v18 =	vor.u32 $0x2, v19;
	v27 =	vld.idx.msk [tilespmem:v27+s13+$0x0], $0xffff;
	[tilespmem:s29+$0x2180] =	vst v26  }
0xd1: {  	v25 =	vor.u32 $0xB, v13;
	[tilespmem:s30+$0x80] =	vst v31;
	v26 =	vld.idx.msk [tilespmem:v28+s13+$0x0], $0xffff  }
0xd2: {  	[tilespmem:s5+$0x1100] =	vst v23;
	v23 =	vld.idx.msk [tilespmem:v29+s13+$0x0], $0xffff;
	v28 =	vor.u32 $0x14, v11  }
0xd3: {  	[tilespmem:s25+$0x80] =	vst v30;
	v30 =	vor.u32 $0x1E, v1;
	v29 =	vld.idx.msk [tilespmem:v61+s13+$0x0], $0xffff  }
0xd4: {  	v31 =	vor.u32 $0x15, v16;
	v21 =	vld.idx.msk [tilespmem:v21+s13+$0x0], $0xffff;
	[tilespmem:s31+$0x1100] =	vst v24  }
0xd5: {  	v18 =	vld.idx.msk [tilespmem:v18+s13+$0x0], $0xffff;
	v24 =	vor.u32 $0x3, v22;
	[tilespmem:s28+$0x2180] =	vst v27  }
0xd6: {  	v62 =	vor.u32 $0xC, v12;
	v25 =	vld.idx.msk [tilespmem:v25+s13+$0x0], $0xffff;
	[tilespmem:s12+$0x3280] =	vst v26  }
0xd7: {  	v27 =	vor.u32 $0x3, v19;
	v28 =	vld.idx.msk [tilespmem:v28+s13+$0x0], $0xffff;
	[tilespmem:s29+$0x2200] =	vst v23  }
0xd8: {  	v63 =	vor.u32 $0xC, v13;
	v36 =	vld.idx.msk [tilespmem:v30+s13+$0x0], $0xffff;
	[tilespmem:s5+$0x1180] =	vst v29  }
0xd9: {  	v37 =	vor.u32 $0x15, v11;
	p5 =	por $0x1, $0x1;
	v23 =	vld.idx.msk [tilespmem:v31+s13+$0x0], $0xffff;
	[tilespmem:s25+$0x100] =	vst v21  }
.Ltmp5:
0xda: {  	[tilespmem:s30+$0x100] =	vst v18;
	v32 =	vld.idx.msk [tilespmem:v24+s13+$0x0], $0xffff;
	v24 =	vor.u32 $0x1F, v1;
	(pc) =	sbr.rel @!p5 .LBB2_9-.Ltmp5, $4  }
0xdb: {  	v26 =	vld.idx.msk [tilespmem:v62+s13+$0x0], $0xffff;
	[tilespmem:s31+$0x1180] =	vst v25;
	v25 =	vor.u32 $0x16, v16  }
0xdc: {  	v30 =	vor.u32 $0xD, v12;
	v31 =	vld.idx.msk [tilespmem:v27+s13+$0x0], $0xffff  }
0xdd: {  	p4 =	por $0x1, $0x1;
	v35 =	vor.u32 $0x4, v22;
	v29 =	vld.idx.msk [tilespmem:v63+s13+$0x0], $0xffff;
	[tilespmem:s28+$0x2200] =	vst v28  }
0xde: {  	s1 =	smov.u32 s12;
	v34 =	vor.u32 $0x4, v19;
	s21 =	simm.s32 $0x90;
	s24 =	smov.u32 s0;
	v18 =	vmov v2;
	v27 =	vld.idx.msk [tilespmem:v37+s13+$0x0], $0xffff;
	[tilespmem:s12+$0x3300] =	vst v36  }
.LBB2_10:
0xdf: {  	v21 =	vmov s21;
	v28 =	vor.u32 $0xD, v13;
	[tilespmem:s29+$0x2280] =	vst v23;
	v23 =	vld.idx.msk [tilespmem:v24+s13+$0x0], $0xffff  }
0xe0: {  	v21 =	vshll.u32 v21, $0x5;
	[tilespmem:s5+$0x1200] =	vst v26;
	v24 =	vld.idx.msk [tilespmem:v25+s13+$0x0], $0xffff;
	v25 =	vor.u32 $0x16, v11  }
0xe1: {  	v26 =	vor.u32 v0, v21;
	[tilespmem:s25+$0x180] =	vst v32;
	v30 =	vld.idx.msk [tilespmem:v30+s13+$0x0], $0xffff  }
0xe2: {  	v32 =	vld.idx.msk [tilespmem:v35+s13+$0x0], $0xffff;
	[tilespmem:s30+$0x180] =	vst v31;
	v31 =	vor.u32 $0x17, v16  }
0xe3: {  	v33 =	vld.idx.msk [tilespmem:v34+s13+$0x0], $0xffff;
	v34 =	vor.u32 $0xE, v12;
	[tilespmem:s31+$0x1200] =	vst v29  }
0xe4: {  	v29 =	vor.u32 $0x5, v22;
	v28 =	vld.idx.msk [tilespmem:v28+s13+$0x0], $0xffff;
	[tilespmem:s28+$0x2280] =	vst v27  }
0xe5: {  	v27 =	vor.u32 $0x5, v19;
	v25 =	vld.idx.msk [tilespmem:v25+s13+$0x0], $0xffff;
	[tilespmem:s1+$0x3380] =	vst v23;
	s1 =	smov.u32 s29;
	s29 =	smov.u32 s5;
	s5 =	smov.u32 s25  }
0xe6: {  	v23 =	vor.u32 $0xE, v13;
	v21 =	vld.idx.msk [tilespmem:v26+s13+$0x0], $0xffff;
	[tilespmem:s1+$0x2300] =	vst v24  }
0xe7: {  	[tilespmem:s29+$0x1280] =	vst v30;
	v24 =	vld.idx.msk [tilespmem:v31+s13+$0x0], $0xffff;
	v30 =	vor.u32 $0x17, v11  }
0xe8: {  	[tilespmem:s5+$0x200] =	vst v32;
	v31 =	vld.idx.msk [tilespmem:v34+s13+$0x0], $0xffff;
	v32 =	vor.u32 $0x1C, v18  }
0xe9: {  	v29 =	vld.idx.msk [tilespmem:v29+s13+$0x0], $0xffff;
	[tilespmem:s30+$0x200] =	vst v33;
	v33 =	vor.u32 $0x18, v16  }
0xea: {  	v34 =	vor.u32 $0xF, v12;
	v27 =	vld.idx.msk [tilespmem:v27+s13+$0x0], $0xffff;
	[tilespmem:s31+$0x1280] =	vst v28  }
0xeb: {  	v28 =	vor.u32 $0x6, v22;
	v23 =	vld.idx.msk [tilespmem:v23+s13+$0x0], $0xffff;
	[tilespmem:s28+$0x2300] =	vst v25  }
0xec: {  	v25 =	vor.u32 $0x6, v19;
	v30 =	vld.idx.msk [tilespmem:v30+s13+$0x0], $0xffff;
	[tilespmem:s24+$0x3180] =	vst v20  }
0xed: {  	v20 =	vor.u32 $0xF, v13;
	[tilespmem:s1+$0x2380] =	vst v24;
	v24 =	vld.idx.msk [tilespmem:v32+s13+$0x0], $0xffff  }
0xee: {  	v32 =	vor.u32 $0x18, v11;
	[tilespmem:s29+$0x1300] =	vst v31;
	v31 =	vld.idx.msk [tilespmem:v33+s13+$0x0], $0xffff  }
0xef: {  	v33 =	vor.u32 $0x1D, v18;
	[tilespmem:s5+$0x280] =	vst v29;
	v29 =	vld.idx.msk [tilespmem:v34+s13+$0x0], $0xffff  }
0xf0: {  	v28 =	vld.idx.msk [tilespmem:v28+s13+$0x0], $0xffff;
	[tilespmem:s30+$0x280] =	vst v27;
	v27 =	vor.u32 $0x19, v16  }
0xf1: {  	v34 =	vor.u32 $0x10, v12;
	v25 =	vld.idx.msk [tilespmem:v25+s13+$0x0], $0xffff;
	[tilespmem:s31+$0x1300] =	vst v23  }
0xf2: {  	v23 =	vor.u32 $0x7, v22;
	v20 =	vld.idx.msk [tilespmem:v20+s13+$0x0], $0xffff;
	[tilespmem:s28+$0x2380] =	vst v30  }
0xf3: {  	v30 =	vor.u32 $0x7, v19;
	v32 =	vld.idx.msk [tilespmem:v32+s13+$0x0], $0xffff;
	[tilespmem:s24+$0x3200] =	vst v24  }
0xf4: {  	v24 =	vor.u32 $0x10, v13;
	[tilespmem:s1+$0x3000] =	vst v31;
	v31 =	vld.idx.msk [tilespmem:v33+s13+$0x0], $0xffff  }
0xf5: {  	[tilespmem:s29+$0x1380] =	vst v29;
	v27 =	vld.idx.msk [tilespmem:v27+s13+$0x0], $0xffff;
	v29 =	vor.u32 $0x19, v11  }
0xf6: {  	v33 =	vor.u32 $0x1E, v18;
	[tilespmem:s5+$0x300] =	vst v28;
	v28 =	vld.idx.msk [tilespmem:v34+s13+$0x0], $0xffff  }
0xf7: {  	v23 =	vld.idx.msk [tilespmem:v23+s13+$0x0], $0xffff;
	[tilespmem:s30+$0x300] =	vst v25;
	v25 =	vor.u32 $0x1A, v16  }
0xf8: {  	v34 =	vor.u32 $0x11, v12;
	v30 =	vld.idx.msk [tilespmem:v30+s13+$0x0], $0xffff;
	[tilespmem:s31+$0x1380] =	vst v20  }
0xf9: {  	v20 =	vor.u32 $0x8, v22;
	v24 =	vld.idx.msk [tilespmem:v24+s13+$0x0], $0xffff;
	[tilespmem:s28+$0x3000] =	vst v32  }
0xfa: {  	v32 =	vor.u32 $0x8, v19;
	v29 =	vld.idx.msk [tilespmem:v29+s13+$0x0], $0xffff;
	[tilespmem:s24+$0x3280] =	vst v31  }
0xfb: {  	v31 =	vor.u32 $0x11, v13;
	[tilespmem:s1+$0x3080] =	vst v27;
	v27 =	vld.idx.msk [tilespmem:v33+s13+$0x0], $0xffff  }
0xfc: {  	[tilespmem:s29+$0x2000] =	vst v28;
	v25 =	vld.idx.msk [tilespmem:v25+s13+$0x0], $0xffff;
	v28 =	vor.u32 $0x1A, v11  }
0xfd: {  	v33 =	vor.u32 $0x1F, v18;
	v18 =	vmovc v11;
	v11 =	vmovc v13;
	v13 =	vmov v19;
	v19 =	vmov v26;
	[tilespmem:s5+$0x380] =	vst v23;
	v23 =	vld.idx.msk [tilespmem:v34+s13+$0x0], $0xffff  }
0xfe: {  	s25 =	sadd.s32 $0xFFFFFFF0, s21;
	v26 =	vor.u32 $0x1B, v16;
	v20 =	vld.idx.msk [tilespmem:v20+s13+$0x0], $0xffff;
	[tilespmem:s30+$0x380] =	vst v30  }
0xff: {  	p5 =	slt.u32 s25, $0x1E0;
	v34 =	vor.u32 $0x12, v12;
	v30 =	vmov s25;
	v32 =	vld.idx.msk [tilespmem:v32+s13+$0x0], $0xffff;
	[tilespmem:s31+$0x2000] =	vst v24  }
0x100: {  	v24 =	vshll.u32 v30, $0x5;
	v30 =	vor.u32 $0x9, v22;
	v31 =	vld.idx.msk [tilespmem:v31+s13+$0x0], $0xffff;
	[tilespmem:s28+$0x3080] =	vst v29  }
0x101: {  	v29 =	vor.u32 v0, v24;
	v24 =	vld.idx.msk [tilespmem:v28+s13+$0x0], $0xffff;
	[tilespmem:s24+$0x3300] =	vst v27  }
0x102: {  	v27 =	vor.u32 $0x9, v13;
	[tilespmem:s1+$0x3100] =	vst v25;
	v25 =	vld.idx.msk [tilespmem:v33+s13+$0x0], $0xffff  }
0x103: {  	[tilespmem:s29+$0x2080] =	vst v23;
	v23 =	vor.u32 $0x12, v11;
	v26 =	vld.idx.msk [tilespmem:v26+s13+$0x0], $0xffff  }
0x104: {  	[tilespmem:s5+$0x1000] =	vst v20;
	v28 =	vld.idx.msk [tilespmem:v34+s13+$0x0], $0xffff;
	v20 =	vor.u32 $0x1B, v18  }
0x105: {  	v30 =	vld.idx.msk [tilespmem:v30+s13+$0x0], $0xffff;
	[tilespmem:s30+$0x1000] =	vst v32;
	v32 =	vor.u32 $0x1C, v16  }
0x106: {  	v34 =	vor.u32 $0x13, v12;
	v33 =	vld.idx.msk [tilespmem:v29+s13+$0x0], $0xffff;
	[tilespmem:s31+$0x2080] =	vst v31  }
0x107: {  	v31 =	vor.u32 $0xA, v22;
	v27 =	vld.idx.msk [tilespmem:v27+s13+$0x0], $0xffff;
	[tilespmem:s28+$0x3100] =	vst v24  }
0x108: {  	s10 =	sadd.s32 $0x100, s10;
	v24 =	vor.u32 $0x1, v29;
	v23 =	vld.idx.msk [tilespmem:v23+s13+$0x0], $0xffff;
	[tilespmem:s24+$0x3380] =	vst v25;
	s24 =	smov.u32 s28;
	s28 =	smov.u32 s31  }
0x109: {  	s2 =	sand.u32 $0xC00, s10;
	v25 =	vor.u32 $0x1, v19;
	s31 =	smov.u32 s30;
	[tilespmem:s1+$0x3180] =	vst v26;
	v20 =	vld.idx.msk [tilespmem:v20+s13+$0x0], $0xffff  }
0x10a: {  	s2 =	sadd.s32 $0xB400, s2;
	s25 =	sand.u32 $0x60, s25;
	s30 =	sand.u32 $0x70, s21;
	v26 =	vor.u32 $0xA, v13;
	[tilespmem:s29+$0x2100] =	vst v28;
	v28 =	vld.idx.msk [tilespmem:v32+s13+$0x0], $0xffff  }
0x10b: {  	s25 =	sor.u32 s25, s2;
	s30 =	sor.u32 s30, s2;
	v32 =	vor.u32 $0x13, v11;
	[tilespmem:s5+$0x1080] =	vst v30;
	v30 =	vld.idx.msk [tilespmem:v34+s13+$0x0], $0xffff  }
0x10c: {  	[tilespmem:s25+$0x0] =	vst v33;
	v31 =	vld.idx.msk [tilespmem:v31+s13+$0x0], $0xffff;
	v33 =	vor.u32 $0x1D, v16  }
0x10d: {  	v24 =	vld.idx.msk [tilespmem:v24+s13+$0x0], $0xffff;
	[tilespmem:s30+$0x0] =	vst v21;
	v21 =	vor.u32 $0x14, v12  }
0x10e: {  	v34 =	vor.u32 $0xB, v22;
	v25 =	vld.idx.msk [tilespmem:v25+s13+$0x0], $0xffff;
	[tilespmem:s31+$0x1080] =	vst v27  }
0x10f: {  	v27 =	vor.u32 $0x2, v29;
	v26 =	vld.idx.msk [tilespmem:v26+s13+$0x0], $0xffff;
	[tilespmem:s28+$0x2100] =	vst v23  }
0x110: {  	v23 =	vor.u32 $0x2, v19;
	v32 =	vld.idx.msk [tilespmem:v32+s13+$0x0], $0xffff;
	[tilespmem:s1+$0x3200] =	vst v28  }
0x111: {  	v28 =	vor.u32 $0xB, v13;
	[tilespmem:s29+$0x2180] =	vst v30;
	v30 =	vld.idx.msk [tilespmem:v33+s13+$0x0], $0xffff  }
0x112: {  	[tilespmem:s5+$0x1100] =	vst v31;
	v21 =	vld.idx.msk [tilespmem:v21+s13+$0x0], $0xffff;
	v31 =	vor.u32 $0x14, v11  }
0x113: {  	v33 =	vor.u32 $0x1E, v16;
	[tilespmem:s25+$0x80] =	vst v24;
	v24 =	vld.idx.msk [tilespmem:v34+s13+$0x0], $0xffff  }
0x114: {  	v27 =	vld.idx.msk [tilespmem:v27+s13+$0x0], $0xffff;
	[tilespmem:s30+$0x80] =	vst v25;
	v25 =	vor.u32 $0x15, v12  }
0x115: {  	v35 =	vor.u32 $0xC, v22;
	v34 =	vld.idx.msk [tilespmem:v23+s13+$0x0], $0xffff;
	[tilespmem:s31+$0x1100] =	vst v26  }
0x116: {  	v36 =	vor.u32 $0x3, v29;
	v28 =	vld.idx.msk [tilespmem:v28+s13+$0x0], $0xffff;
	[tilespmem:s28+$0x2180] =	vst v32  }
0x117: {  	v37 =	vor.u32 $0x3, v19;
	v38 =	vld.idx.msk [tilespmem:v31+s13+$0x0], $0xffff;
	[tilespmem:s1+$0x3280] =	vst v30  }
0x118: {  	v39 =	vor.u32 $0xC, v13;
	[tilespmem:s29+$0x2200] =	vst v21;
	v21 =	vld.idx.msk [tilespmem:v33+s13+$0x0], $0xffff  }
0x119: {  	v33 =	vor.u32 $0x15, v11;
	[tilespmem:s5+$0x1180] =	vst v24;
	v23 =	vld.idx.msk [tilespmem:v25+s13+$0x0], $0xffff  }
.Ltmp6:
0x11a: {  	v24 =	vor.u32 $0x1F, v16;
	v16 =	vmovc v12;
	v12 =	vmov v22;
	v22 =	vmov v29;
	[tilespmem:s25+$0x100] =	vst v27;
	v26 =	vld.idx.msk [tilespmem:v35+s13+$0x0], $0xffff;
	(pc) =	sbr.rel @p5 .LBB2_10-.Ltmp6, $4  }
0x11b: {  	v25 =	vor.u32 $0x16, v16;
	v32 =	vld.idx.msk [tilespmem:v36+s13+$0x0], $0xffff;
	[tilespmem:s30+$0x100] =	vst v34  }
0x11c: {  	v30 =	vor.u32 $0xD, v12;
	v31 =	vld.idx.msk [tilespmem:v37+s13+$0x0], $0xffff;
	[tilespmem:s31+$0x1180] =	vst v28  }
0x11d: {  	v35 =	vor.u32 $0x4, v22;
	v29 =	vld.idx.msk [tilespmem:v39+s13+$0x0], $0xffff;
	[tilespmem:s28+$0x2200] =	vst v38  }
0x11e: {  	s21 =	sadd.s32 $0x20, s21;
	v34 =	vor.u32 $0x4, v19;
	v27 =	vld.idx.msk [tilespmem:v33+s13+$0x0], $0xffff;
	[tilespmem:s1+$0x3300] =	vst v21  }
0x11f: {  	v33 =	vmovc v13;
	s21 =	smov.u32 s5;
	v28 =	vmovc v12;
	s10 =	smov.u32 s29;
	s5 =	smov.u32 s25;
	v21 =	vmov v16;
	v12 =	vmov v22;
	v13 =	vmov v19  }
.LBB2_12:
0x120: {  	_ =	sdelay $0x2  }
0x121: {  	[tilespmem:s5+$0x180] =	vst v32  }
0x122: {  	v16 =	vld.idx.msk [tilespmem:v35+s13+$0x0], $0xffff;
	[tilespmem:s30+$0x180] =	vst v31  }
0x123: {  	v22 =	vor.u32 $0x5, v12;
	v19 =	vld.idx.msk [tilespmem:v34+s13+$0x0], $0xffff  }
0x124: {  	v47 =	vor.u32 $0x5, v13;
	_ =	sdelay $0x2  }
0x125: {  	[tilespmem:s5+$0x200] =	vst v16  }
0x126: {  	v16 =	vld.idx.msk [tilespmem:v22+s13+$0x0], $0xffff;
	[tilespmem:s30+$0x200] =	vst v19  }
0x127: {  	v48 =	vor.u32 $0x6, v12;
	v19 =	vld.idx.msk [tilespmem:v47+s13+$0x0], $0xffff  }
0x128: {  	v49 =	vor.u32 $0x6, v13;
	_ =	sdelay $0x2  }
0x129: {  	[tilespmem:s5+$0x280] =	vst v16  }
0x12a: {  	v16 =	vld.idx.msk [tilespmem:v48+s13+$0x0], $0xffff;
	[tilespmem:s30+$0x280] =	vst v19  }
0x12b: {  	v50 =	vor.u32 $0x7, v12;
	v19 =	vld.idx.msk [tilespmem:v49+s13+$0x0], $0xffff  }
0x12c: {  	v51 =	vor.u32 $0x7, v13;
	_ =	sdelay $0x2  }
0x12d: {  	[tilespmem:s5+$0x300] =	vst v16  }
0x12e: {  	v16 =	vld.idx.msk [tilespmem:v50+s13+$0x0], $0xffff;
	[tilespmem:s30+$0x300] =	vst v19  }
0x12f: {  	v52 =	vor.u32 $0x8, v12;
	v19 =	vld.idx.msk [tilespmem:v51+s13+$0x0], $0xffff  }
0x130: {  	v53 =	vor.u32 $0x8, v13;
	_ =	sdelay $0x2  }
0x131: {  	[tilespmem:s5+$0x380] =	vst v16  }
0x132: {  	v16 =	vld.idx.msk [tilespmem:v52+s13+$0x0], $0xffff;
	[tilespmem:s30+$0x380] =	vst v19  }
0x133: {  	v54 =	vor.u32 $0x9, v12;
	v19 =	vld.idx.msk [tilespmem:v53+s13+$0x0], $0xffff  }
0x134: {  	v55 =	vor.u32 $0x9, v13;
	_ =	sdelay $0x2  }
0x135: {  	[tilespmem:s5+$0x1000] =	vst v16  }
0x136: {  	v16 =	vld.idx.msk [tilespmem:v54+s13+$0x0], $0xffff;
	[tilespmem:s30+$0x1000] =	vst v19  }
0x137: {  	v56 =	vor.u32 $0xA, v12;
	v57 =	vld.idx.msk [tilespmem:v55+s13+$0x0], $0xffff  }
0x138: {  	v58 =	vor.u32 $0xA, v13;
	_ =	sdelay $0x2  }
0x139: {  	[tilespmem:s5+$0x1080] =	vst v16  }
0x13a: {  	v16 =	vld.idx.msk [tilespmem:v56+s13+$0x0], $0xffff;
	[tilespmem:s30+$0x1080] =	vst v57  }
0x13b: {  	v59 =	vor.u32 $0xB, v12;
	v22 =	vld.idx.msk [tilespmem:v58+s13+$0x0], $0xffff  }
0x13c: {  	v60 =	vor.u32 $0xB, v13;
	_ =	sdelay $0x2  }
0x13d: {  	v32 =	vor.u32 @p2 $0xD, v33;
	[tilespmem:s5+$0x1100] =	vst v16  }
0x13e: {  	v16 =	vld.idx.msk [tilespmem:v59+s13+$0x0], $0xffff;
	[tilespmem:s30+$0x1100] =	vst v22  }
0x13f: {  	v61 =	vor.u32 $0xC, v12;
	v22 =	vld.idx.msk [tilespmem:v60+s13+$0x0], $0xffff  }
0x140: {  	v62 =	vor.u32 $0xC, v13;
	[tilespmem:s21+$0x1200] =	vst @p2 v26  }
0x141: {  	v26 =	vld.idx.msk @p2 [tilespmem:v30+s13+$0x0], $0xffff;
	[tilespmem:s31+$0x1200] =	vst @p2 v29  }
0x142: {  	v30 =	vor.u32 @p2 $0xE, v28;
	v31 =	vld.idx.msk @p2 [tilespmem:v32+s13+$0x0], $0xffff  }
0x143: {  	v32 =	vor.u32 @p2 $0xE, v33;
	[tilespmem:s5+$0x1180] =	vst v16  }
0x144: {  	v16 =	vld.idx.msk [tilespmem:v61+s13+$0x0], $0xffff;
	[tilespmem:s30+$0x1180] =	vst v22  }
0x145: {  	v63 =	vor.u32 $0xD, v12;
	v22 =	vld.idx.msk [tilespmem:v62+s13+$0x0], $0xffff  }
0x146: {  	v29 =	vor.u32 $0xD, v13;
	[tilespmem:s21+$0x1280] =	vst @p2 v26  }
0x147: {  	v26 =	vld.idx.msk @p2 [tilespmem:v30+s13+$0x0], $0xffff;
	[tilespmem:s31+$0x1280] =	vst @p2 v31  }
0x148: {  	v30 =	vor.u32 @p2 $0xF, v28;
	v31 =	vld.idx.msk @p2 [tilespmem:v32+s13+$0x0], $0xffff  }
0x149: {  	v32 =	vor.u32 @p2 $0xF, v33;
	[tilespmem:s5+$0x1200] =	vst v16  }
0x14a: {  	v16 =	vld.idx.msk [tilespmem:v63+s13+$0x0], $0xffff;
	[tilespmem:s30+$0x1200] =	vst v22  }
0x14b: {  	v36 =	vor.u32 $0xE, v12;
	v22 =	vld.idx.msk [tilespmem:v29+s13+$0x0], $0xffff  }
0x14c: {  	[tilespmem:s21+$0x1300] =	vst @p2 v26;
	v29 =	vor.u32 $0xE, v13  }
0x14d: {  	v26 =	vld.idx.msk @p2 [tilespmem:v30+s13+$0x0], $0xffff;
	[tilespmem:s31+$0x1300] =	vst @p2 v31  }
0x14e: {  	v30 =	vor.u32 @p2 $0x10, v28;
	v31 =	vld.idx.msk @p2 [tilespmem:v32+s13+$0x0], $0xffff  }
0x14f: {  	v32 =	vor.u32 @p2 $0x10, v33;
	[tilespmem:s5+$0x1280] =	vst v16  }
0x150: {  	v16 =	vld.idx.msk [tilespmem:v36+s13+$0x0], $0xffff;
	[tilespmem:s30+$0x1280] =	vst v22  }
0x151: {  	v37 =	vor.u32 $0xF, v12;
	v22 =	vld.idx.msk [tilespmem:v29+s13+$0x0], $0xffff  }
0x152: {  	[tilespmem:s21+$0x1380] =	vst @p2 v26;
	v29 =	vor.u32 $0xF, v13  }
0x153: {  	v26 =	vld.idx.msk @p2 [tilespmem:v30+s13+$0x0], $0xffff;
	[tilespmem:s31+$0x1380] =	vst @p2 v31  }
0x154: {  	v30 =	vor.u32 @p2 $0x11, v28;
	v31 =	vld.idx.msk @p2 [tilespmem:v32+s13+$0x0], $0xffff  }
0x155: {  	v32 =	vor.u32 @p2 $0x11, v33;
	[tilespmem:s5+$0x1300] =	vst v16  }
0x156: {  	v16 =	vld.idx.msk [tilespmem:v37+s13+$0x0], $0xffff;
	[tilespmem:s30+$0x1300] =	vst v22  }
0x157: {  	v38 =	vor.u32 $0x10, v12;
	v22 =	vld.idx.msk [tilespmem:v29+s13+$0x0], $0xffff  }
0x158: {  	[tilespmem:s21+$0x2000] =	vst @p2 v26;
	v29 =	vor.u32 $0x10, v13  }
0x159: {  	v26 =	vld.idx.msk @p2 [tilespmem:v30+s13+$0x0], $0xffff;
	[tilespmem:s31+$0x2000] =	vst @p2 v31  }
0x15a: {  	v30 =	vmov @p2 v33;
	v31 =	vor.u32 @p2 $0x12, v28;
	v32 =	vld.idx.msk @p2 [tilespmem:v32+s13+$0x0], $0xffff  }
0x15b: {  	v33 =	vor.u32 @p2 $0x12, v30;
	[tilespmem:s5+$0x1380] =	vst v16  }
0x15c: {  	v16 =	vld.idx.msk [tilespmem:v38+s13+$0x0], $0xffff;
	[tilespmem:s30+$0x1380] =	vst v22  }
0x15d: {  	v39 =	vor.u32 $0x11, v12;
	v22 =	vld.idx.msk [tilespmem:v29+s13+$0x0], $0xffff  }
0x15e: {  	[tilespmem:s21+$0x2080] =	vst @p2 v26;
	v29 =	vor.u32 $0x11, v13  }
0x15f: {  	v26 =	vld.idx.msk @p2 [tilespmem:v31+s13+$0x0], $0xffff;
	[tilespmem:s31+$0x2080] =	vst @p2 v32  }
0x160: {  	v31 =	vor.u32 @p2 $0x13, v28;
	v32 =	vld.idx.msk @p2 [tilespmem:v33+s13+$0x0], $0xffff  }
0x161: {  	v33 =	vor.u32 @p2 $0x13, v30;
	[tilespmem:s5+$0x2000] =	vst v16  }
0x162: {  	v16 =	vld.idx.msk [tilespmem:v39+s13+$0x0], $0xffff;
	[tilespmem:s30+$0x2000] =	vst v22  }
0x163: {  	v40 =	vor.u32 $0x12, v12;
	[tilespmem:s10+$0x2280] =	vst @p3 v23;
	v22 =	vld.idx.msk [tilespmem:v29+s13+$0x0], $0xffff  }
0x164: {  	s25 =	smov.u32 @p2 s31;
	v24 =	vld.idx.msk @p4 [tilespmem:v24+s13+$0x0], $0xffff;
	[tilespmem:s21+$0x2100] =	vst @p2 v26;
	v29 =	vor.u32 $0x12, v13  }
0x165: {  	v26 =	vld.idx.msk @p2 [tilespmem:v31+s13+$0x0], $0xffff;
	[tilespmem:s25+$0x2100] =	vst @p2 v32  }
0x166: {  	v23 =	vor.u32 @p2 $0x14, v28;
	[tilespmem:s28+$0x2280] =	vst @p3 v27;
	v31 =	vld.idx.msk @p2 [tilespmem:v33+s13+$0x0], $0xffff  }
0x167: {  	v25 =	vld.idx.msk @p3 [tilespmem:v25+s13+$0x0], $0xffff;
	v27 =	vor.u32 @p2 $0x14, v30;
	[tilespmem:s5+$0x2080] =	vst v16  }
0x168: {  	v32 =	vor.u32 @p3 $0x16, v11;
	v16 =	vld.idx.msk [tilespmem:v40+s13+$0x0], $0xffff;
	[tilespmem:s30+$0x2080] =	vst v22  }
0x169: {  	v41 =	vor.u32 $0x13, v12;
	[tilespmem:s1+$0x3380] =	vst @p4 v24;
	v22 =	vld.idx.msk [tilespmem:v29+s13+$0x0], $0xffff  }
0x16a: {  	[tilespmem:s21+$0x2180] =	vst @p2 v26;
	v29 =	vor.u32 $0x13, v13  }
0x16b: {  	s1 =	smov.u32 @p3 s10;
	v23 =	vld.idx.msk @p2 [tilespmem:v23+s13+$0x0], $0xffff;
	[tilespmem:s25+$0x2180] =	vst @p2 v31  }
0x16c: {  	v24 =	vor.u32 @p2 $0x15, v28;
	[tilespmem:s1+$0x2300] =	vst @p3 v25;
	v27 =	vld.idx.msk @p2 [tilespmem:v27+s13+$0x0], $0xffff  }
0x16d: {  	v25 =	vor.u32 @p2 $0x15, v30;
	v31 =	vld.idx.msk @p3 [tilespmem:v32+s13+$0x0], $0xffff;
	[tilespmem:s5+$0x2100] =	vst v16  }
0x16e: {  	v19 =	vld.idx.msk [tilespmem:v41+s13+$0x0], $0xffff;
	[tilespmem:s30+$0x2100] =	vst v22  }
0x16f: {  	v42 =	vor.u32 $0x14, v12;
	v26 =	vld.idx.msk [tilespmem:v29+s13+$0x0], $0xffff  }
0x170: {  	[tilespmem:s21+$0x2200] =	vst @p2 v23;
	v29 =	vor.u32 $0x14, v13  }
0x171: {  	v24 =	vld.idx.msk @p2 [tilespmem:v24+s13+$0x0], $0xffff;
	[tilespmem:s25+$0x2200] =	vst @p2 v27  }
0x172: {  	v32 =	vor.u32 @p3 $0x17, v11;
	[tilespmem:s28+$0x2300] =	vst @p3 v31;
	v25 =	vld.idx.msk @p2 [tilespmem:v25+s13+$0x0], $0xffff  }
0x173: {  	v31 =	vor.u32 @p2 $0x16, v28;
	v16 =	vor.u32 @p3 $0x17, v21;
	[tilespmem:s5+$0x2180] =	vst v19  }
0x174: {  	v17 =	vpsel p2, v31, v17;
	v22 =	vld.idx.msk [tilespmem:v42+s13+$0x0], $0xffff;
	[tilespmem:s30+$0x2180] =	vst v26  }
0x175: {  	v43 =	vor.u32 $0x15, v12;
	s2 =	smov.u32 s12;
	v26 =	vld.idx.msk [tilespmem:v29+s13+$0x0], $0xffff  }
0x176: {  	[tilespmem:s24+$0x3180] =	vst @p4 v20;
	s2 =	smov.u32 @p2 s21;
	v20 =	vpsel p2, v30, v2;
	s21 =	smov.u32 s0;
	v27 =	vor.u32 $0x15, v13;
	v14 =	vpsel p2, v24, v14  }
0x177: {  	v30 =	vor.u32 @p2 $0x16, v20;
	s21 =	smov.u32 @p2 s25;
	v32 =	vld.idx.msk @p3 [tilespmem:v32+s13+$0x0], $0xffff;
	[tilespmem:s2+$0x2280] =	vst @p2 v14;
	v15 =	vpsel p2, v25, v15  }
0x178: {  	[tilespmem:s21+$0x2280] =	vst @p2 v15;
	v16 =	vld.idx.msk @p3 [tilespmem:v16+s13+$0x0], $0xffff;
	v19 =	vor.u32 @p4 $0x1C, v18  }
0x179: {  	v14 =	vpsel p2, v28, v1;
	v17 =	vld.idx.msk @p2 [tilespmem:v17+s13+$0x0], $0xffff;
	v29 =	vor.u32 @p3 $0x18, v21;
	[tilespmem:s5+$0x2200] =	vst v22  }
0x17a: {  	v15 =	vor.u32 @p2 $0x17, v14;
	v23 =	vld.idx.msk [tilespmem:v43+s13+$0x0], $0xffff;
	[tilespmem:s30+$0x2200] =	vst v26  }
0x17b: {  	v44 =	vor.u32 $0x16, v12;
	v24 =	vld.idx.msk [tilespmem:v27+s13+$0x0], $0xffff  }
0x17c: {  	[tilespmem:s28+$0x2380] =	vst @p3 v32;
	v25 =	vor.u32 $0x16, v13;
	v28 =	vld.idx.msk @p2 [tilespmem:v30+s13+$0x0], $0xffff  }
0x17d: {  	s10 =	smov.u32 @p2 s2;
	[tilespmem:s1+$0x2380] =	vst @p3 v16;
	v19 =	vld.idx.msk @p4 [tilespmem:v19+s13+$0x0], $0xffff;
	v22 =	vor.u32 @p3 $0x18, v11  }
0x17e: {  	[tilespmem:s10+$0x2300] =	vst @p2 v17;
	v26 =	vld.idx.msk @p3 [tilespmem:v29+s13+$0x0], $0xffff;
	v29 =	vor.u32 @p2 $0x17, v20  }
0x17f: {  	v15 =	vld.idx.msk @p2 [tilespmem:v15+s13+$0x0], $0xffff;
	v27 =	vor.u32 @p4 $0x1D, v18;
	[tilespmem:s5+$0x2280] =	vst v23  }
0x180: {  	v23 =	vor.u32 @p3 $0x19, v21;
	v16 =	vld.idx.msk [tilespmem:v44+s13+$0x0], $0xffff;
	[tilespmem:s30+$0x2280] =	vst v24  }
0x181: {  	v45 =	vor.u32 $0x17, v12;
	[tilespmem:s21+$0x2300] =	vst @p2 v28;
	v24 =	vld.idx.msk [tilespmem:v25+s13+$0x0], $0xffff  }
0x182: {  	v46 =	vor.u32 $0x17, v13;
	[tilespmem:s24+$0x3200] =	vst @p4 v19;
	v22 =	vld.idx.msk @p3 [tilespmem:v22+s13+$0x0], $0xffff  }
0x183: {  	[tilespmem:s1+$0x3000] =	vst @p3 v26;
	v26 =	vor.u32 @p2 $0x18, v14;
	v28 =	vld.idx.msk @p2 [tilespmem:v29+s13+$0x0], $0xffff  }
0x184: {  	v25 =	vld.idx.msk @p4 [tilespmem:v27+s13+$0x0], $0xffff;
	v27 =	vor.u32 @p3 $0x19, v11  }
0x185: {  	v29 =	vor.u32 @p2 $0x18, v20;
	v23 =	vld.idx.msk @p3 [tilespmem:v23+s13+$0x0], $0xffff;
	[tilespmem:s5+$0x2300] =	vst v16  }
0x186: {  	v16 =	vor.u32 @p4 $0x1E, v18;
	v19 =	vld.idx.msk [tilespmem:v45+s13+$0x0], $0xffff;
	[tilespmem:s30+$0x2300] =	vst v24  }
0x187: {  	v47 =	vor.u32 $0x18, v12;
	[tilespmem:s10+$0x2380] =	vst @p2 v15;
	v17 =	vld.idx.msk [tilespmem:v46+s13+$0x0], $0xffff  }
0x188: {  	v48 =	vor.u32 $0x18, v13;
	[tilespmem:s28+$0x3000] =	vst @p3 v22;
	v26 =	vld.idx.msk @p2 [tilespmem:v26+s13+$0x0], $0xffff  }
0x189: {  	[tilespmem:s21+$0x2380] =	vst @p2 v28;
	v24 =	vld.idx.msk @p3 [tilespmem:v27+s13+$0x0], $0xffff;
	v27 =	vor.u32 @p3 $0x1A, v21  }
0x18a: {  	v28 =	vld.idx.msk @p2 [tilespmem:v29+s13+$0x0], $0xffff;
	[tilespmem:s24+$0x3280] =	vst @p4 v25;
	v25 =	vor.u32 @p2 $0x19, v14  }
0x18b: {  	v29 =	vor.u32 @p2 $0x19, v20;
	v16 =	vld.idx.msk @p4 [tilespmem:v16+s13+$0x0], $0xffff;
	[tilespmem:s5+$0x2380] =	vst v19  }
0x18c: {  	v19 =	vor.u32 @p3 $0x1A, v11;
	v22 =	vld.idx.msk [tilespmem:v47+s13+$0x0], $0xffff;
	[tilespmem:s30+$0x2380] =	vst v17  }
0x18d: {  	v49 =	vor.u32 $0x19, v12;
	[tilespmem:s1+$0x3080] =	vst @p3 v23;
	v15 =	vld.idx.msk [tilespmem:v48+s13+$0x0], $0xffff  }
0x18e: {  	[tilespmem:s10+$0x3000] =	vst @p2 v26;
	v26 =	vor.u32 $0x19, v13;
	v23 =	vld.idx.msk @p3 [tilespmem:v27+s13+$0x0], $0xffff  }
0x18f: {  	v18 =	vor.u32 @p4 $0x1F, v18;
	[tilespmem:s21+$0x3000] =	vst @p2 v28;
	v25 =	vld.idx.msk @p2 [tilespmem:v25+s13+$0x0], $0xffff  }
0x190: {  	[tilespmem:s28+$0x3080] =	vst @p3 v24;
	v24 =	vor.u32 @p2 $0x1A, v14;
	v27 =	vld.idx.msk @p2 [tilespmem:v29+s13+$0x0], $0xffff  }
0x191: {  	v28 =	vor.u32 @p2 $0x1A, v20;
	v19 =	vld.idx.msk @p3 [tilespmem:v19+s13+$0x0], $0xffff;
	[tilespmem:s5+$0x3000] =	vst v22  }
0x192: {  	v22 =	vor.u32 @p3 $0x1B, v21;
	v17 =	vld.idx.msk [tilespmem:v49+s13+$0x0], $0xffff;
	[tilespmem:s30+$0x3000] =	vst v15  }
0x193: {  	v50 =	vor.u32 $0x1A, v12;
	[tilespmem:s24+$0x3300] =	vst @p4 v16;
	v51 =	vld.idx.msk [tilespmem:v26+s13+$0x0], $0xffff  }
0x194: {  	v18 =	vld.idx.msk @p4 [tilespmem:v18+s13+$0x0], $0xffff;
	[tilespmem:s10+$0x3080] =	vst @p2 v25;
	v25 =	vor.u32 $0x1A, v13  }
0x195: {  	[tilespmem:s21+$0x3080] =	vst @p2 v27;
	v24 =	vld.idx.msk @p2 [tilespmem:v24+s13+$0x0], $0xffff;
	v26 =	vor.u32 @p3 $0x1B, v11  }
0x196: {  	[tilespmem:s1+$0x3100] =	vst @p3 v23;
	v23 =	vor.u32 @p2 $0x1B, v14;
	v27 =	vld.idx.msk @p2 [tilespmem:v28+s13+$0x0], $0xffff  }
0x197: {  	v28 =	vor.u32 @p2 $0x1B, v20;
	v22 =	vld.idx.msk @p3 [tilespmem:v22+s13+$0x0], $0xffff;
	[tilespmem:s5+$0x3080] =	vst v17  }
0x198: {  	v15 =	vld.idx.msk [tilespmem:v50+s13+$0x0], $0xffff;
	[tilespmem:s30+$0x3080] =	vst v51  }
0x199: {  	v52 =	vor.u32 $0x1B, v12;
	[tilespmem:s28+$0x3100] =	vst @p3 v19;
	v53 =	vld.idx.msk [tilespmem:v25+s13+$0x0], $0xffff  }
0x19a: {  	[tilespmem:s10+$0x3100] =	vst @p2 v24;
	v24 =	vor.u32 $0x1B, v13;
	v19 =	vld.idx.msk @p3 [tilespmem:v26+s13+$0x0], $0xffff  }
0x19b: {  	v11 =	vpsel p3, v11, v0;
	[tilespmem:s21+$0x3100] =	vst @p2 v27;
	v23 =	vld.idx.msk @p2 [tilespmem:v23+s13+$0x0], $0xffff;
	v25 =	vor.u32 @p3 $0x1C, v21  }
0x19c: {  	[tilespmem:s24+$0x3380] =	vst @p4 v18;
	v18 =	vor.u32 @p3 $0x1C, v11;
	v26 =	vld.idx.msk @p2 [tilespmem:v28+s13+$0x0], $0xffff  }
0x19d: {  	v20 =	vpsel p2, v20, v0;
	v27 =	vor.u32 @p2 $0x1C, v14;
	[tilespmem:s5+$0x3100] =	vst v15  }
0x19e: {  	s2 =	smov.u32 @p3 s28;
	v15 =	vor.u32 @p2 $0x1C, v20;
	v16 =	vld.idx.msk [tilespmem:v52+s13+$0x0], $0xffff;
	[tilespmem:s30+$0x3100] =	vst v53  }
0x19f: {  	v54 =	vor.u32 $0x1C, v12;
	s24 =	smov.u32 @p3 s2;
	[tilespmem:s1+$0x3180] =	vst @p3 v22;
	v17 =	vpsel p3, v19, v0;
	v55 =	vld.idx.msk [tilespmem:v24+s13+$0x0], $0xffff  }
0x1a0: {  	v56 =	vor.u32 $0x1C, v13;
	s2 =	smov.u32 @p2 s21;
	[tilespmem:s24+$0x3180] =	vst @p3 v17;
	v24 =	vld.idx.msk @p3 [tilespmem:v25+s13+$0x0], $0xffff  }
0x1a1: {  	s21 =	smov.u32 @p2 s2;
	[tilespmem:s10+$0x3180] =	vst @p2 v23;
	v23 =	vpsel p2, v26, v0;
	v25 =	vor.u32 @p3 $0x1D, v21;
	v18 =	vld.idx.msk @p3 [tilespmem:v18+s13+$0x0], $0xffff  }
0x1a2: {  	v26 =	vor.u32 @p3 $0x1D, v11;
	v27 =	vld.idx.msk @p2 [tilespmem:v27+s13+$0x0], $0xffff;
	[tilespmem:s21+$0x3180] =	vst @p2 v23  }
0x1a3: {  	v23 =	vor.u32 @p2 $0x1D, v14;
	v15 =	vld.idx.msk @p2 [tilespmem:v15+s13+$0x0], $0xffff;
	[tilespmem:s5+$0x3180] =	vst v16  }
0x1a4: {  	v16 =	vor.u32 @p2 $0x1D, v20;
	v19 =	vld.idx.msk [tilespmem:v54+s13+$0x0], $0xffff;
	[tilespmem:s30+$0x3180] =	vst v55  }
0x1a5: {  	v57 =	vor.u32 $0x1D, v12;
	[tilespmem:s1+$0x3200] =	vst @p3 v24;
	v17 =	vld.idx.msk [tilespmem:v56+s13+$0x0], $0xffff  }
0x1a6: {  	v58 =	vor.u32 $0x1D, v13;
	[tilespmem:s24+$0x3200] =	vst @p3 v18;
	v24 =	vld.idx.msk @p3 [tilespmem:v25+s13+$0x0], $0xffff  }
0x1a7: {  	[tilespmem:s10+$0x3200] =	vst @p2 v27;
	v25 =	vor.u32 @p3 $0x1E, v21;
	v26 =	vld.idx.msk @p3 [tilespmem:v26+s13+$0x0], $0xffff  }
0x1a8: {  	v27 =	vor.u32 @p3 $0x1E, v11;
	v23 =	vld.idx.msk @p2 [tilespmem:v23+s13+$0x0], $0xffff;
	[tilespmem:s21+$0x3200] =	vst @p2 v15  }
0x1a9: {  	v15 =	vor.u32 @p2 $0x1E, v14;
	v16 =	vld.idx.msk @p2 [tilespmem:v16+s13+$0x0], $0xffff;
	[tilespmem:s5+$0x3200] =	vst v19  }
0x1aa: {  	v19 =	vor.u32 @p2 $0x1E, v20;
	v22 =	vld.idx.msk [tilespmem:v57+s13+$0x0], $0xffff;
	[tilespmem:s30+$0x3200] =	vst v17  }
0x1ab: {  	v59 =	vor.u32 $0x1E, v12;
	[tilespmem:s1+$0x3280] =	vst @p3 v24;
	v18 =	vld.idx.msk [tilespmem:v58+s13+$0x0], $0xffff  }
0x1ac: {  	v21 =	vor.u32 @p3 $0x1F, v21;
	[tilespmem:s24+$0x3280] =	vst @p3 v26;
	v24 =	vld.idx.msk @p3 [tilespmem:v25+s13+$0x0], $0xffff;
	v25 =	vor.u32 $0x1E, v13  }
0x1ad: {  	v21 =	vpsel p3, v21, v0;
	[tilespmem:s10+$0x3280] =	vst @p2 v23;
	v26 =	vld.idx.msk @p3 [tilespmem:v27+s13+$0x0], $0xffff  }
0x1ae: {  	v11 =	vor.u32 @p3 $0x1F, v11;
	v14 =	vor.u32 @p2 $0x1F, v14;
	v15 =	vld.idx.msk @p2 [tilespmem:v15+s13+$0x0], $0xffff;
	[tilespmem:s21+$0x3280] =	vst @p2 v16  }
0x1af: {  	v14 =	vpsel p2, v14, v0;
	v16 =	vld.idx.msk @p2 [tilespmem:v19+s13+$0x0], $0xffff;
	[tilespmem:s5+$0x3280] =	vst v22  }
0x1b0: {  	v19 =	vor.u32 @p2 $0x1F, v20;
	v17 =	vld.idx.msk [tilespmem:v59+s13+$0x0], $0xffff;
	[tilespmem:s30+$0x3280] =	vst v18  }
0x1b1: {  	v60 =	vor.u32 $0x1F, v12;
	[tilespmem:s1+$0x3300] =	vst @p3 v24;
	v18 =	vld.idx.msk [tilespmem:v25+s13+$0x0], $0xffff  }
0x1b2: {  	v61 =	vor.u32 $0x1F, v13;
	[tilespmem:s24+$0x3300] =	vst @p3 v26;
	v20 =	vld.idx.msk @p3 [tilespmem:v21+s13+$0x0], $0xffff  }
0x1b3: {  	v11 =	vld.idx.msk @p3 [tilespmem:v11+s13+$0x0], $0xffff;
	[tilespmem:s10+$0x3300] =	vst @p2 v15  }
0x1b4: {  	v14 =	vld.idx.msk @p2 [tilespmem:v14+s13+$0x0], $0xffff;
	[tilespmem:s21+$0x3300] =	vst @p2 v16  }
0x1b5: {  	v15 =	vld.idx.msk @p2 [tilespmem:v19+s13+$0x0], $0xffff;
	[tilespmem:s5+$0x3300] =	vst v17  }
0x1b6: {  	s1 =	smov.u32 @p3 s1;
	v12 =	vld.idx.msk [tilespmem:v60+s13+$0x0], $0xffff;
	[tilespmem:s30+$0x3300] =	vst v18  }
0x1b7: {  	s25 =	sshll.u32 s22, $0x3;
	[tilespmem:s1+$0x3380] =	vst @p3 v20;
	v13 =	vld.idx.msk [tilespmem:v61+s13+$0x0], $0xffff  }
0x1b8: {  	s2 =	smov.u32 @p2 s10;
	[tilespmem:s24+$0x3380] =	vst @p3 v11;
	s1 =	sadd.s32 s6, s25  }
0x1b9: {  	[tilespmem:s2+$0x3380] =	vst @p2 v14;
	s28 =	sshll.u32 s1, $0x9;
	s1 =	sshll.u32 s1, $0x7  }
0x1ba: {  	s2 =	sand.u32 $0x1FFF0000, s28;
	s1 =	sand.u32 $0x3C00, s1;
	[tilespmem:s21+$0x3380] =	vst @p2 v15  }
0x1bb: {  	s1 =	sor.u32 s1, s2;
	[tilespmem:s5+$0x3380] =	vst v12  }
0x1bc: {  	s29 =	simm.s32 $0xB400;
	s2 =	sadd.s32 s16, s1;
	[tilespmem:s30+$0x3380] =	vst v13  }
0x1bd: {  	[hbm4b:s2+s3] =	stream.linear.scatter [tilespmem:s29], [sflag:$0x3], $0x1000, $0x38;
	[tilespmem:$0xF400] =	vst v63  }
0x1be: {  	_ =	swait.ge [sflag:s11], $0x1000  }
0x1bf: {  	[sflag:s11] =	ssyncset.done $0x0  }
0x1c0: {  	s30 =	sadd.s32 s1, s7;
	[sflag:s11] =	ssyncadd.s32 $0xFFFFF000  }
0x1c1: {  	[hbm4b:s30+s3] =	stream.linear.scatter [tilespmem:s17], [sflag:$0x3], $0x1000, $0x38;
	[tilespmem:$0xF400] =	vst v63  }
0x1c2: {  	_ =	swait.ge [sflag:s11], $0x1000  }
0x1c3: {  	[sflag:s11] =	ssyncset.done $0x0  }
0x1c4: {  	s31 =	sadd.s32 s1, s8;
	[sflag:s11] =	ssyncadd.s32 $0xFFFFF000  }
0x1c5: {  	[hbm4b:s31+s3] =	stream.linear.scatter [tilespmem:s18], [sflag:$0x3], $0x1000, $0x38;
	[tilespmem:$0xF400] =	vst v63  }
0x1c6: {  	_ =	swait.ge [sflag:s11], $0x1000  }
0x1c7: {  	[sflag:s11] =	ssyncset.done $0x0  }
0x1c8: {  	p2 =	seq.s32 s22, $0xC;
	s1 =	sadd.s32 s1, s9;
	[sflag:s11] =	ssyncadd.s32 $0xFFFFF000  }
0x1c9: {  	[hbm4b:s1+s3] =	stream.linear.scatter [tilespmem:s19], [sflag:$0x3], $0x1000, $0x38;
	[tilespmem:$0xF400] =	vst v63  }
0x1ca: {  	s1 =	sshll.u32 @!p2 s22, $0xA;
	_ =	swait.ge [sflag:s11], $0x1000  }
0x1cb: {  	s5 =	simm.s32 @!p2 $0x3400;
	s1 =	sand.u32 @!p2 $0x3FFFFC00, s1;
	[sflag:s11] =	ssyncset.done $0x0  }
0x1cc: {  	s2 =	simm.s32 @!p2 $0x200;
	s1 =	sadd.s32 @!p2 $0x400, s1;
	[sflag:s11] =	ssyncadd.s32 $0xFFFFF000  }
0x1cd: {  	[tilespmem:s5], [sflag:$0x1] =	stream.indirect.gather @!p2 [hbm4b:s4+s2], $0x20, s1, s2, $0xb8;
	[tilespmem:$0xF400] =	vst v63  }
0x1ce: {  	_ =	swait.ge [sflag:s20], $0x4000  }
0x1cf: {  	[sflag:s20] =	ssyncset.done $0x0  }
0x1d0: {  	[sflag:s20] =	ssyncadd.s32 $0xFFFFC000  }
0x1d1: {  	v62 =	vld.idx.msk [tilespmem:v1+s14+$0x0], $0xffff  }
0x1d2: {  	v63 =	vld.idx.msk [tilespmem:v2+s14+$0x0], $0xffff;
	_ =	sdelay $0x3  }
0x1d3: {  	[tilespmem:s12+$0x0] =	vst v62  }
0x1d4: {  	[tilespmem:s0+$0x0] =	vst v63;
	v5 =	vld.idx.msk [tilespmem:v5+s14+$0x0], $0xffff  }
0x1d5: {  	v6 =	vld.idx.msk [tilespmem:v6+s14+$0x0], $0xffff;
	_ =	sdelay $0x3  }
0x1d6: {  	[tilespmem:s12+$0x80] =	vst v5  }
0x1d7: {  	[tilespmem:s0+$0x80] =	vst v6;
	v5 =	vld.idx.msk [tilespmem:v8+s14+$0x0], $0xffff  }
0x1d8: {  	v6 =	vld.idx.msk [tilespmem:v7+s14+$0x0], $0xffff;
	_ =	sdelay $0x1  }
.Ltmp7:
0x1d9: {  	_ = 	snop;
	(pc) =	sbr.rel @!p1 .LBB2_13-.Ltmp7, $4  }
0x1da: {  	_ = 	snop  }
0x1db: {  	[tilespmem:s12+$0x100] =	vst v5  }
0x1dc: {  	[tilespmem:s0+$0x100] =	vst v6;
	v27 =	vld.idx.msk [tilespmem:v10+s14+$0x0], $0xffff  }
0x1dd: {  	v26 =	vld.idx.msk [tilespmem:v9+s14+$0x0], $0xffff  }
0x1de: {  	_ =	sdelay $0x2  }
0x1df: {  	[tilespmem:s12+$0x180] =	vst v27  }
0x1e0: {  	v4 =	vld.idx.msk [tilespmem:v4+s14+$0x0], $0xffff  }
0x1e1: {  	v5 =	vor.u32 $0x5, v1  }
0x1e2: {  	[tilespmem:s0+$0x180] =	vst v26  }
0x1e3: {  	v3 =	vld.idx.msk [tilespmem:v3+s14+$0x0], $0xffff  }
0x1e4: {  	v6 =	vor.u32 $0x5, v2  }
0x1e5: {  	[tilespmem:s12+$0x200] =	vst v4  }
0x1e6: {  	v4 =	vld.idx.msk [tilespmem:v5+s14+$0x0], $0xffff  }
0x1e7: {  	v5 =	vor.u32 $0x6, v1  }
0x1e8: {  	[tilespmem:s0+$0x200] =	vst v3  }
0x1e9: {  	v3 =	vld.idx.msk [tilespmem:v6+s14+$0x0], $0xffff  }
0x1ea: {  	v6 =	vor.u32 $0x6, v2  }
0x1eb: {  	[tilespmem:s12+$0x280] =	vst v4  }
0x1ec: {  	v4 =	vld.idx.msk [tilespmem:v5+s14+$0x0], $0xffff  }
0x1ed: {  	v5 =	vor.u32 $0x7, v1  }
0x1ee: {  	[tilespmem:s0+$0x280] =	vst v3  }
0x1ef: {  	v3 =	vld.idx.msk [tilespmem:v6+s14+$0x0], $0xffff  }
0x1f0: {  	v6 =	vor.u32 $0x7, v2  }
0x1f1: {  	[tilespmem:s12+$0x300] =	vst v4  }
0x1f2: {  	v4 =	vld.idx.msk [tilespmem:v5+s14+$0x0], $0xffff  }
0x1f3: {  	v5 =	vor.u32 $0x8, v1  }
0x1f4: {  	[tilespmem:s0+$0x300] =	vst v3  }
0x1f5: {  	v3 =	vld.idx.msk [tilespmem:v6+s14+$0x0], $0xffff  }
0x1f6: {  	v7 =	vor.u32 $0x8, v2;
	v6 =	vmov s26  }
0x1f7: {  	s1 =	simm.s32 $0x20;
	v6 =	vshll.u32 v6, $0x5;
	[tilespmem:s12+$0x380] =	vst v4  }
0x1f8: {  	v6 =	vor.u32 v0, v6;
	v4 =	vld.idx.msk [tilespmem:v5+s14+$0x0], $0xffff;
	v5 =	vmov s1  }
0x1f9: {  	v8 =	vor.u32 $0x9, v1;
	v5 =	vshll.u32 v5, $0x5  }
0x1fa: {  	[tilespmem:s0+$0x380] =	vst v3;
	v5 =	vor.u32 v0, v5  }
0x1fb: {  	v3 =	vld.idx.msk [tilespmem:v7+s14+$0x0], $0xffff;
	_ =	sdelay $0x1  }
0x1fc: {  	v7 =	vor.u32 $0x9, v2;
	v10 =	vld.idx.msk [tilespmem:v6+s14+$0x0], $0xffff;
	[tilespmem:s12+$0x1000] =	vst v4  }
0x1fd: {  	s2 =	simm.s32 $0x100;
	v11 =	vor.u32 $0x1, v6;
	v4 =	vld.idx.msk [tilespmem:v8+s14+$0x0], $0xffff  }
0x1fe: {  	v9 =	vor.u32 $0xA, v1;
	s2 =	sand.u32 $0xC00, s2;
	v8 =	vld.idx.msk [tilespmem:v5+s14+$0x0], $0xffff  }
0x1ff: {  	s5 =	sand.u32 $0x70, s26;
	s2 =	sadd.s32 $0xB400, s2;
	[tilespmem:s0+$0x1000] =	vst v3;
	v3 =	vor.u32 $0x1, v5  }
0x200: {  	s28 =	sor.u32 s5, s2  }
0x201: {  	s1 =	sand.u32 $0x60, s1;
	v7 =	vld.idx.msk [tilespmem:v7+s14+$0x0], $0xffff;
	[tilespmem:s28+$0x0] =	vst v10  }
0x202: {  	v12 =	vor.u32 $0xA, v2;
	s26 =	sor.u32 s1, s2;
	v57 =	vld.idx.msk [tilespmem:v11+s14+$0x0], $0xffff;
	[tilespmem:s12+$0x1080] =	vst v4  }
0x203: {  	[tilespmem:s26+$0x0] =	vst v8;
	v4 =	vld.idx.msk [tilespmem:v9+s14+$0x0], $0xffff  }
0x204: {  	v8 =	vor.u32 $0xB, v1;
	v3 =	vld.idx.msk [tilespmem:v3+s14+$0x0], $0xffff  }
0x205: {  	v59 =	vor.u32 $0x2, v6  }
0x206: {  	[tilespmem:s0+$0x1080] =	vst v7;
	v7 =	vor.u32 $0x2, v5  }
0x207: {  	v58 =	vld.idx.msk [tilespmem:v12+s14+$0x0], $0xffff;
	[tilespmem:s28+$0x80] =	vst v57  }
0x208: {  	v60 =	vor.u32 $0xB, v2;
	[tilespmem:s12+$0x1100] =	vst v4  }
0x209: {  	[tilespmem:s26+$0x80] =	vst v3;
	v3 =	vld.idx.msk [tilespmem:v8+s14+$0x0], $0xffff  }
0x20a: {  	v8 =	vld.idx.msk [tilespmem:v59+s14+$0x0], $0xffff  }
0x20b: {  	v4 =	vld.idx.msk [tilespmem:v7+s14+$0x0], $0xffff;
	v7 =	vor.u32 $0xC, v1  }
0x20c: {  	v62 =	vor.u32 $0x3, v6;
	[tilespmem:s0+$0x1100] =	vst v58  }
0x20d: {  	v61 =	vor.u32 $0x3, v5;
	v10 =	vld.idx.msk [tilespmem:v60+s14+$0x0], $0xffff  }
0x20e: {  	v63 =	vor.u32 $0xC, v2;
	p2 =	por $0x1, $0x1  }
.Ltmp8:
0x20f: {  	[tilespmem:s12+$0x1180] =	vst v3;
	(pc) =	sbr.rel @!p2 .LBB2_15-.Ltmp8, $4  }
0x210: {  	[tilespmem:s28+$0x100] =	vst v8;
	v22 =	vld.idx.msk [tilespmem:v7+s14+$0x0], $0xffff  }
0x211: {  	[tilespmem:s26+$0x100] =	vst v4;
	v26 =	vld.idx.msk [tilespmem:v62+s14+$0x0], $0xffff  }
0x212: {  	[tilespmem:s0+$0x1180] =	vst v10;
	v27 =	vld.idx.msk [tilespmem:v61+s14+$0x0], $0xffff  }
0x213: {  	v25 =	vor.u32 $0xD, v1;
	p1 =	por $0x1, $0x1;
	s1 =	simm.s32 $0x50;
	v3 =	vor.u32 $0x4, v6;
	v4 =	vor.u32 $0x4, v5;
	v24 =	vld.idx.msk [tilespmem:v63+s14+$0x0], $0xffff  }
0x214: {  	_ =	sdelay $0x2  }
0x215: {  	[tilespmem:s12+$0x1200] =	vst v22  }
0x216: {  	v7 =	vor.u32 $0xD, v2;
	v8 =	vld.idx.msk [tilespmem:v25+s14+$0x0], $0xffff;
	[tilespmem:s26+$0x180] =	vst v27  }
0x217: {  	v9 =	vor.u32 $0xE, v1;
	v4 =	vld.idx.msk [tilespmem:v4+s14+$0x0], $0xffff  }
0x218: {  	v10 =	vor.u32 $0x5, v5  }
0x219: {  	[tilespmem:s28+$0x180] =	vst v26  }
0x21a: {  	v3 =	vld.idx.msk [tilespmem:v3+s14+$0x0], $0xffff;
	[tilespmem:s0+$0x1200] =	vst v24  }
0x21b: {  	v11 =	vor.u32 $0x5, v6;
	v7 =	vld.idx.msk [tilespmem:v7+s14+$0x0], $0xffff;
	[tilespmem:s12+$0x1280] =	vst v8  }
0x21c: {  	v8 =	vor.u32 $0xE, v2;
	[tilespmem:s26+$0x200] =	vst v4;
	v4 =	vld.idx.msk [tilespmem:v9+s14+$0x0], $0xffff  }
0x21d: {  	v9 =	vld.idx.msk [tilespmem:v10+s14+$0x0], $0xffff;
	v10 =	vor.u32 $0xF, v1  }
0x21e: {  	v12 =	vor.u32 $0x6, v5  }
0x21f: {  	[tilespmem:s28+$0x200] =	vst v3  }
0x220: {  	v3 =	vld.idx.msk [tilespmem:v11+s14+$0x0], $0xffff;
	[tilespmem:s0+$0x1280] =	vst v7  }
0x221: {  	v7 =	vld.idx.msk [tilespmem:v8+s14+$0x0], $0xffff;
	v8 =	vor.u32 $0x6, v6;
	[tilespmem:s12+$0x1300] =	vst v4  }
0x222: {  	v4 =	vor.u32 $0xF, v2;
	[tilespmem:s26+$0x280] =	vst v9;
	v9 =	vld.idx.msk [tilespmem:v10+s14+$0x0], $0xffff  }
0x223: {  	v11 =	vor.u32 $0x10, v1;
	v10 =	vld.idx.msk [tilespmem:v12+s14+$0x0], $0xffff  }
0x224: {  	v48 =	vor.u32 $0x7, v5  }
0x225: {  	[tilespmem:s28+$0x280] =	vst v3  }
0x226: {  	v3 =	vld.idx.msk [tilespmem:v8+s14+$0x0], $0xffff;
	[tilespmem:s0+$0x1300] =	vst v7  }
0x227: {  	v7 =	vor.u32 $0x7, v6;
	v4 =	vld.idx.msk [tilespmem:v4+s14+$0x0], $0xffff;
	[tilespmem:s12+$0x1380] =	vst v9  }
0x228: {  	v8 =	vor.u32 $0x10, v2;
	[tilespmem:s26+$0x300] =	vst v10;
	v9 =	vld.idx.msk [tilespmem:v11+s14+$0x0], $0xffff  }
0x229: {  	v11 =	vor.u32 $0x11, v1;
	v10 =	vld.idx.msk [tilespmem:v48+s14+$0x0], $0xffff  }
0x22a: {  	v49 =	vor.u32 $0x8, v5  }
0x22b: {  	[tilespmem:s28+$0x300] =	vst v3  }
0x22c: {  	v3 =	vld.idx.msk [tilespmem:v7+s14+$0x0], $0xffff;
	[tilespmem:s0+$0x1380] =	vst v4  }
0x22d: {  	v7 =	vor.u32 $0x8, v6;
	v4 =	vld.idx.msk [tilespmem:v8+s14+$0x0], $0xffff;
	[tilespmem:s12+$0x2000] =	vst v9  }
0x22e: {  	s2 =	simm.s32 $0x40;
	v8 =	vor.u32 $0x11, v2;
	[tilespmem:s26+$0x380] =	vst v10;
	v9 =	vld.idx.msk [tilespmem:v11+s14+$0x0], $0xffff  }
0x22f: {  	v13 =	vor.u32 $0x12, v1;
	v10 =	vmov s2;
	v12 =	vld.idx.msk [tilespmem:v49+s14+$0x0], $0xffff  }
0x230: {  	v14 =	vor.u32 $0x9, v5;
	v11 =	vmov s1;
	v10 =	vshll.u32 v10, $0x5  }
0x231: {  	v11 =	vshll.u32 v11, $0x5;
	[tilespmem:s28+$0x380] =	vst v3;
	v10 =	vor.u32 v0, v10  }
0x232: {  	v11 =	vor.u32 v0, v11;
	v3 =	vld.idx.msk [tilespmem:v7+s14+$0x0], $0xffff;
	[tilespmem:s0+$0x2000] =	vst v4  }
0x233: {  	v7 =	vor.u32 $0x9, v6;
	v4 =	vld.idx.msk [tilespmem:v8+s14+$0x0], $0xffff;
	[tilespmem:s12+$0x2080] =	vst v9  }
0x234: {  	v8 =	vor.u32 $0x12, v2;
	[tilespmem:s26+$0x1000] =	vst v12;
	v9 =	vld.idx.msk [tilespmem:v13+s14+$0x0], $0xffff  }
0x235: {  	v50 =	vor.u32 $0x13, v1;
	v12 =	vld.idx.msk [tilespmem:v14+s14+$0x0], $0xffff  }
0x236: {  	v15 =	vor.u32 $0xA, v5;
	v51 =	vld.idx.msk [tilespmem:v10+s14+$0x0], $0xffff  }
0x237: {  	s5 =	simm.s32 $0x200;
	v16 =	vld.idx.msk [tilespmem:v11+s14+$0x0], $0xffff;
	[tilespmem:s28+$0x1000] =	vst v3;
	v3 =	vor.u32 $0x1, v10  }
0x238: {  	s5 =	sand.u32 $0xC00, s5;
	[tilespmem:s0+$0x2080] =	vst v4;
	v4 =	vld.idx.msk [tilespmem:v7+s14+$0x0], $0xffff;
	v7 =	vor.u32 $0x1, v11  }
0x239: {  	v17 =	vor.u32 $0xA, v6;
	s5 =	sadd.s32 $0xB400, s5;
	s2 =	sand.u32 $0x60, s2;
	v8 =	vld.idx.msk [tilespmem:v8+s14+$0x0], $0xffff;
	[tilespmem:s12+$0x2100] =	vst v9  }
0x23a: {  	s31 =	sand.u32 $0x70, s1;
	v52 =	vor.u32 $0x13, v2;
	s24 =	sor.u32 s2, s5;
	[tilespmem:s26+$0x1080] =	vst v12;
	v9 =	vld.idx.msk [tilespmem:v50+s14+$0x0], $0xffff  }
0x23b: {  	v54 =	vor.u32 $0x14, v1;
	s30 =	sor.u32 s31, s5;
	[tilespmem:s24+$0x0] =	vst v51;
	v53 =	vld.idx.msk [tilespmem:v15+s14+$0x0], $0xffff  }
0x23c: {  	v55 =	vor.u32 $0xB, v5;
	[tilespmem:s30+$0x0] =	vst v16;
	v3 =	vld.idx.msk [tilespmem:v3+s14+$0x0], $0xffff  }
0x23d: {  	v7 =	vld.idx.msk [tilespmem:v7+s14+$0x0], $0xffff;
	[tilespmem:s28+$0x1080] =	vst v4;
	v4 =	vor.u32 $0x2, v10  }
0x23e: {  	v56 =	vld.idx.msk [tilespmem:v17+s14+$0x0], $0xffff;
	[tilespmem:s0+$0x2100] =	vst v8;
	v8 =	vor.u32 $0x2, v11  }
0x23f: {  	v57 =	vor.u32 $0xB, v6;
	v12 =	vld.idx.msk [tilespmem:v52+s14+$0x0], $0xffff;
	[tilespmem:s12+$0x2180] =	vst v9  }
0x240: {  	v58 =	vor.u32 $0x14, v2;
	[tilespmem:s26+$0x1100] =	vst v53;
	v9 =	vld.idx.msk [tilespmem:v54+s14+$0x0], $0xffff  }
0x241: {  	v59 =	vor.u32 $0x15, v1;
	[tilespmem:s24+$0x80] =	vst v3;
	v3 =	vld.idx.msk [tilespmem:v55+s14+$0x0], $0xffff  }
0x242: {  	v60 =	vor.u32 $0xC, v5;
	v4 =	vld.idx.msk [tilespmem:v4+s14+$0x0], $0xffff;
	[tilespmem:s30+$0x80] =	vst v7  }
0x243: {  	v61 =	vor.u32 $0x3, v10;
	v8 =	vld.idx.msk [tilespmem:v8+s14+$0x0], $0xffff;
	[tilespmem:s28+$0x1100] =	vst v56  }
0x244: {  	v62 =	vor.u32 $0x3, v11;
	v17 =	vld.idx.msk [tilespmem:v57+s14+$0x0], $0xffff;
	[tilespmem:s0+$0x2180] =	vst v12  }
0x245: {  	v18 =	vor.u32 $0xC, v6;
	v13 =	vld.idx.msk [tilespmem:v58+s14+$0x0], $0xffff;
	[tilespmem:s12+$0x2200] =	vst v9  }
0x246: {  	v63 =	vor.u32 $0x15, v2;
	p3 =	por $0x1, $0x1;
	[tilespmem:s26+$0x1180] =	vst v3;
	v7 =	vld.idx.msk [tilespmem:v59+s14+$0x0], $0xffff  }
.Ltmp9:
0x247: {  	[tilespmem:s24+$0x100] =	vst v4;
	v22 =	vld.idx.msk [tilespmem:v60+s14+$0x0], $0xffff;
	(pc) =	sbr.rel @!p3 .LBB2_17-.Ltmp9, $4  }
0x248: {  	v27 =	vld.idx.msk [tilespmem:v61+s14+$0x0], $0xffff;
	[tilespmem:s30+$0x100] =	vst v8  }
0x249: {  	v26 =	vld.idx.msk [tilespmem:v62+s14+$0x0], $0xffff;
	[tilespmem:s28+$0x1180] =	vst v17  }
0x24a: {  	v25 =	vor.u32 $0xD, v5;
	v24 =	vld.idx.msk [tilespmem:v18+s14+$0x0], $0xffff;
	[tilespmem:s0+$0x2200] =	vst v13  }
0x24b: {  	p2 =	por $0x1, $0x1;
	s5 =	simm.s32 $0x70;
	v9 =	vor.u32 $0x16, v1;
	v4 =	vor.u32 $0x4, v10;
	v3 =	vor.u32 $0x4, v11;
	v8 =	vld.idx.msk [tilespmem:v63+s14+$0x0], $0xffff  }
0x24c: {  	_ =	sdelay $0x2  }
0x24d: {  	v12 =	vmov s5;
	v14 =	vor.u32 $0xD, v6;
	[tilespmem:s12+$0x2280] =	vst v7  }
0x24e: {  	[tilespmem:s26+$0x1200] =	vst v22;
	v16 =	vor.u32 $0x16, v2;
	v12 =	vshll.u32 v12, $0x5;
	v15 =	vld.idx.msk [tilespmem:v9+s14+$0x0], $0xffff  }
0x24f: {  	[tilespmem:s24+$0x180] =	vst v27;
	v13 =	vor.u32 v0, v12;
	v12 =	vld.idx.msk [tilespmem:v25+s14+$0x0], $0xffff  }
0x250: {  	v17 =	vor.u32 $0x17, v1;
	v4 =	vld.idx.msk [tilespmem:v4+s14+$0x0], $0xffff;
	[tilespmem:s30+$0x180] =	vst v26  }
0x251: {  	v18 =	vor.u32 $0xE, v5;
	v3 =	vld.idx.msk [tilespmem:v3+s14+$0x0], $0xffff;
	[tilespmem:s28+$0x1200] =	vst v24  }
0x252: {  	v19 =	vor.u32 $0x5, v10;
	[tilespmem:s0+$0x2280] =	vst v8;
	v14 =	vld.idx.msk [tilespmem:v14+s14+$0x0], $0xffff  }
0x253: {  	v20 =	vor.u32 $0x5, v11;
	v16 =	vld.idx.msk [tilespmem:v16+s14+$0x0], $0xffff  }
0x254: {  	v22 =	vor.u32 $0xE, v6;
	[tilespmem:s12+$0x2300] =	vst v15;
	v21 =	vld.idx.msk [tilespmem:v13+s14+$0x0], $0xffff  }
0x255: {  	v15 =	vor.u32 $0x17, v2;
	[tilespmem:s26+$0x1280] =	vst v12;
	v12 =	vld.idx.msk [tilespmem:v17+s14+$0x0], $0xffff  }
0x256: {  	[tilespmem:s24+$0x200] =	vst v4;
	v17 =	vor.u32 $0x18, v1;
	v4 =	vld.idx.msk [tilespmem:v18+s14+$0x0], $0xffff  }
0x257: {  	v18 =	vld.idx.msk [tilespmem:v19+s14+$0x0], $0xffff;
	[tilespmem:s30+$0x200] =	vst v3;
	v3 =	vor.u32 $0xF, v5  }
0x258: {  	v19 =	vld.idx.msk [tilespmem:v20+s14+$0x0], $0xffff;
	[tilespmem:s28+$0x1280] =	vst v14;
	v14 =	vor.u32 $0x6, v10  }
0x259: {  	[tilespmem:s0+$0x2300] =	vst v16;
	v16 =	vor.u32 $0x6, v11;
	v20 =	vld.idx.msk [tilespmem:v22+s14+$0x0], $0xffff  }
0x25a: {  	v15 =	vld.idx.msk [tilespmem:v15+s14+$0x0], $0xffff;
	v22 =	vor.u32 $0xF, v6;
	[tilespmem:s12+$0x2380] =	vst v12  }
0x25b: {  	v12 =	vor.u32 $0x18, v2;
	[tilespmem:s26+$0x1300] =	vst v4;
	v4 =	vld.idx.msk [tilespmem:v17+s14+$0x0], $0xffff  }
0x25c: {  	[tilespmem:s24+$0x280] =	vst v18;
	v17 =	vor.u32 $0x19, v1;
	v3 =	vld.idx.msk [tilespmem:v3+s14+$0x0], $0xffff  }
0x25d: {  	v18 =	vor.u32 $0x10, v5;
	[tilespmem:s30+$0x280] =	vst v19;
	v14 =	vld.idx.msk [tilespmem:v14+s14+$0x0], $0xffff  }
0x25e: {  	v19 =	vor.u32 $0x7, v10;
	v16 =	vld.idx.msk [tilespmem:v16+s14+$0x0], $0xffff;
	[tilespmem:s28+$0x1300] =	vst v20  }
0x25f: {  	[tilespmem:s0+$0x2380] =	vst v15;
	v15 =	vor.u32 $0x7, v11;
	v20 =	vld.idx.msk [tilespmem:v22+s14+$0x0], $0xffff  }
0x260: {  	v12 =	vld.idx.msk [tilespmem:v12+s14+$0x0], $0xffff;
	v22 =	vor.u32 $0x10, v6;
	[tilespmem:s12+$0x3000] =	vst v4  }
0x261: {  	v4 =	vor.u32 $0x19, v2;
	[tilespmem:s26+$0x1380] =	vst v3;
	v3 =	vld.idx.msk [tilespmem:v17+s14+$0x0], $0xffff  }
0x262: {  	v17 =	vor.u32 $0x1A, v1;
	[tilespmem:s24+$0x300] =	vst v14;
	v14 =	vld.idx.msk [tilespmem:v18+s14+$0x0], $0xffff  }
0x263: {  	[tilespmem:s30+$0x300] =	vst v16;
	v16 =	vor.u32 $0x11, v5;
	v18 =	vld.idx.msk [tilespmem:v19+s14+$0x0], $0xffff  }
0x264: {  	v15 =	vld.idx.msk [tilespmem:v15+s14+$0x0], $0xffff;
	v19 =	vor.u32 $0x8, v10;
	[tilespmem:s28+$0x1380] =	vst v20  }
0x265: {  	[tilespmem:s0+$0x3000] =	vst v12;
	v12 =	vor.u32 $0x8, v11;
	v20 =	vld.idx.msk [tilespmem:v22+s14+$0x0], $0xffff  }
0x266: {  	v4 =	vld.idx.msk [tilespmem:v4+s14+$0x0], $0xffff;
	v22 =	vor.u32 $0x11, v6;
	[tilespmem:s12+$0x3080] =	vst v3  }
0x267: {  	[tilespmem:s26+$0x2000] =	vst v14;
	v3 =	vld.idx.msk [tilespmem:v17+s14+$0x0], $0xffff;
	v14 =	vor.u32 $0x1A, v2  }
0x268: {  	s2 =	simm.s32 $0x60;
	[tilespmem:s24+$0x380] =	vst v18;
	v17 =	vld.idx.msk [tilespmem:v16+s14+$0x0], $0xffff;
	v18 =	vor.u32 $0x1B, v1  }
0x269: {  	v23 =	vor.u32 $0x12, v5;
	[tilespmem:s30+$0x380] =	vst v15;
	v15 =	vmov s2;
	v19 =	vld.idx.msk [tilespmem:v19+s14+$0x0], $0xffff  }
0x26a: {  	v12 =	vld.idx.msk [tilespmem:v12+s14+$0x0], $0xffff;
	v15 =	vshll.u32 v15, $0x5;
	[tilespmem:s28+$0x2000] =	vst v20;
	v20 =	vor.u32 $0x9, v10  }
0x26b: {  	s1 =	simm.s32 $0x300;
	[tilespmem:s0+$0x3080] =	vst v4;
	v16 =	vor.u32 v0, v15;
	v22 =	vld.idx.msk [tilespmem:v22+s14+$0x0], $0xffff  }
0x26c: {  	s10 =	sand.u32 $0xC00, s1;
	v4 =	vld.idx.msk [tilespmem:v14+s14+$0x0], $0xffff;
	v14 =	vor.u32 $0x9, v11;
	[tilespmem:s12+$0x3100] =	vst v3  }
0x26d: {  	s25 =	sand.u32 $0x70, s5;
	s10 =	sadd.s32 $0xB400, s10;
	v3 =	vor.u32 $0x12, v6;
	[tilespmem:s26+$0x2080] =	vst v17;
	v15 =	vld.idx.msk [tilespmem:v18+s14+$0x0], $0xffff  }
0x26e: {  	s29 =	sor.u32 s25, s10;
	v18 =	vor.u32 $0x1B, v2;
	[tilespmem:s24+$0x1000] =	vst v19;
	v17 =	vld.idx.msk [tilespmem:v23+s14+$0x0], $0xffff  }
0x26f: {  	[tilespmem:s29+$0x0] =	vst v21;
	v19 =	vld.idx.msk [tilespmem:v20+s14+$0x0], $0xffff;
	v20 =	vor.u32 $0x1C, v1  }
0x270: {  	[tilespmem:s30+$0x1000] =	vst v12;
	v23 =	vor.u32 $0x13, v5;
	v12 =	vld.idx.msk [tilespmem:v16+s14+$0x0], $0xffff  }
0x271: {  	[tilespmem:s28+$0x2080] =	vst v22;
	v22 =	vor.u32 $0xA, v10;
	v24 =	vld.idx.msk [tilespmem:v14+s14+$0x0], $0xffff  }
0x272: {  	v25 =	vor.u32 $0x1, v13;
	[tilespmem:s0+$0x3100] =	vst v4;
	v3 =	vld.idx.msk [tilespmem:v3+s14+$0x0], $0xffff  }
0x273: {  	v4 =	vor.u32 $0x1, v16;
	[tilespmem:s12+$0x3180] =	vst v15;
	v14 =	vld.idx.msk [tilespmem:v18+s14+$0x0], $0xffff  }
0x274: {  	s2 =	sand.u32 $0x60, s2;
	v15 =	vor.u32 $0xA, v11;
	[tilespmem:s26+$0x2100] =	vst v17;
	v17 =	vld.idx.msk [tilespmem:v20+s14+$0x0], $0xffff  }
0x275: {  	s21 =	sor.u32 s2, s10;
	[tilespmem:s24+$0x1080] =	vst v19;
	v18 =	vld.idx.msk [tilespmem:v23+s14+$0x0], $0xffff;
	v19 =	vor.u32 $0x13, v6  }
0x276: {  	[tilespmem:s21+$0x0] =	vst v12;
	v20 =	vor.u32 $0x1D, v1;
	v12 =	vld.idx.msk [tilespmem:v22+s14+$0x0], $0xffff  }
0x277: {  	v21 =	vor.u32 $0x14, v5;
	v22 =	vld.idx.msk [tilespmem:v25+s14+$0x0], $0xffff;
	[tilespmem:s30+$0x1080] =	vst v24  }
0x278: {  	v23 =	vor.u32 $0xB, v10;
	v4 =	vld.idx.msk [tilespmem:v4+s14+$0x0], $0xffff;
	[tilespmem:s28+$0x2100] =	vst v3  }
0x279: {  	v3 =	vor.u32 $0x2, v13;
	v15 =	vld.idx.msk [tilespmem:v15+s14+$0x0], $0xffff;
	[tilespmem:s12+$0x3200] =	vst v17  }
0x27a: {  	v24 =	vor.u32 $0x2, v16;
	v19 =	vld.idx.msk [tilespmem:v19+s14+$0x0], $0xffff;
	[tilespmem:s26+$0x2180] =	vst v18  }
0x27b: {  	v17 =	vor.u32 $0xB, v11;
	v18 =	vld.idx.msk [tilespmem:v20+s14+$0x0], $0xffff;
	[tilespmem:s24+$0x1100] =	vst v12  }
0x27c: {  	v12 =	vld.idx.msk [tilespmem:v21+s14+$0x0], $0xffff;
	v20 =	vor.u32 $0x14, v6;
	[tilespmem:s29+$0x80] =	vst v22  }
0x27d: {  	v21 =	vor.u32 $0x1E, v1;
	[tilespmem:s21+$0x80] =	vst v4;
	v4 =	vld.idx.msk [tilespmem:v23+s14+$0x0], $0xffff  }
0x27e: {  	v22 =	vor.u32 $0x15, v5;
	v3 =	vld.idx.msk [tilespmem:v3+s14+$0x0], $0xffff;
	[tilespmem:s30+$0x1100] =	vst v15  }
0x27f: {  	v23 =	vld.idx.msk [tilespmem:v24+s14+$0x0], $0xffff;
	[tilespmem:s28+$0x2180] =	vst v19;
	v19 =	vor.u32 $0x3, v13  }
0x280: {  	v24 =	vor.u32 $0xC, v10;
	v17 =	vld.idx.msk [tilespmem:v17+s14+$0x0], $0xffff;
	[tilespmem:s12+$0x3280] =	vst v18  }
0x281: {  	v15 =	vor.u32 $0x3, v16;
	v25 =	vld.idx.msk [tilespmem:v20+s14+$0x0], $0xffff;
	[tilespmem:s26+$0x2200] =	vst v12  }
0x282: {  	v28 =	vor.u32 $0xC, v11;
	v12 =	vld.idx.msk [tilespmem:v21+s14+$0x0], $0xffff;
	[tilespmem:s24+$0x1180] =	vst v4  }
0x283: {  	p3 =	por $0x1, $0x1;
	v18 =	vld.idx.msk [tilespmem:v22+s14+$0x0], $0xffff;
	v21 =	vor.u32 $0x15, v6;
	[tilespmem:s29+$0x100] =	vst v3  }
.Ltmp10:
0x284: {  	[tilespmem:s21+$0x100] =	vst v23;
	v26 =	vld.idx.msk [tilespmem:v19+s14+$0x0], $0xffff;
	v19 =	vor.u32 $0x1F, v1;
	(pc) =	sbr.rel @!p3 .LBB2_19-.Ltmp10, $4  }
0x285: {  	v20 =	vor.u32 $0x16, v5;
	v22 =	vld.idx.msk [tilespmem:v24+s14+$0x0], $0xffff;
	[tilespmem:s30+$0x1180] =	vst v17  }
0x286: {  	v27 =	vld.idx.msk [tilespmem:v15+s14+$0x0], $0xffff;
	[tilespmem:s28+$0x2200] =	vst v25;
	v25 =	vor.u32 $0xD, v10  }
0x287: {  	p0 =	por $0x1, $0x1;
	v4 =	vor.u32 $0x4, v16;
	v24 =	vld.idx.msk [tilespmem:v28+s14+$0x0], $0xffff  }
0x288: {  	s31 =	smov.u32 s12;
	s25 =	smov.u32 s0;
	s10 =	simm.s32 $0x90;
	v3 =	vor.u32 $0x4, v13;
	v23 =	vld.idx.msk [tilespmem:v21+s14+$0x0], $0xffff;
	[tilespmem:s12+$0x3300] =	vst v12;
	v12 =	vmov v2  }
.LBB2_20:
0x289: {  	v15 =	vmov s10;
	v17 =	vor.u32 $0xD, v11;
	[tilespmem:s26+$0x2280] =	vst v18;
	v18 =	vld.idx.msk [tilespmem:v19+s14+$0x0], $0xffff  }
0x28a: {  	v15 =	vshll.u32 v15, $0x5;
	[tilespmem:s24+$0x1200] =	vst v22;
	v19 =	vld.idx.msk [tilespmem:v20+s14+$0x0], $0xffff;
	v20 =	vor.u32 $0x16, v6  }
0x28b: {  	v15 =	vor.u32 v0, v15;
	[tilespmem:s21+$0x180] =	vst v27;
	v21 =	vld.idx.msk [tilespmem:v25+s14+$0x0], $0xffff  }
0x28c: {  	v22 =	vor.u32 $0x17, v5;
	v4 =	vld.idx.msk [tilespmem:v4+s14+$0x0], $0xffff;
	[tilespmem:s29+$0x180] =	vst v26  }
0x28d: {  	v26 =	vor.u32 $0xE, v10;
	v25 =	vld.idx.msk [tilespmem:v3+s14+$0x0], $0xffff;
	[tilespmem:s30+$0x1200] =	vst v24  }
0x28e: {  	v24 =	vor.u32 $0x5, v16;
	v17 =	vld.idx.msk [tilespmem:v17+s14+$0x0], $0xffff;
	[tilespmem:s28+$0x2280] =	vst v23  }
0x28f: {  	v23 =	vor.u32 $0x5, v13;
	v20 =	vld.idx.msk [tilespmem:v20+s14+$0x0], $0xffff;
	[tilespmem:s31+$0x3380] =	vst v18;
	s31 =	smov.u32 s26;
	s26 =	smov.u32 s24;
	s24 =	smov.u32 s21  }
0x290: {  	v18 =	vor.u32 $0xE, v11;
	v3 =	vld.idx.msk [tilespmem:v15+s14+$0x0], $0xffff;
	[tilespmem:s31+$0x2300] =	vst v19  }
0x291: {  	[tilespmem:s26+$0x1280] =	vst v21;
	v19 =	vld.idx.msk [tilespmem:v22+s14+$0x0], $0xffff;
	v21 =	vor.u32 $0x17, v6  }
0x292: {  	v22 =	vor.u32 $0x1C, v12;
	[tilespmem:s24+$0x200] =	vst v4;
	v4 =	vld.idx.msk [tilespmem:v26+s14+$0x0], $0xffff  }
0x293: {  	v24 =	vld.idx.msk [tilespmem:v24+s14+$0x0], $0xffff;
	[tilespmem:s29+$0x200] =	vst v25;
	v25 =	vor.u32 $0x18, v5  }
0x294: {  	v26 =	vor.u32 $0xF, v10;
	v23 =	vld.idx.msk [tilespmem:v23+s14+$0x0], $0xffff;
	[tilespmem:s30+$0x1280] =	vst v17  }
0x295: {  	v17 =	vor.u32 $0x6, v16;
	v18 =	vld.idx.msk [tilespmem:v18+s14+$0x0], $0xffff;
	[tilespmem:s28+$0x2300] =	vst v20  }
0x296: {  	v20 =	vor.u32 $0x6, v13;
	v21 =	vld.idx.msk [tilespmem:v21+s14+$0x0], $0xffff;
	[tilespmem:s25+$0x3180] =	vst v14  }
0x297: {  	v14 =	vor.u32 $0xF, v11;
	[tilespmem:s31+$0x2380] =	vst v19;
	v19 =	vld.idx.msk [tilespmem:v22+s14+$0x0], $0xffff  }
0x298: {  	v22 =	vor.u32 $0x18, v6;
	[tilespmem:s26+$0x1300] =	vst v4;
	v4 =	vld.idx.msk [tilespmem:v25+s14+$0x0], $0xffff  }
0x299: {  	v25 =	vor.u32 $0x1D, v12;
	[tilespmem:s24+$0x280] =	vst v24;
	v24 =	vld.idx.msk [tilespmem:v26+s14+$0x0], $0xffff  }
0x29a: {  	v17 =	vld.idx.msk [tilespmem:v17+s14+$0x0], $0xffff;
	[tilespmem:s29+$0x280] =	vst v23;
	v23 =	vor.u32 $0x19, v5  }
0x29b: {  	v26 =	vor.u32 $0x10, v10;
	v20 =	vld.idx.msk [tilespmem:v20+s14+$0x0], $0xffff;
	[tilespmem:s30+$0x1300] =	vst v18  }
0x29c: {  	v18 =	vor.u32 $0x7, v16;
	v14 =	vld.idx.msk [tilespmem:v14+s14+$0x0], $0xffff;
	[tilespmem:s28+$0x2380] =	vst v21  }
0x29d: {  	v21 =	vor.u32 $0x7, v13;
	v22 =	vld.idx.msk [tilespmem:v22+s14+$0x0], $0xffff;
	[tilespmem:s25+$0x3200] =	vst v19  }
0x29e: {  	v19 =	vor.u32 $0x10, v11;
	[tilespmem:s31+$0x3000] =	vst v4;
	v4 =	vld.idx.msk [tilespmem:v25+s14+$0x0], $0xffff  }
0x29f: {  	[tilespmem:s26+$0x1380] =	vst v24;
	v23 =	vld.idx.msk [tilespmem:v23+s14+$0x0], $0xffff;
	v24 =	vor.u32 $0x19, v6  }
0x2a0: {  	v25 =	vor.u32 $0x1E, v12;
	[tilespmem:s24+$0x300] =	vst v17;
	v17 =	vld.idx.msk [tilespmem:v26+s14+$0x0], $0xffff  }
0x2a1: {  	v18 =	vld.idx.msk [tilespmem:v18+s14+$0x0], $0xffff;
	[tilespmem:s29+$0x300] =	vst v20;
	v20 =	vor.u32 $0x1A, v5  }
0x2a2: {  	v26 =	vor.u32 $0x11, v10;
	v21 =	vld.idx.msk [tilespmem:v21+s14+$0x0], $0xffff;
	[tilespmem:s30+$0x1380] =	vst v14  }
0x2a3: {  	v14 =	vor.u32 $0x8, v16;
	v19 =	vld.idx.msk [tilespmem:v19+s14+$0x0], $0xffff;
	[tilespmem:s28+$0x3000] =	vst v22  }
0x2a4: {  	v22 =	vor.u32 $0x8, v13;
	v24 =	vld.idx.msk [tilespmem:v24+s14+$0x0], $0xffff;
	[tilespmem:s25+$0x3280] =	vst v4  }
0x2a5: {  	v4 =	vor.u32 $0x11, v11;
	[tilespmem:s31+$0x3080] =	vst v23;
	v23 =	vld.idx.msk [tilespmem:v25+s14+$0x0], $0xffff  }
0x2a6: {  	[tilespmem:s26+$0x2000] =	vst v17;
	v17 =	vld.idx.msk [tilespmem:v20+s14+$0x0], $0xffff;
	v20 =	vor.u32 $0x1A, v6  }
0x2a7: {  	v25 =	vor.u32 $0x1F, v12;
	v12 =	vmovc v6;
	v6 =	vmovc v11;
	v11 =	vmov v13;
	v13 =	vmov v15;
	[tilespmem:s24+$0x380] =	vst v18;
	v18 =	vld.idx.msk [tilespmem:v26+s14+$0x0], $0xffff  }
0x2a8: {  	s2 =	sadd.s32 $0xFFFFFFF0, s10;
	v15 =	vor.u32 $0x1B, v5;
	v14 =	vld.idx.msk [tilespmem:v14+s14+$0x0], $0xffff;
	[tilespmem:s29+$0x380] =	vst v21  }
0x2a9: {  	p3 =	slt.u32 s2, $0x1E0;
	v26 =	vor.u32 $0x12, v10;
	v21 =	vmov s2;
	v22 =	vld.idx.msk [tilespmem:v22+s14+$0x0], $0xffff;
	[tilespmem:s30+$0x2000] =	vst v19  }
0x2aa: {  	v19 =	vshll.u32 v21, $0x5;
	v21 =	vor.u32 $0x9, v16;
	v4 =	vld.idx.msk [tilespmem:v4+s14+$0x0], $0xffff;
	[tilespmem:s28+$0x3080] =	vst v24  }
0x2ab: {  	v24 =	vor.u32 v0, v19;
	v19 =	vld.idx.msk [tilespmem:v20+s14+$0x0], $0xffff;
	[tilespmem:s25+$0x3300] =	vst v23  }
0x2ac: {  	v20 =	vor.u32 $0x9, v11;
	[tilespmem:s31+$0x3100] =	vst v17;
	v17 =	vld.idx.msk [tilespmem:v25+s14+$0x0], $0xffff  }
0x2ad: {  	[tilespmem:s26+$0x2080] =	vst v18;
	v18 =	vor.u32 $0x12, v6;
	v15 =	vld.idx.msk [tilespmem:v15+s14+$0x0], $0xffff  }
0x2ae: {  	[tilespmem:s24+$0x1000] =	vst v14;
	v23 =	vld.idx.msk [tilespmem:v26+s14+$0x0], $0xffff;
	v14 =	vor.u32 $0x1B, v12  }
0x2af: {  	v21 =	vld.idx.msk [tilespmem:v21+s14+$0x0], $0xffff;
	[tilespmem:s29+$0x1000] =	vst v22;
	v22 =	vor.u32 $0x1C, v5  }
0x2b0: {  	v26 =	vor.u32 $0x13, v10;
	v25 =	vld.idx.msk [tilespmem:v24+s14+$0x0], $0xffff;
	[tilespmem:s30+$0x2080] =	vst v4  }
0x2b1: {  	v4 =	vor.u32 $0xA, v16;
	v20 =	vld.idx.msk [tilespmem:v20+s14+$0x0], $0xffff;
	[tilespmem:s28+$0x3100] =	vst v19  }
0x2b2: {  	s1 =	sadd.s32 $0x100, s1;
	v19 =	vor.u32 $0x1, v24;
	v18 =	vld.idx.msk [tilespmem:v18+s14+$0x0], $0xffff;
	[tilespmem:s25+$0x3380] =	vst v17;
	s25 =	smov.u32 s28;
	s28 =	smov.u32 s30  }
0x2b3: {  	s5 =	sand.u32 $0xC00, s1;
	v17 =	vor.u32 $0x1, v13;
	s30 =	smov.u32 s29;
	[tilespmem:s31+$0x3180] =	vst v15;
	v14 =	vld.idx.msk [tilespmem:v14+s14+$0x0], $0xffff  }
0x2b4: {  	s5 =	sadd.s32 $0xB400, s5;
	s2 =	sand.u32 $0x60, s2;
	s29 =	sand.u32 $0x70, s10;
	v15 =	vor.u32 $0xA, v11;
	[tilespmem:s26+$0x2100] =	vst v23;
	v22 =	vld.idx.msk [tilespmem:v22+s14+$0x0], $0xffff  }
0x2b5: {  	s21 =	sor.u32 s2, s5;
	s29 =	sor.u32 s29, s5;
	v23 =	vor.u32 $0x13, v6;
	[tilespmem:s24+$0x1080] =	vst v21;
	v21 =	vld.idx.msk [tilespmem:v26+s14+$0x0], $0xffff  }
0x2b6: {  	[tilespmem:s21+$0x0] =	vst v25;
	v4 =	vld.idx.msk [tilespmem:v4+s14+$0x0], $0xffff;
	v25 =	vor.u32 $0x1D, v5  }
0x2b7: {  	v19 =	vld.idx.msk [tilespmem:v19+s14+$0x0], $0xffff;
	[tilespmem:s29+$0x0] =	vst v3;
	v3 =	vor.u32 $0x14, v10  }
0x2b8: {  	v26 =	vor.u32 $0xB, v16;
	v17 =	vld.idx.msk [tilespmem:v17+s14+$0x0], $0xffff;
	[tilespmem:s30+$0x1080] =	vst v20  }
0x2b9: {  	v20 =	vor.u32 $0x2, v24;
	v15 =	vld.idx.msk [tilespmem:v15+s14+$0x0], $0xffff;
	[tilespmem:s28+$0x2100] =	vst v18  }
0x2ba: {  	v18 =	vor.u32 $0x2, v13;
	v23 =	vld.idx.msk [tilespmem:v23+s14+$0x0], $0xffff;
	[tilespmem:s31+$0x3200] =	vst v22  }
0x2bb: {  	v22 =	vor.u32 $0xB, v11;
	[tilespmem:s26+$0x2180] =	vst v21;
	v21 =	vld.idx.msk [tilespmem:v25+s14+$0x0], $0xffff  }
0x2bc: {  	[tilespmem:s24+$0x1100] =	vst v4;
	v3 =	vld.idx.msk [tilespmem:v3+s14+$0x0], $0xffff;
	v4 =	vor.u32 $0x14, v6  }
0x2bd: {  	v25 =	vor.u32 $0x1E, v5;
	[tilespmem:s21+$0x80] =	vst v19;
	v19 =	vld.idx.msk [tilespmem:v26+s14+$0x0], $0xffff  }
0x2be: {  	v20 =	vld.idx.msk [tilespmem:v20+s14+$0x0], $0xffff;
	[tilespmem:s29+$0x80] =	vst v17;
	v17 =	vor.u32 $0x15, v10  }
0x2bf: {  	v27 =	vor.u32 $0xC, v16;
	v26 =	vld.idx.msk [tilespmem:v18+s14+$0x0], $0xffff;
	[tilespmem:s30+$0x1100] =	vst v15  }
0x2c0: {  	v15 =	vor.u32 $0x3, v24;
	v28 =	vld.idx.msk [tilespmem:v22+s14+$0x0], $0xffff;
	[tilespmem:s28+$0x2180] =	vst v23  }
0x2c1: {  	v23 =	vor.u32 $0x3, v13;
	v29 =	vld.idx.msk [tilespmem:v4+s14+$0x0], $0xffff;
	[tilespmem:s31+$0x3280] =	vst v21  }
0x2c2: {  	v21 =	vor.u32 $0xC, v11;
	[tilespmem:s26+$0x2200] =	vst v3;
	v30 =	vld.idx.msk [tilespmem:v25+s14+$0x0], $0xffff  }
0x2c3: {  	[tilespmem:s24+$0x1180] =	vst v19;
	v18 =	vld.idx.msk [tilespmem:v17+s14+$0x0], $0xffff;
	v17 =	vor.u32 $0x15, v6  }
.Ltmp11:
0x2c4: {  	v19 =	vor.u32 $0x1F, v5;
	v5 =	vmovc v10;
	v10 =	vmov v16;
	v16 =	vmov v24;
	[tilespmem:s21+$0x100] =	vst v20;
	v22 =	vld.idx.msk [tilespmem:v27+s14+$0x0], $0xffff;
	(pc) =	sbr.rel @p3 .LBB2_20-.Ltmp11, $4  }
0x2c5: {  	v20 =	vor.u32 $0x16, v5;
	v27 =	vld.idx.msk [tilespmem:v15+s14+$0x0], $0xffff;
	[tilespmem:s29+$0x100] =	vst v26  }
0x2c6: {  	v25 =	vor.u32 $0xD, v10;
	v26 =	vld.idx.msk [tilespmem:v23+s14+$0x0], $0xffff;
	[tilespmem:s30+$0x1180] =	vst v28  }
0x2c7: {  	v4 =	vor.u32 $0x4, v16;
	v24 =	vld.idx.msk [tilespmem:v21+s14+$0x0], $0xffff;
	[tilespmem:s28+$0x2200] =	vst v29  }
0x2c8: {  	s10 =	sadd.s32 $0x20, s10;
	v3 =	vor.u32 $0x4, v13;
	v23 =	vld.idx.msk [tilespmem:v17+s14+$0x0], $0xffff;
	[tilespmem:s31+$0x3300] =	vst v30  }
0x2c9: {  	v17 =	vmov v6  }
0x2ca: {  	s1 =	smov.u32 s26;
	v15 =	vmovc v5;
	v28 =	vmovc v11;
	s5 =	smov.u32 s24;
	s26 =	smov.u32 s21;
	v21 =	vmov v10;
	v5 =	vmov v16;
	v6 =	vmov v13  }
.LBB2_22:
0x2cb: {  	_ =	sdelay $0x2  }
0x2cc: {  	[tilespmem:s26+$0x180] =	vst v27  }
0x2cd: {  	[tilespmem:s29+$0x180] =	vst v26;
	v4 =	vld.idx.msk [tilespmem:v4+s14+$0x0], $0xffff  }
0x2ce: {  	v10 =	vor.u32 $0x5, v5;
	v3 =	vld.idx.msk [tilespmem:v3+s14+$0x0], $0xffff  }
0x2cf: {  	v11 =	vor.u32 $0x5, v6;
	_ =	sdelay $0x2  }
0x2d0: {  	[tilespmem:s26+$0x200] =	vst v4  }
0x2d1: {  	[tilespmem:s29+$0x200] =	vst v3;
	v4 =	vld.idx.msk [tilespmem:v10+s14+$0x0], $0xffff  }
0x2d2: {  	v46 =	vor.u32 $0x6, v5;
	v3 =	vld.idx.msk [tilespmem:v11+s14+$0x0], $0xffff  }
0x2d3: {  	v47 =	vor.u32 $0x6, v6;
	_ =	sdelay $0x2  }
0x2d4: {  	[tilespmem:s26+$0x280] =	vst v4  }
0x2d5: {  	[tilespmem:s29+$0x280] =	vst v3;
	v4 =	vld.idx.msk [tilespmem:v46+s14+$0x0], $0xffff  }
0x2d6: {  	v48 =	vor.u32 $0x7, v5;
	v3 =	vld.idx.msk [tilespmem:v47+s14+$0x0], $0xffff  }
0x2d7: {  	v49 =	vor.u32 $0x7, v6;
	_ =	sdelay $0x2  }
0x2d8: {  	[tilespmem:s26+$0x300] =	vst v4  }
0x2d9: {  	[tilespmem:s29+$0x300] =	vst v3;
	v4 =	vld.idx.msk [tilespmem:v48+s14+$0x0], $0xffff  }
0x2da: {  	v50 =	vor.u32 $0x8, v5;
	v3 =	vld.idx.msk [tilespmem:v49+s14+$0x0], $0xffff  }
0x2db: {  	v51 =	vor.u32 $0x8, v6;
	_ =	sdelay $0x2  }
0x2dc: {  	[tilespmem:s26+$0x380] =	vst v4  }
0x2dd: {  	[tilespmem:s29+$0x380] =	vst v3;
	v4 =	vld.idx.msk [tilespmem:v50+s14+$0x0], $0xffff  }
0x2de: {  	v52 =	vor.u32 $0x9, v5;
	v3 =	vld.idx.msk [tilespmem:v51+s14+$0x0], $0xffff  }
0x2df: {  	v53 =	vor.u32 $0x9, v6;
	_ =	sdelay $0x2  }
0x2e0: {  	[tilespmem:s26+$0x1000] =	vst v4  }
0x2e1: {  	[tilespmem:s29+$0x1000] =	vst v3;
	v4 =	vld.idx.msk [tilespmem:v52+s14+$0x0], $0xffff  }
0x2e2: {  	v3 =	vor.u32 $0xA, v5;
	v54 =	vld.idx.msk [tilespmem:v53+s14+$0x0], $0xffff  }
0x2e3: {  	v55 =	vor.u32 $0xA, v6;
	_ =	sdelay $0x2  }
0x2e4: {  	[tilespmem:s26+$0x1080] =	vst v4  }
0x2e5: {  	[tilespmem:s29+$0x1080] =	vst v54;
	v3 =	vld.idx.msk [tilespmem:v3+s14+$0x0], $0xffff  }
0x2e6: {  	v56 =	vor.u32 $0xB, v5;
	v10 =	vld.idx.msk [tilespmem:v55+s14+$0x0], $0xffff  }
0x2e7: {  	v57 =	vor.u32 $0xB, v6;
	_ =	sdelay $0x2  }
0x2e8: {  	[tilespmem:s26+$0x1100] =	vst v3  }
0x2e9: {  	[tilespmem:s29+$0x1100] =	vst v10;
	v3 =	vld.idx.msk [tilespmem:v56+s14+$0x0], $0xffff  }
0x2ea: {  	v58 =	vor.u32 $0xC, v5;
	v10 =	vld.idx.msk [tilespmem:v57+s14+$0x0], $0xffff  }
0x2eb: {  	v59 =	vor.u32 $0xC, v6;
	_ =	sdelay $0x1  }
0x2ec: {  	v13 =	vor.u32 @p1 $0xD, v28  }
0x2ed: {  	[tilespmem:s26+$0x1180] =	vst v3  }
0x2ee: {  	[tilespmem:s29+$0x1180] =	vst v10;
	v3 =	vld.idx.msk [tilespmem:v58+s14+$0x0], $0xffff  }
0x2ef: {  	[tilespmem:s5+$0x1200] =	vst @p1 v22;
	v60 =	vor.u32 $0xD, v5;
	v10 =	vld.idx.msk [tilespmem:v59+s14+$0x0], $0xffff  }
0x2f0: {  	v16 =	vor.u32 $0xD, v6;
	[tilespmem:s30+$0x1200] =	vst @p1 v24;
	v11 =	vld.idx.msk @p1 [tilespmem:v25+s14+$0x0], $0xffff  }
0x2f1: {  	v22 =	vor.u32 @p1 $0xE, v21;
	v13 =	vld.idx.msk @p1 [tilespmem:v13+s14+$0x0], $0xffff  }
0x2f2: {  	v24 =	vor.u32 @p1 $0xE, v28  }
0x2f3: {  	[tilespmem:s26+$0x1200] =	vst v3  }
0x2f4: {  	[tilespmem:s29+$0x1200] =	vst v10;
	v3 =	vld.idx.msk [tilespmem:v60+s14+$0x0], $0xffff  }
0x2f5: {  	v61 =	vor.u32 $0xE, v5;
	[tilespmem:s5+$0x1280] =	vst @p1 v11;
	v10 =	vld.idx.msk [tilespmem:v16+s14+$0x0], $0xffff  }
0x2f6: {  	v62 =	vor.u32 $0xE, v6;
	[tilespmem:s30+$0x1280] =	vst @p1 v13;
	v11 =	vld.idx.msk @p1 [tilespmem:v22+s14+$0x0], $0xffff  }
0x2f7: {  	v22 =	vld.idx.msk @p1 [tilespmem:v24+s14+$0x0], $0xffff;
	v16 =	vor.u32 @p1 $0xF, v21  }
0x2f8: {  	v24 =	vor.u32 @p1 $0xF, v28  }
0x2f9: {  	[tilespmem:s26+$0x1280] =	vst v3  }
0x2fa: {  	[tilespmem:s29+$0x1280] =	vst v10;
	v3 =	vld.idx.msk [tilespmem:v61+s14+$0x0], $0xffff  }
0x2fb: {  	v63 =	vor.u32 $0xF, v5;
	[tilespmem:s5+$0x1300] =	vst @p1 v11;
	v10 =	vld.idx.msk [tilespmem:v62+s14+$0x0], $0xffff  }
0x2fc: {  	v29 =	vor.u32 $0xF, v6;
	[tilespmem:s30+$0x1300] =	vst @p1 v22;
	v11 =	vld.idx.msk @p1 [tilespmem:v16+s14+$0x0], $0xffff  }
0x2fd: {  	v22 =	vld.idx.msk @p1 [tilespmem:v24+s14+$0x0], $0xffff;
	v16 =	vor.u32 @p1 $0x10, v21  }
0x2fe: {  	v24 =	vor.u32 @p1 $0x10, v28  }
0x2ff: {  	[tilespmem:s26+$0x1300] =	vst v3  }
0x300: {  	[tilespmem:s29+$0x1300] =	vst v10;
	v3 =	vld.idx.msk [tilespmem:v63+s14+$0x0], $0xffff  }
0x301: {  	v30 =	vor.u32 $0x10, v5;
	[tilespmem:s5+$0x1380] =	vst @p1 v11;
	v10 =	vld.idx.msk [tilespmem:v29+s14+$0x0], $0xffff  }
0x302: {  	v31 =	vor.u32 $0x10, v6;
	[tilespmem:s30+$0x1380] =	vst @p1 v22;
	v11 =	vld.idx.msk @p1 [tilespmem:v16+s14+$0x0], $0xffff  }
0x303: {  	v22 =	vld.idx.msk @p1 [tilespmem:v24+s14+$0x0], $0xffff;
	v16 =	vor.u32 @p1 $0x11, v21  }
0x304: {  	v24 =	vor.u32 @p1 $0x11, v28  }
0x305: {  	[tilespmem:s26+$0x1380] =	vst v3  }
0x306: {  	[tilespmem:s29+$0x1380] =	vst v10;
	v3 =	vld.idx.msk [tilespmem:v30+s14+$0x0], $0xffff  }
0x307: {  	v32 =	vor.u32 $0x11, v5;
	[tilespmem:s5+$0x2000] =	vst @p1 v11;
	v10 =	vld.idx.msk [tilespmem:v31+s14+$0x0], $0xffff  }
0x308: {  	v33 =	vor.u32 $0x11, v6;
	[tilespmem:s30+$0x2000] =	vst @p1 v22;
	v11 =	vld.idx.msk @p1 [tilespmem:v16+s14+$0x0], $0xffff  }
0x309: {  	v22 =	vor.u32 @p1 $0x12, v21;
	v24 =	vld.idx.msk @p1 [tilespmem:v24+s14+$0x0], $0xffff;
	v16 =	vmov @p1 v28  }
0x30a: {  	v25 =	vor.u32 @p1 $0x12, v16  }
0x30b: {  	[tilespmem:s26+$0x2000] =	vst v3  }
0x30c: {  	[tilespmem:s29+$0x2000] =	vst v10;
	v3 =	vld.idx.msk [tilespmem:v32+s14+$0x0], $0xffff  }
0x30d: {  	v34 =	vor.u32 $0x12, v5;
	[tilespmem:s5+$0x2080] =	vst @p1 v11;
	v10 =	vld.idx.msk [tilespmem:v33+s14+$0x0], $0xffff  }
0x30e: {  	v35 =	vor.u32 $0x12, v6;
	[tilespmem:s30+$0x2080] =	vst @p1 v24;
	v11 =	vld.idx.msk @p1 [tilespmem:v22+s14+$0x0], $0xffff  }
0x30f: {  	v22 =	vor.u32 @p1 $0x13, v21;
	v24 =	vld.idx.msk @p1 [tilespmem:v25+s14+$0x0], $0xffff  }
0x310: {  	v25 =	vor.u32 @p1 $0x13, v16  }
0x311: {  	[tilespmem:s26+$0x2080] =	vst v3  }
0x312: {  	[tilespmem:s29+$0x2080] =	vst v10;
	v3 =	vld.idx.msk [tilespmem:v34+s14+$0x0], $0xffff  }
0x313: {  	s10 =	smov.u32 @p1 s30;
	v36 =	vor.u32 $0x13, v5;
	[tilespmem:s5+$0x2100] =	vst @p1 v11;
	v10 =	vld.idx.msk [tilespmem:v35+s14+$0x0], $0xffff  }
0x314: {  	v37 =	vor.u32 $0x13, v6;
	[tilespmem:s10+$0x2100] =	vst @p1 v24;
	v11 =	vld.idx.msk @p1 [tilespmem:v22+s14+$0x0], $0xffff  }
0x315: {  	[tilespmem:s1+$0x2280] =	vst @p2 v18;
	v18 =	vor.u32 @p1 $0x14, v21;
	v22 =	vld.idx.msk @p1 [tilespmem:v25+s14+$0x0], $0xffff  }
0x316: {  	v19 =	vld.idx.msk @p0 [tilespmem:v19+s14+$0x0], $0xffff;
	[tilespmem:s28+$0x2280] =	vst @p2 v23;
	v23 =	vor.u32 @p1 $0x14, v16  }
0x317: {  	v20 =	vld.idx.msk @p2 [tilespmem:v20+s14+$0x0], $0xffff;
	v24 =	vor.u32 @p2 $0x16, v17;
	[tilespmem:s26+$0x2100] =	vst v3  }
0x318: {  	v3 =	vor.u32 @p2 $0x17, v15;
	[tilespmem:s29+$0x2100] =	vst v10;
	v4 =	vld.idx.msk [tilespmem:v36+s14+$0x0], $0xffff  }
0x319: {  	v38 =	vor.u32 $0x14, v5;
	[tilespmem:s5+$0x2180] =	vst @p1 v11;
	v39 =	vld.idx.msk [tilespmem:v37+s14+$0x0], $0xffff  }
0x31a: {  	v40 =	vor.u32 $0x14, v6;
	[tilespmem:s10+$0x2180] =	vst @p1 v22;
	v13 =	vld.idx.msk @p1 [tilespmem:v18+s14+$0x0], $0xffff  }
0x31b: {  	[tilespmem:s31+$0x3380] =	vst @p0 v19;
	v19 =	vor.u32 @p1 $0x15, v21;
	v22 =	vld.idx.msk @p1 [tilespmem:v23+s14+$0x0], $0xffff  }
0x31c: {  	[tilespmem:s1+$0x2300] =	vst @p2 v20;
	v20 =	vor.u32 @p1 $0x15, v16;
	v23 =	vld.idx.msk @p2 [tilespmem:v24+s14+$0x0], $0xffff  }
0x31d: {  	v24 =	vor.u32 @p2 $0x17, v17;
	v3 =	vld.idx.msk @p2 [tilespmem:v3+s14+$0x0], $0xffff;
	[tilespmem:s26+$0x2180] =	vst v4  }
0x31e: {  	v4 =	vor.u32 @p0 $0x1C, v12;
	[tilespmem:s29+$0x2180] =	vst v39;
	v10 =	vld.idx.msk [tilespmem:v38+s14+$0x0], $0xffff  }
0x31f: {  	v41 =	vor.u32 $0x15, v5;
	[tilespmem:s5+$0x2200] =	vst @p1 v13;
	v42 =	vld.idx.msk [tilespmem:v40+s14+$0x0], $0xffff  }
0x320: {  	v43 =	vor.u32 $0x15, v6;
	[tilespmem:s10+$0x2200] =	vst @p1 v22;
	v18 =	vld.idx.msk @p1 [tilespmem:v19+s14+$0x0], $0xffff;
	v19 =	vmov @p1 v21  }
0x321: {  	v22 =	vor.u32 @p2 $0x18, v15;
	[tilespmem:s28+$0x2300] =	vst @p2 v23;
	v20 =	vld.idx.msk @p1 [tilespmem:v20+s14+$0x0], $0xffff;
	v23 =	vor.u32 @p1 $0x16, v19  }
0x322: {  	[tilespmem:s25+$0x3180] =	vst @p0 v14;
	v2 =	vpsel p1, v16, v2;
	v24 =	vld.idx.msk @p2 [tilespmem:v24+s14+$0x0], $0xffff;
	v9 =	vpsel p1, v23, v9  }
0x323: {  	v14 =	vor.u32 @p1 $0x16, v2;
	v4 =	vld.idx.msk @p0 [tilespmem:v4+s14+$0x0], $0xffff;
	[tilespmem:s26+$0x2200] =	vst v10  }
0x324: {  	v10 =	vor.u32 @p2 $0x18, v17;
	[tilespmem:s29+$0x2200] =	vst v42;
	v11 =	vld.idx.msk [tilespmem:v41+s14+$0x0], $0xffff  }
0x325: {  	s12 =	smov.u32 @p1 s5;
	v44 =	vor.u32 $0x16, v5;
	[tilespmem:s1+$0x2380] =	vst @p2 v3;
	v3 =	vpsel p1, v18, v7;
	v13 =	vld.idx.msk [tilespmem:v43+s14+$0x0], $0xffff  }
0x326: {  	s0 =	smov.u32 @p1 s10;
	v16 =	vld.idx.msk @p2 [tilespmem:v22+s14+$0x0], $0xffff;
	v8 =	vpsel p1, v20, v8;
	[tilespmem:s12+$0x2280] =	vst @p1 v3;
	v3 =	vor.u32 $0x16, v6  }
0x327: {  	v1 =	vpsel p1, v19, v1;
	v18 =	vor.u32 @p0 $0x1D, v12;
	[tilespmem:s0+$0x2280] =	vst @p1 v8;
	v9 =	vld.idx.msk @p1 [tilespmem:v9+s14+$0x0], $0xffff  }
0x328: {  	[tilespmem:s28+$0x2380] =	vst @p2 v24;
	v8 =	vor.u32 @p1 $0x17, v1;
	v14 =	vld.idx.msk @p1 [tilespmem:v14+s14+$0x0], $0xffff  }
0x329: {  	v19 =	vor.u32 @p1 $0x17, v2;
	v10 =	vld.idx.msk @p2 [tilespmem:v10+s14+$0x0], $0xffff;
	[tilespmem:s26+$0x2280] =	vst v11  }
0x32a: {  	v11 =	vor.u32 @p2 $0x19, v15;
	[tilespmem:s29+$0x2280] =	vst v13;
	v7 =	vld.idx.msk [tilespmem:v44+s14+$0x0], $0xffff  }
0x32b: {  	v45 =	vor.u32 $0x17, v5;
	s5 =	smov.u32 @p1 s12;
	[tilespmem:s25+$0x3200] =	vst @p0 v4;
	v3 =	vld.idx.msk [tilespmem:v3+s14+$0x0], $0xffff  }
0x32c: {  	v46 =	vor.u32 $0x17, v6;
	v13 =	vld.idx.msk @p0 [tilespmem:v18+s14+$0x0], $0xffff;
	[tilespmem:s5+$0x2300] =	vst @p1 v9  }
0x32d: {  	v18 =	vor.u32 @p2 $0x19, v17;
	[tilespmem:s0+$0x2300] =	vst @p1 v14;
	v8 =	vld.idx.msk @p1 [tilespmem:v8+s14+$0x0], $0xffff  }
0x32e: {  	[tilespmem:s1+$0x3000] =	vst @p2 v16;
	v14 =	vor.u32 @p1 $0x18, v1;
	v16 =	vld.idx.msk @p1 [tilespmem:v19+s14+$0x0], $0xffff  }
0x32f: {  	v19 =	vor.u32 @p1 $0x18, v2;
	v11 =	vld.idx.msk @p2 [tilespmem:v11+s14+$0x0], $0xffff;
	[tilespmem:s26+$0x2300] =	vst v7  }
0x330: {  	v7 =	vor.u32 @p0 $0x1E, v12;
	[tilespmem:s29+$0x2300] =	vst v3;
	v4 =	vld.idx.msk [tilespmem:v45+s14+$0x0], $0xffff  }
0x331: {  	[tilespmem:s28+$0x3000] =	vst @p2 v10;
	v3 =	vor.u32 $0x18, v5;
	v9 =	vld.idx.msk [tilespmem:v46+s14+$0x0], $0xffff  }
0x332: {  	v47 =	vor.u32 $0x18, v6;
	v10 =	vld.idx.msk @p2 [tilespmem:v18+s14+$0x0], $0xffff;
	[tilespmem:s5+$0x2380] =	vst @p1 v8  }
0x333: {  	v18 =	vor.u32 @p2 $0x1A, v15;
	[tilespmem:s0+$0x2380] =	vst @p1 v16;
	v14 =	vld.idx.msk @p1 [tilespmem:v14+s14+$0x0], $0xffff  }
0x334: {  	[tilespmem:s25+$0x3280] =	vst @p0 v13;
	v13 =	vor.u32 @p1 $0x19, v1;
	v16 =	vld.idx.msk @p1 [tilespmem:v19+s14+$0x0], $0xffff  }
0x335: {  	v19 =	vor.u32 @p1 $0x19, v2;
	v7 =	vld.idx.msk @p0 [tilespmem:v7+s14+$0x0], $0xffff;
	[tilespmem:s26+$0x2380] =	vst v4  }
0x336: {  	v4 =	vor.u32 @p2 $0x1A, v17;
	[tilespmem:s29+$0x2380] =	vst v9;
	v3 =	vld.idx.msk [tilespmem:v3+s14+$0x0], $0xffff  }
0x337: {  	v48 =	vor.u32 $0x19, v5;
	[tilespmem:s1+$0x3080] =	vst @p2 v11;
	v8 =	vld.idx.msk [tilespmem:v47+s14+$0x0], $0xffff  }
0x338: {  	v49 =	vor.u32 $0x19, v6;
	v11 =	vld.idx.msk @p2 [tilespmem:v18+s14+$0x0], $0xffff;
	[tilespmem:s5+$0x3000] =	vst @p1 v14  }
0x339: {  	v12 =	vor.u32 @p0 $0x1F, v12;
	[tilespmem:s0+$0x3000] =	vst @p1 v16;
	v13 =	vld.idx.msk @p1 [tilespmem:v13+s14+$0x0], $0xffff  }
0x33a: {  	[tilespmem:s28+$0x3080] =	vst @p2 v10;
	v10 =	vor.u32 @p1 $0x1A, v1;
	v16 =	vld.idx.msk @p1 [tilespmem:v19+s14+$0x0], $0xffff  }
0x33b: {  	v18 =	vor.u32 @p1 $0x1A, v2;
	v4 =	vld.idx.msk @p2 [tilespmem:v4+s14+$0x0], $0xffff;
	[tilespmem:s26+$0x3000] =	vst v3  }
0x33c: {  	v3 =	vor.u32 @p2 $0x1B, v15;
	[tilespmem:s29+$0x3000] =	vst v8;
	v9 =	vld.idx.msk [tilespmem:v48+s14+$0x0], $0xffff  }
0x33d: {  	v50 =	vor.u32 $0x1A, v5;
	[tilespmem:s25+$0x3300] =	vst @p0 v7;
	v8 =	vld.idx.msk [tilespmem:v49+s14+$0x0], $0xffff  }
0x33e: {  	v51 =	vor.u32 $0x1A, v6;
	v14 =	vmov @p2 v17;
	v12 =	vld.idx.msk @p0 [tilespmem:v12+s14+$0x0], $0xffff;
	[tilespmem:s5+$0x3080] =	vst @p1 v13  }
0x33f: {  	v17 =	vor.u32 @p2 $0x1B, v14;
	[tilespmem:s0+$0x3080] =	vst @p1 v16;
	v10 =	vld.idx.msk @p1 [tilespmem:v10+s14+$0x0], $0xffff  }
0x340: {  	[tilespmem:s1+$0x3100] =	vst @p2 v11;
	v11 =	vor.u32 @p1 $0x1B, v1;
	v16 =	vld.idx.msk @p1 [tilespmem:v18+s14+$0x0], $0xffff  }
0x341: {  	v18 =	vor.u32 @p1 $0x1B, v2;
	v3 =	vld.idx.msk @p2 [tilespmem:v3+s14+$0x0], $0xffff;
	[tilespmem:s26+$0x3080] =	vst v9  }
0x342: {  	[tilespmem:s29+$0x3080] =	vst v8;
	v7 =	vld.idx.msk [tilespmem:v50+s14+$0x0], $0xffff  }
0x343: {  	v52 =	vor.u32 $0x1B, v5;
	[tilespmem:s28+$0x3100] =	vst @p2 v4;
	v8 =	vld.idx.msk [tilespmem:v51+s14+$0x0], $0xffff  }
0x344: {  	v53 =	vor.u32 $0x1B, v6;
	v9 =	vld.idx.msk @p2 [tilespmem:v17+s14+$0x0], $0xffff;
	[tilespmem:s5+$0x3100] =	vst @p1 v10  }
0x345: {  	v14 =	vpsel p2, v14, v0;
	v13 =	vor.u32 @p2 $0x1C, v15;
	[tilespmem:s0+$0x3100] =	vst @p1 v16;
	v11 =	vld.idx.msk @p1 [tilespmem:v11+s14+$0x0], $0xffff  }
0x346: {  	[tilespmem:s25+$0x3380] =	vst @p0 v12;
	v12 =	vor.u32 @p2 $0x1C, v14;
	v16 =	vld.idx.msk @p1 [tilespmem:v18+s14+$0x0], $0xffff  }
0x347: {  	v2 =	vpsel p1, v2, v0;
	v17 =	vor.u32 @p1 $0x1C, v1;
	[tilespmem:s26+$0x3100] =	vst v7  }
0x348: {  	s2 =	smov.u32 @p2 s28;
	v7 =	vor.u32 @p1 $0x1C, v2;
	[tilespmem:s29+$0x3100] =	vst v8;
	v4 =	vld.idx.msk [tilespmem:v52+s14+$0x0], $0xffff  }
0x349: {  	v54 =	vor.u32 $0x1C, v5;
	s10 =	smov.u32 @p2 s2;
	[tilespmem:s1+$0x3180] =	vst @p2 v3;
	v3 =	vpsel p2, v9, v0;
	v55 =	vld.idx.msk [tilespmem:v53+s14+$0x0], $0xffff  }
0x34a: {  	v10 =	vld.idx.msk @p2 [tilespmem:v13+s14+$0x0], $0xffff;
	[tilespmem:s10+$0x3180] =	vst @p2 v3;
	v3 =	vor.u32 $0x1C, v6  }
0x34b: {  	s0 =	smov.u32 @p1 s0;
	v13 =	vor.u32 @p2 $0x1D, v15;
	[tilespmem:s5+$0x3180] =	vst @p1 v11;
	v11 =	vpsel p1, v16, v0;
	v12 =	vld.idx.msk @p2 [tilespmem:v12+s14+$0x0], $0xffff  }
0x34c: {  	v16 =	vor.u32 @p2 $0x1D, v14;
	v17 =	vld.idx.msk @p1 [tilespmem:v17+s14+$0x0], $0xffff;
	[tilespmem:s0+$0x3180] =	vst @p1 v11  }
0x34d: {  	v11 =	vor.u32 @p1 $0x1D, v1;
	v7 =	vld.idx.msk @p1 [tilespmem:v7+s14+$0x0], $0xffff;
	[tilespmem:s26+$0x3180] =	vst v4  }
0x34e: {  	v4 =	vor.u32 @p1 $0x1D, v2;
	[tilespmem:s29+$0x3180] =	vst v55;
	v8 =	vld.idx.msk [tilespmem:v54+s14+$0x0], $0xffff  }
0x34f: {  	v56 =	vor.u32 $0x1D, v5;
	[tilespmem:s1+$0x3200] =	vst @p2 v10;
	v3 =	vld.idx.msk [tilespmem:v3+s14+$0x0], $0xffff  }
0x350: {  	v57 =	vor.u32 $0x1D, v6;
	v10 =	vld.idx.msk @p2 [tilespmem:v13+s14+$0x0], $0xffff;
	[tilespmem:s10+$0x3200] =	vst @p2 v12  }
0x351: {  	v13 =	vor.u32 @p2 $0x1E, v15;
	[tilespmem:s5+$0x3200] =	vst @p1 v17;
	v16 =	vld.idx.msk @p2 [tilespmem:v16+s14+$0x0], $0xffff  }
0x352: {  	v17 =	vor.u32 @p2 $0x1E, v14;
	v11 =	vld.idx.msk @p1 [tilespmem:v11+s14+$0x0], $0xffff;
	[tilespmem:s0+$0x3200] =	vst @p1 v7  }
0x353: {  	v7 =	vor.u32 @p1 $0x1E, v1;
	v4 =	vld.idx.msk @p1 [tilespmem:v4+s14+$0x0], $0xffff;
	[tilespmem:s26+$0x3200] =	vst v8  }
0x354: {  	v8 =	vor.u32 @p1 $0x1E, v2;
	[tilespmem:s29+$0x3200] =	vst v3;
	v9 =	vld.idx.msk [tilespmem:v56+s14+$0x0], $0xffff  }
0x355: {  	[tilespmem:s1+$0x3280] =	vst @p2 v10;
	v3 =	vor.u32 $0x1E, v5;
	v58 =	vld.idx.msk [tilespmem:v57+s14+$0x0], $0xffff  }
0x356: {  	v59 =	vor.u32 $0x1E, v6;
	v12 =	vld.idx.msk @p2 [tilespmem:v13+s14+$0x0], $0xffff;
	v13 =	vor.u32 @p2 $0x1F, v15;
	[tilespmem:s10+$0x3280] =	vst @p2 v16  }
0x357: {  	v13 =	vpsel p2, v13, v0;
	[tilespmem:s5+$0x3280] =	vst @p1 v11;
	v16 =	vld.idx.msk @p2 [tilespmem:v17+s14+$0x0], $0xffff  }
0x358: {  	v1 =	vor.u32 @p1 $0x1F, v1;
	v11 =	vor.u32 @p2 $0x1F, v14;
	v7 =	vld.idx.msk @p1 [tilespmem:v7+s14+$0x0], $0xffff;
	[tilespmem:s0+$0x3280] =	vst @p1 v4  }
0x359: {  	v1 =	vpsel p1, v1, v0;
	v4 =	vld.idx.msk @p1 [tilespmem:v8+s14+$0x0], $0xffff;
	[tilespmem:s26+$0x3280] =	vst v9  }
0x35a: {  	v2 =	vor.u32 @p1 $0x1F, v2;
	[tilespmem:s29+$0x3280] =	vst v58;
	v3 =	vld.idx.msk [tilespmem:v3+s14+$0x0], $0xffff  }
0x35b: {  	v60 =	vor.u32 $0x1F, v5;
	[tilespmem:s1+$0x3300] =	vst @p2 v12;
	v61 =	vld.idx.msk [tilespmem:v59+s14+$0x0], $0xffff  }
0x35c: {  	v62 =	vor.u32 $0x1F, v6;
	v9 =	vld.idx.msk @p2 [tilespmem:v13+s14+$0x0], $0xffff;
	[tilespmem:s10+$0x3300] =	vst @p2 v16  }
0x35d: {  	v10 =	vld.idx.msk @p2 [tilespmem:v11+s14+$0x0], $0xffff;
	[tilespmem:s5+$0x3300] =	vst @p1 v7  }
0x35e: {  	v1 =	vld.idx.msk @p1 [tilespmem:v1+s14+$0x0], $0xffff;
	[tilespmem:s0+$0x3300] =	vst @p1 v4  }
0x35f: {  	v2 =	vld.idx.msk @p1 [tilespmem:v2+s14+$0x0], $0xffff;
	[tilespmem:s26+$0x3300] =	vst v3  }
0x360: {  	s1 =	smov.u32 @p2 s1;
	[tilespmem:s29+$0x3300] =	vst v61;
	v3 =	vld.idx.msk [tilespmem:v60+s14+$0x0], $0xffff  }
0x361: {  	s24 =	sshll.u32 s23, $0x2;
	[tilespmem:s1+$0x3380] =	vst @p2 v9;
	v63 =	vld.idx.msk [tilespmem:v62+s14+$0x0], $0xffff  }
0x362: {  	s2 =	smov.u32 @p1 s5;
	s1 =	sadd.s32 s6, s24;
	[tilespmem:s10+$0x3380] =	vst @p2 v10  }
0x363: {  	s25 =	sshll.u32 s1, $0x9;
	s1 =	sshll.u32 s1, $0x7;
	[tilespmem:s2+$0x3380] =	vst @p1 v1  }
0x364: {  	s28 =	sand.u32 $0x1FFF0000, s25;
	s1 =	sand.u32 $0x3E00, s1;
	[tilespmem:s0+$0x3380] =	vst @p1 v2  }
0x365: {  	s0 =	sor.u32 s1, s28;
	[tilespmem:s26+$0x3380] =	vst v3  }
0x366: {  	s1 =	sadd.s32 s16, s0;
	[tilespmem:s29+$0x3380] =	vst v63;
	s29 =	simm.s32 $0xB400  }
0x367: {  	[hbm4b:s1+s3] =	stream.linear.scatter [tilespmem:s29], [sflag:$0x3], $0x1000, $0x38;
	[tilespmem:$0xF400] =	vst v63  }
0x368: {  	_ =	swait.ge [sflag:s11], $0x1000  }
0x369: {  	[sflag:s11] =	ssyncset.done $0x0  }
0x36a: {  	s30 =	sadd.s32 s0, s7;
	[sflag:s11] =	ssyncadd.s32 $0xFFFFF000  }
0x36b: {  	[hbm4b:s30+s3] =	stream.linear.scatter [tilespmem:s17], [sflag:$0x3], $0x1000, $0x38;
	[tilespmem:$0xF400] =	vst v63  }
0x36c: {  	_ =	swait.ge [sflag:s11], $0x1000  }
0x36d: {  	[sflag:s11] =	ssyncset.done $0x0  }
0x36e: {  	s31 =	sadd.s32 s0, s8;
	[sflag:s11] =	ssyncadd.s32 $0xFFFFF000  }
0x36f: {  	[hbm4b:s31+s3] =	stream.linear.scatter [tilespmem:s18], [sflag:$0x3], $0x1000, $0x38;
	[tilespmem:$0xF400] =	vst v63  }
0x370: {  	_ =	swait.ge [sflag:s11], $0x1000  }
0x371: {  	s22 =	sadd.s32 $0x1, s22;
	[sflag:s11] =	ssyncset.done $0x0  }
0x372: {  	p0 =	sne.s32 s22, $0xD;
	s0 =	sadd.s32 s0, s9;
	[sflag:s11] =	ssyncadd.s32 $0xFFFFF000  }
0x373: {  	[hbm4b:s0+s3] =	stream.linear.scatter [tilespmem:s19], [sflag:$0x3], $0x1000, $0x38;
	[tilespmem:$0xF400] =	vst v63  }
.Ltmp12:
0x374: {  	_ = 	snop;
	(pc) =	sbr.rel @p0 .LBB2_2-.Ltmp12, $4  }
.Ltmp13:
0x375: {  	_ = 	snop;
	(pc) =	sbr.rel @!p0 .LBB2_23-.Ltmp13, $4  }
0x376: {  	_ =	swait.ge [sflag:s11], $0x1000  }
0x377: {  	[sflag:s11] =	ssyncset.done $0x0  }
0x378: {  	[sflag:s11] =	ssyncadd.s32 $0xFFFFF000  }
0x379: {  	_ = 	snop  }
.LBB2_3:
.Ltmp14:
0x37a: {  	(pc) =	sbr.rel .LBB2_12-.Ltmp14, $2  }
0x37b: {  	_ =	sdelay $0x2  }
0x37c: {  	s5 =	smov.u32 s12;
	v35 =	vmovc v4;
	s30 =	smov.u32 s0;
	v34 =	vmov v3;
	v12 =	vmov v1;
	v13 =	vmov v2;
	p4 =	por $0x0, $0x0  }
.LBB2_13:
.Ltmp15:
0x37d: {  	(pc) =	sbr.rel .LBB2_22-.Ltmp15, $3  }
0x37e: {  	_ =	sdelay $0x1  }
0x37f: {  	s26 =	smov.u32 s12  }
0x380: {  	s29 =	smov.u32 s0;
	v5 =	vmov v1;
	v6 =	vmov v2;
	p1 =	por $0x0, $0x0;
	p2 =	por $0x0, $0x0  }
.LBB2_5:
.Ltmp16:
0x381: {  	(pc) =	sbr.rel .LBB2_12-.Ltmp16, $3  }
0x382: {  	_ =	sdelay $0x1  }
0x383: {  	s30 =	smov.u32 s28;
	s21 =	smov.u32 s12  }
0x384: {  	v33 =	vmovc v2;
	s5 =	smov.u32 s29;
	v28 =	vmov v1;
	s31 =	smov.u32 s0;
	v12 =	vmov v16;
	v13 =	vmov v11;
	p4 =	por $0x0, $0x0  }
.LBB2_15:
.Ltmp17:
0x385: {  	(pc) =	sbr.rel .LBB2_22-.Ltmp17, $3  }
0x386: {  	_ =	sdelay $0x1  }
0x387: {  	s5 =	smov.u32 s12  }
0x388: {  	v28 =	vmov v2;
	s29 =	smov.u32 s28;
	v21 =	vmov v1;
	s30 =	smov.u32 s0;
	p2 =	por $0x0, $0x0  }
.LBB2_7:
.Ltmp18:
0x389: {  	_ = 	snop;
	(pc) =	sbr.rel .LBB2_12-.Ltmp18, $3  }
0x38a: {  	_ =	sdelay $0x1  }
0x38b: {  	s30 =	smov.u32 s31;
	v33 =	vmov v11;
	s31 =	smov.u32 s28;
	v23 =	vmov v14;
	s10 =	smov.u32 s12  }
0x38c: {  	s21 =	smov.u32 s29;
	v25 =	vmovc v17;
	v11 =	vmovc v2;
	v21 =	vmov v1;
	v28 =	vmov v16;
	s28 =	smov.u32 s0;
	p4 =	por $0x0, $0x0;
	v27 =	vmov v15  }
.LBB2_17:
.Ltmp19:
0x38d: {  	_ = 	snop;
	(pc) =	sbr.rel .LBB2_22-.Ltmp19, $3  }
0x38e: {  	_ =	sdelay $0x1  }
0x38f: {  	s29 =	smov.u32 s30;
	v28 =	vmovc v6;
	s5 =	smov.u32 s26;
	v21 =	vmov v5;
	s30 =	smov.u32 s28;
	v18 =	vmov v7;
	v20 =	vmov v9  }
0x390: {  	s1 =	smov.u32 s12;
	v17 =	vmovc v2;
	s26 =	smov.u32 s24;
	v15 =	vmovc v1;
	v5 =	vmov v10;
	s28 =	smov.u32 s0;
	v6 =	vmov v11;
	v23 =	vmov v8  }
.LBB2_9:
.Ltmp20:
0x391: {  	(pc) =	sbr.rel .LBB2_12-.Ltmp20, $3  }
0x392: {  	_ =	sdelay $0x1  }
0x393: {  	v33 =	vmov v13;
	s21 =	smov.u32 s5;
	s10 =	smov.u32 s29  }
0x394: {  	v28 =	vmovc v12;
	s5 =	smov.u32 s25;
	v21 =	vmovc v16;
	v12 =	vmov v22;
	v13 =	vmov v19;
	s1 =	smov.u32 s12;
	v18 =	vmov v2;
	s24 =	smov.u32 s0  }
.LBB2_19:
.Ltmp21:
0x395: {  	(pc) =	sbr.rel .LBB2_22-.Ltmp21, $3  }
0x396: {  	_ =	sdelay $0x1  }
0x397: {  	s1 =	smov.u32 s26;
	v17 =	vmov v6;
	v15 =	vmov v5;
	s5 =	smov.u32 s24  }
0x398: {  	v28 =	vmovc v11;
	s26 =	smov.u32 s21;
	v21 =	vmovc v10;
	v5 =	vmov v16;
	v6 =	vmov v13;
	s31 =	smov.u32 s12;
	v12 =	vmov v2;
	s25 =	smov.u32 s0  }
.LBB2_24:
0x399: {  	_ =	sfence.sel $0x180000  }
0x39a: {  	[bflag:$0x0] =	sbarrier.arrive $0xFFFF  }
0x39b: {  	_ =	strace $0x90000047  }
0x39c: {  	s0 =	stileid.u32;
	[bflag:$0x2] =	sbarrier.arrive $0xFFFF  }
0x39d: {  	p0 =	sne.s32 s0, $0x0;
	s0 =	rddreg [dreg:$0x2]  }
0x39e: {  	s0 =	sadd.s32 @!p0 $0x100000, s0  }
0x39f: {  	[sflag:s0] =	ssyncadd.tile.s32 @!p0 $0x1;
	_ =	shalt  }
.Lfunc_end2:
_tile_overlayer_lowered:
.L_overlay_start_2:
0x3a0: {  	(tag) =	ssettag $0x2  }
0x3a1: {  	s0 =	rddreg [dreg:$0x0];
	s2 =	stileid.u32  }
0x3a2: {  	s1 =	rddreg [dreg:$0x1];
	p0 =	sne.s32 s2, $0x0  }
0x3a3: {  	s3 =	rddreg [dreg:$0x2];
	[bflag:$0x3] =	sbarrier.arrive $0xFFFF;
	s2 =	simm.s32 @!p0 $0x1C03  }
0x3a4: {  	[timem:s3], [sflag:s2] =	dma.local @!p0 [hbm:s0], s1  }
0x3a5: {  	s0 =	simm.s32 @!p0 $0x3  }
0x3a6: {  	_ =	swait.ge @!p0 [sflag:s0], s1  }
0x3a7: {  	s1 =	ssub.s32 @!p0 $0x0, s1;
	[sflag:s0] =	ssyncset.done @!p0 $0x0  }
0x3a8: {  	[sflag:s0] =	ssyncadd.s32 @!p0 s1  }
0x3a9: {  	[bflag:$0x3] =	sbarrier.arrive $0xFFFF  }
0x3aa: {  	_ =	shalt  }

</sc_bundles>
